<compile_context>
chip_gen: v7x
topology: tpu7x:2x2x1
jax: 0.10.2.dev20260603
libtpu: 0.0.44.dev20260713+nightly
codegen_flags: <defaults>
</compile_context>

<pallas_src>
import functools

import jax
import jax.numpy as jnp
from jax import lax
from jax.experimental import pallas as pl
from jax.experimental.pallas import tpu as pltpu
from jax.experimental.pallas import tpu_sc as plsc

D = 128
NC = 2
NS = 16
CHUNK = 128
NCHAIN = 2
NSLOT = 2 * NCHAIN
SPLIT0 = 0.5


def _sc_mesh():
    return plsc.VectorSubcoreMesh(
        core_axis_name="c", subcore_axis_name="s", num_cores=NC, num_subcores=NS
    )


def _deg_body(n_pad, n_chunks, edges_hbm, deg_hbm, deg_sh, idx_v, ones_v, zbuf):
    c = lax.axis_index("c")
    s = lax.axis_index("s")
    rows = n_pad // NS
    base = s * rows

    ones16 = jnp.full((16,), 1.0, jnp.float32)
    zero16 = jnp.zeros((16,), jnp.float32)

    def fill_ones(i, _):
        ones_v[i, :] = ones16
        return 0

    lax.fori_loop(0, CHUNK, fill_ones, 0)

    def fill_zero(i, _):
        zbuf[i, :] = zero16
        return 0

    lax.fori_loop(0, rows, fill_zero, 0)

    pltpu.sync_copy(zbuf, deg_sh.at[pl.ds(base, rows)])
    plsc.subcore_barrier()

    pltpu.sync_copy(edges_hbm.at[c, s, pl.ds(0, idx_v.shape[0]), pl.ds(1, 1)],
                    idx_v)

    def chunk(g, _):
        pltpu.sync_copy(ones_v, deg_sh.at[idx_v.at[g, 0]], add=True)
        return 0

    lax.fori_loop(0, n_chunks, chunk, 0)
    plsc.subcore_barrier()

    pltpu.sync_copy(deg_sh.at[pl.ds(base, rows)], deg_hbm.at[c, pl.ds(base, rows)])


def _sc_deg(edges5, n_pad):
    n_chunks = edges5.shape[2]
    rows = n_pad // NS
    body = functools.partial(_deg_body, n_pad, n_chunks)
    return pl.kernel(
        body,
        out_type=jax.ShapeDtypeStruct((NC, n_pad, 16), jnp.float32),
        mesh=_sc_mesh(),
        scratch_types=[
            pltpu.VMEM_SHARED((n_pad, 16), jnp.float32),
            pltpu.VMEM((n_chunks, 1, CHUNK), jnp.int32),
            pltpu.VMEM((CHUNK, 16), jnp.float32),
            pltpu.VMEM((rows, 16), jnp.float32),
        ],
    )(edges5)


def _h_body(x_ref, w_ref, d0_ref, d1_ref, h_ref):
    deg = d0_ref[:, 0:1] + d1_ref[:, 0:1] + 1.0
    dinv = lax.rsqrt(deg)
    h = jnp.dot(
        x_ref[...],
        w_ref[...],
        preferred_element_type=jnp.float32,
        precision=lax.Precision.HIGHEST,
    )
    h_ref[...] = h * dinv


def _tc_h(x_pad, w, deg0, deg1, n_pad, bn=1024):
    return pl.pallas_call(
        _h_body,
        grid=(n_pad // bn,),
        in_specs=[
            pl.BlockSpec((bn, D), lambda i: (i, 0)),
            pl.BlockSpec((D, D), lambda i: (0, 0)),
            pl.BlockSpec((bn, 16), lambda i: (i, 0)),
            pl.BlockSpec((bn, 16), lambda i: (i, 0)),
        ],
        out_specs=pl.BlockSpec((bn, D), lambda i: (i, 0)),
        out_shape=jax.ShapeDtypeStruct((n_pad, D), jnp.float32),
    )(x_pad, w, deg0, deg1)


def _main_body(n_pad, nch0, nch1, edges_hbm, h_hbm, part_hbm,
               out_sh, eg, bufs, gsems, isems, ssems):
    c = lax.axis_index("c")
    s = lax.axis_index("s")
    n_chunks = nch0 + (nch1 - nch0) * c
    rows = n_pad // NS
    base = s * rows
    edges = edges_hbm.at[c, s]

    zero16 = jnp.zeros((16,), jnp.float32)

    def fill_zero(i, _):
        def inner(j, _):
            bufs[0][i, pl.ds(j * 16, 16)] = zero16
            return 0

        lax.fori_loop(0, D // 16, inner, 0)
        return 0

    lax.fori_loop(0, CHUNK, fill_zero, 0)

    for r in range(rows // CHUNK):
        pltpu.sync_copy(bufs[0], out_sh.at[pl.ds(base + r * CHUNK, CHUNK)])
    plsc.subcore_barrier()

    def start_idx(k, q):
        pltpu.async_copy(edges.at[pl.ds(k, 1)], eg.at[pl.ds(q, 1)], isems[q])

    def wait_idx(q):
        pltpu.make_async_copy(edges.at[pl.ds(0, 1)], eg.at[pl.ds(q, 1)],
                              isems[q]).wait()

    def launch(q, p):
        pltpu.async_copy(h_hbm.at[eg.at[q, 0]], bufs[p], gsems[p])

    def wait_gather(q, p):
        pltpu.make_async_copy(h_hbm.at[eg.at[q, 0]], bufs[p], gsems[p]).wait()

    def scatter(q, p):
        pltpu.async_copy(bufs[p], out_sh.at[eg.at[q, 1]], ssems[p], add=True)

    def wait_scatter(q, p):
        pltpu.make_async_copy(bufs[p], out_sh.at[eg.at[q, 1]], ssems[p]).wait()

    for q in range(NSLOT):
        start_idx(q, q)
    for q in range(NCHAIN):
        wait_idx(q)
        launch(q, q)

    def group(kg, q0):
        for t in range(NCHAIN):
            wait_gather(q0 + t, t)
            scatter(q0 + t, t)
        for t in range(NCHAIN):
            kt = kg + t
            wait_scatter(q0 + t, t)

            @pl.when(kt + NCHAIN < n_chunks)
            def _():
                wait_idx((q0 + t + NCHAIN) % NSLOT)
                launch((q0 + t + NCHAIN) % NSLOT, t)

            @pl.when(kt + NSLOT < n_chunks)
            def _():
                start_idx(kt + NSLOT, q0 + t)

    def super_group(j, _):
        kg = j * NSLOT
        group(kg, 0)
        group(kg + NCHAIN, NCHAIN)
        return 0

    lax.fori_loop(0, n_chunks // NSLOT, super_group, 0)
    plsc.subcore_barrier()

    for r in range(rows // CHUNK):
        p = r % NCHAIN
        pltpu.sync_copy(out_sh.at[pl.ds(base + r * CHUNK, CHUNK)], bufs[p])
        pltpu.sync_copy(bufs[p], part_hbm.at[c, pl.ds(base + r * CHUNK, CHUNK)])


def _sc_main(edges5, hprime, n_pad, nch0, nch1):
    n_chunks = edges5.shape[2]
    body = functools.partial(_main_body, n_pad, nch0, nch1)
    return pl.kernel(
        body,
        out_type=jax.ShapeDtypeStruct((NC, n_pad, D), jnp.float32),
        mesh=_sc_mesh(),
        scratch_types=[
            pltpu.VMEM_SHARED((n_pad, D), jnp.float32),
            pltpu.VMEM((NSLOT, 2, CHUNK), jnp.int32),
            [pltpu.VMEM((CHUNK, D), jnp.float32) for _ in range(NCHAIN)],
            [pltpu.SemaphoreType.DMA for _ in range(NCHAIN)],
            [pltpu.SemaphoreType.DMA for _ in range(NSLOT)],
            [pltpu.SemaphoreType.DMA for _ in range(NCHAIN)],
        ],
    )(edges5, hprime)


def _final_body(p_ref, h_ref, d0_ref, d1_ref, b_ref, pw_ref, o_ref):
    deg = d0_ref[:, 0:1] + d1_ref[:, 0:1] + 1.0
    dinv = lax.rsqrt(deg)
    acc = (p_ref[0] + p_ref[1] + h_ref[...]) * dinv + b_ref[...]
    pw = pw_ref[0, 0]
    o_ref[...] = jnp.where(acc >= 0, acc, pw * acc)


def _tc_final(parts, hprime, deg0, deg1, b2, pw2, n_pad, bn=1024):
    return pl.pallas_call(
        _final_body,
        grid=(n_pad // bn,),
        in_specs=[
            pl.BlockSpec((NC, bn, D), lambda i: (0, i, 0)),
            pl.BlockSpec((bn, D), lambda i: (i, 0)),
            pl.BlockSpec((bn, 16), lambda i: (i, 0)),
            pl.BlockSpec((bn, 16), lambda i: (i, 0)),
            pl.BlockSpec((1, D), lambda i: (0, 0)),
            pl.BlockSpec((1, 1), lambda i: (0, 0)),
        ],
        out_specs=pl.BlockSpec((bn, D), lambda i: (i, 0)),
        out_shape=jax.ShapeDtypeStruct((n_pad, D), jnp.float32),
    )(parts, hprime, deg0, deg1, b2, pw2)


def kernel(x, edge_index, W, b, prelu_weight):
    n = x.shape[0]
    e = edge_index.shape[1]
    tile_quant = NS * CHUNK
    n_pad = ((n + 1 + tile_quant - 1) // tile_quant) * tile_quant
    tile_chunk = NS * CHUNK
    total_chunks = -(-e // tile_chunk)
    total_chunks = -(-total_chunks // (2 * NSLOT)) * (2 * NSLOT)
    nch0 = max(NSLOT, int(round(SPLIT0 * total_chunks / NSLOT)) * NSLOT)
    nch1 = total_chunks - nch0
    nch = max(nch0, nch1)
    e_pad = total_chunks * tile_chunk

    src = edge_index[0].astype(jnp.int32)
    dst = edge_index[1].astype(jnp.int32)
    pad = jnp.full((e_pad - e,), n, jnp.int32)

    def per_core(flat):
        c0 = flat[: nch0 * tile_chunk].reshape(NS, nch0, 1, CHUNK)
        c1 = flat[nch0 * tile_chunk:].reshape(NS, nch1, 1, CHUNK)
        c0 = jnp.pad(c0, ((0, 0), (0, nch - nch0), (0, 0), (0, 0)),
                     constant_values=n)
        c1 = jnp.pad(c1, ((0, 0), (0, nch - nch1), (0, 0), (0, 0)),
                     constant_values=n)
        return jnp.stack([c0, c1])

    src5 = per_core(jnp.concatenate([src, pad]))
    dst5 = per_core(jnp.concatenate([dst, pad]))
    edges5 = jnp.concatenate([src5, dst5], axis=3)
    x_pad = jnp.pad(x, ((0, n_pad - n), (0, 0)))

    deg = _sc_deg(edges5, n_pad)
    hprime = _tc_h(x_pad, W, deg[0], deg[1], n_pad)
    parts = _sc_main(edges5, hprime, n_pad, nch0, nch1)
    out_pad = _tc_final(
        parts, hprime, deg[0], deg[1],
        b.reshape(1, D), prelu_weight.reshape(1, 1).astype(jnp.float32), n_pad,
    )
    return out_pad[:n]

# --- scband reference (transcript-rebuilt; emitter-appended) ---
"""Pipeline reference for scband-gnnplus-act-26121991094549 (READ-ONLY COPY).

The authoritative reference and input builder live on the scoring server;
editing this copy changes nothing except your own understanding.
"""

import jax, jax.numpy as jnp
import numpy as np

N_NODES = 10000
N_EDGES = 320000
D_IN = 128
D_OUT = 128

def setup_inputs(seed: int = 0) -> dict:
    key = jax.random.key(seed)
    k1, k2, k3, k4 = jax.random.split(key, 4)
    x = jax.random.normal(k1, (N_NODES, D_IN), dtype=jnp.float32)
    edge_index = jax.random.randint(k2, (2, N_EDGES), 0, N_NODES, dtype=jnp.int64)
    # GCNConv linear weight (glorot init) and bias (zeros in PyG reset_parameters)
    limit = float(np.sqrt(6.0 / (D_IN + D_OUT)))
    W = jax.random.uniform(k3, (D_IN, D_OUT), minval=-limit, maxval=limit, dtype=jnp.float32)
    b = jnp.zeros((D_OUT,), dtype=jnp.float32)
    # PReLU single learned slope, PyTorch default init 0.25
    prelu_weight = jnp.full((1,), 0.25, dtype=jnp.float32)
    return {"x": x, "edge_index": edge_index, "W": W, "b": b, "prelu_weight": prelu_weight}

def reference(x, edge_index, W, b, prelu_weight):
    N = x.shape[0]
    src = edge_index[0]
    dst = edge_index[1]
    # add self loops (PyG GCNConv default add_self_loops=True)
    loop = jnp.arange(N, dtype=src.dtype)
    src_sl = jnp.concatenate([src, loop])
    dst_sl = jnp.concatenate([dst, loop])
    # symmetric normalization D^{-1/2} (A+I) D^{-1/2}
    ones = jnp.ones((src_sl.shape[0],), dtype=jnp.float32)
    deg = jax.ops.segment_sum(ones, dst_sl, num_segments=N)
    deg_inv_sqrt = jnp.where(deg > 0, jax.lax.rsqrt(deg), 0.0)
    norm = deg_inv_sqrt[src_sl] * deg_inv_sqrt[dst_sl]
    # linear transform then propagate
    h = x @ W
    msg = jnp.take(h, src_sl, axis=0) * norm[:, None]
    out = jax.ops.segment_sum(msg, dst_sl, num_segments=N)
    out = out + b
    # PReLU activation
    out = jnp.where(out >= 0, out, prelu_weight * out)
    return out

if __name__ == "__main__":
    import jax
    _d = setup_inputs()
    print(jax.jit(kernel)(*tuple(_d.values())))

</pallas_src>

<mosaic_0001>
#map = affine_map<(d0, d1) -> (0, 0, 0, 0, 0)>
#map1 = affine_map<(d0, d1) -> (0, 0, 0)>
module attributes {stable_mosaic.version = 14 : i64} {
  func.func @_deg_body(%arg0: i32, %arg1: i32, %arg2: memref<2x16x80x2x128xi32, #tpu.memory_space<hbm>>, %arg3: memref<2x10240x16xf32, #tpu.memory_space<hbm>>, %arg4: memref<10240x16xf32, #tpu.memory_space<vmem_shared>>, %arg5: memref<80x1x128xi32, #tpu.memory_space<vmem>>, %arg6: memref<128x16xf32, #tpu.memory_space<vmem>>, %arg7: memref<640x16xf32, #tpu.memory_space<vmem>>) attributes {dimension_semantics = [#tpu.dimension_semantics<core_parallel>, #tpu.dimension_semantics<subcore_parallel>], iteration_bounds = array<i64: 2, 16>, scalar_prefetch = 0 : i64, scratch_operands = 4 : i64, tpu.core_type = #tpu.core_type<sc_vector_subcore>, window_params = [{transform_indices = #map}, {transform_indices = #map1}]} {
    %mul3A = arith.constant 640 : i32
    %mul3A_0 = arith.muli %arg1, %mul3A : i32
    %broadcast_in_dim3A = arith.constant 1.000000e+00 : f32
    %broadcast_in_dim3A_1 = vector.broadcast %broadcast_in_dim3A : f32 to vector<16xf32>
    %broadcast_in_dim3A_2 = arith.constant 0.000000e+00 : f32
    %broadcast_in_dim3A_3 = vector.broadcast %broadcast_in_dim3A_2 : f32 to vector<16xf32>
    %scan3A = arith.constant 0 : i32
    %scan3A_4 = arith.constant 0 : i32
    %scan3A_5 = arith.constant 128 : i32
    %scan3A_6 = arith.addi %scan3A_4, %scan3A_5 : i32
    %scan3A_7 = arith.constant 1 : i32
    %scan3A_8 = scf.for %scan3A_25 = %scan3A_4 to %scan3A_6 step %scan3A_7 iter_args(%scan3A_26 = %scan3A) -> (i32)  : i32 {
      %swap3A = arith.index_cast %scan3A_25 : i32 to index
      %swap3A_27 = arith.constant 0 : index
      %swap3A_28 = tpu.vector_load %arg6[%swap3A, %swap3A_27] {strides = array<i32>} : memref<128x16xf32, #tpu.memory_space<vmem>>, vector<1x16xf32>,
      %swap3A_29 = vector.shape_cast %swap3A_28 : vector<1x16xf32> to vector<16xf32>
      %swap3A_30 = vector.shape_cast %broadcast_in_dim3A_1 : vector<16xf32> to vector<1x16xf32>
      tpu.vector_store %arg6[%swap3A, %swap3A_27], %swap3A_30 {strides = array<i32>} : memref<128x16xf32, #tpu.memory_space<vmem>>, vector<1x16xf32>,
      %scan3A_31 = arith.constant 0 : i32
      scf.yield %scan3A_31 : i32
    }
    %scan3A_9 = arith.constant 128 : i32
    %scan3A_10 = arith.constant 0 : i32
    %scan3A_11 = arith.constant 0 : i32
    %scan3A_12 = arith.constant 640 : i32
    %scan3A_13 = arith.addi %scan3A_11, %scan3A_12 : i32
    %scan3A_14 = arith.constant 1 : i32
    %scan3A_15 = scf.for %scan3A_25 = %scan3A_11 to %scan3A_13 step %scan3A_14 iter_args(%scan3A_26 = %scan3A_10) -> (i32)  : i32 {
      %swap3A = arith.index_cast %scan3A_25 : i32 to index
      %swap3A_27 = arith.constant 0 : index
      %swap3A_28 = tpu.vector_load %arg7[%swap3A, %swap3A_27] {strides = array<i32>} : memref<640x16xf32, #tpu.memory_space<vmem>>, vector<1x16xf32>,
      %swap3A_29 = vector.shape_cast %swap3A_28 : vector<1x16xf32> to vector<16xf32>
      %swap3A_30 = vector.shape_cast %broadcast_in_dim3A_3 : vector<16xf32> to vector<1x16xf32>
      tpu.vector_store %arg7[%swap3A, %swap3A_27], %swap3A_30 {strides = array<i32>} : memref<640x16xf32, #tpu.memory_space<vmem>>, vector<1x16xf32>,
      %scan3A_31 = arith.constant 0 : i32
      scf.yield %scan3A_31 : i32
    }
    %scan3A_16 = arith.constant 640 : i32
    "tpu.region"() ({
      %run_scoped3A = tpu.sem_alloc : memref<!tpu.dma_semaphore, #tpu.memory_space<semaphore_mem>>
      %dma_start3A = arith.constant 0 : i32
      %dma_start3A_25 = tpu.memref_slice %arg4[%mul3A_0, %dma_start3A] : memref<10240x16xf32, #tpu.memory_space<vmem_shared>> -> memref<640x16xf32, #tpu.memory_space<vmem_shared>>
      %dma_start3A_26 = arith.constant 0 : i32
      %dma_start3A_27 = tpu.memref_slice %arg4[%mul3A_0, %dma_start3A_26] : memref<10240x16xf32, #tpu.memory_space<vmem_shared>> -> memref<640x16xf32, #tpu.memory_space<vmem_shared>>
      tpu.enqueue_dma source(%arg7 : memref<640x16xf32, #tpu.memory_space<vmem>>) target(%dma_start3A_27 : memref<640x16xf32, #tpu.memory_space<vmem_shared>>) target_semaphore(%run_scoped3A : memref<!tpu.dma_semaphore, #tpu.memory_space<semaphore_mem>>)
      %dma_wait3A = arith.constant 0 : i32
      %dma_wait3A_28 = tpu.memref_slice %arg4[%mul3A_0, %dma_wait3A] : memref<10240x16xf32, #tpu.memory_space<vmem_shared>> -> memref<640x16xf32, #tpu.memory_space<vmem_shared>>
      %dma_wait3A_29 = arith.constant 0 : i32
      %dma_wait3A_30 = tpu.memref_slice %arg4[%mul3A_0, %dma_wait3A_29] : memref<10240x16xf32, #tpu.memory_space<vmem_shared>> -> memref<640x16xf32, #tpu.memory_space<vmem_shared>>
      tpu.wait_dma2 semaphore(%run_scoped3A : memref<!tpu.dma_semaphore, #tpu.memory_space<semaphore_mem>>) src(%arg7 : memref<640x16xf32, #tpu.memory_space<vmem>>) dst(%dma_wait3A_30 : memref<640x16xf32, #tpu.memory_space<vmem_shared>>)
      tpu.yield
    }) : () -> ()
    %barrier3A = arith.constant 0 : index
    tpu.barrier barrier_id(%barrier3A)
    "tpu.region"() ({
      %run_scoped3A = tpu.sem_alloc : memref<!tpu.dma_semaphore, #tpu.memory_space<semaphore_mem>>
      %dma_start3A = arith.constant 0 : i32
      %dma_start3A_25 = arith.constant 1 : i32
      %dma_start3A_26 = arith.constant 0 : i32
      %dma_start3A_27 = tpu.memref_slice %arg2[%arg0, %arg1, %dma_start3A, %dma_start3A_25, %dma_start3A_26] : memref<2x16x80x2x128xi32, #tpu.memory_space<hbm>> -> memref<1x1x80x1x128xi32, #tpu.memory_space<hbm>>
      %dma_start3A_28 = tpu.memref_squeeze %dma_start3A_27 : memref<1x1x80x1x128xi32, #tpu.memory_space<hbm>> -> memref<80x1x128xi32, #tpu.memory_space<hbm>>
      %dma_start3A_29 = arith.constant 0 : i32
      %dma_start3A_30 = arith.constant 1 : i32
      %dma_start3A_31 = arith.constant 0 : i32
      %dma_start3A_32 = tpu.memref_slice %arg2[%arg0, %arg1, %dma_start3A_29, %dma_start3A_30, %dma_start3A_31] : memref<2x16x80x2x128xi32, #tpu.memory_space<hbm>> -> memref<1x1x80x1x128xi32, #tpu.memory_space<hbm>>
      %dma_start3A_33 = tpu.memref_squeeze %dma_start3A_32 : memref<1x1x80x1x128xi32, #tpu.memory_space<hbm>> -> memref<80x1x128xi32, #tpu.memory_space<hbm>>
      tpu.enqueue_dma source(%dma_start3A_33 : memref<80x1x128xi32, #tpu.memory_space<hbm>>) target(%arg5 : memref<80x1x128xi32, #tpu.memory_space<vmem>>) target_semaphore(%run_scoped3A : memref<!tpu.dma_semaphore, #tpu.memory_space<semaphore_mem>>)
      %dma_wait3A = arith.constant 0 : i32
      %dma_wait3A_34 = arith.constant 1 : i32
      %dma_wait3A_35 = arith.constant 0 : i32
      %dma_wait3A_36 = tpu.memref_slice %arg2[%arg0, %arg1, %dma_wait3A, %dma_wait3A_34, %dma_wait3A_35] : memref<2x16x80x2x128xi32, #tpu.memory_space<hbm>> -> memref<1x1x80x1x128xi32, #tpu.memory_space<hbm>>
      %dma_wait3A_37 = tpu.memref_squeeze %dma_wait3A_36 : memref<1x1x80x1x128xi32, #tpu.memory_space<hbm>> -> memref<80x1x128xi32, #tpu.memory_space<hbm>>
      %dma_wait3A_38 = arith.constant 0 : i32
      %dma_wait3A_39 = arith.constant 1 : i32
      %dma_wait3A_40 = arith.constant 0 : i32
      %dma_wait3A_41 = tpu.memref_slice %arg2[%arg0, %arg1, %dma_wait3A_38, %dma_wait3A_39, %dma_wait3A_40] : memref<2x16x80x2x128xi32, #tpu.memory_space<hbm>> -> memref<1x1x80x1x128xi32, #tpu.memory_space<hbm>>
      %dma_wait3A_42 = tpu.memref_squeeze %dma_wait3A_41 : memref<1x1x80x1x128xi32, #tpu.memory_space<hbm>> -> memref<80x1x128xi32, #tpu.memory_space<hbm>>
      tpu.wait_dma2 semaphore(%run_scoped3A : memref<!tpu.dma_semaphore, #tpu.memory_space<semaphore_mem>>) src(%dma_wait3A_42 : memref<80x1x128xi32, #tpu.memory_space<hbm>>) dst(%arg5 : memref<80x1x128xi32, #tpu.memory_space<vmem>>)
      tpu.yield
    }) : () -> ()
    %scan3A_17 = arith.constant 0 : i32
    %scan3A_18 = arith.constant 0 : i32
    %scan3A_19 = arith.constant 80 : i32
    %scan3A_20 = arith.addi %scan3A_18, %scan3A_19 : i32
    %scan3A_21 = arith.constant 1 : i32
    %scan3A_22 = scf.for %scan3A_25 = %scan3A_18 to %scan3A_20 step %scan3A_21 iter_args(%scan3A_26 = %scan3A_17) -> (i32)  : i32 {
      %run_scoped3A = arith.constant 0 : i32
      "tpu.region"() ({
        %run_scoped3A_28 = tpu.sem_alloc : memref<!tpu.dma_semaphore, #tpu.memory_space<semaphore_mem>>
        %dma_start3A = arith.constant 0 : i32
        %dma_start3A_29 = tpu.memref_slice %arg5[%scan3A_25, %run_scoped3A, %dma_start3A] : memref<80x1x128xi32, #tpu.memory_space<vmem>> -> memref<1x1x128xi32, #tpu.memory_space<vmem>>
        %dma_start3A_30 = tpu.memref_squeeze %dma_start3A_29 : memref<1x1x128xi32, #tpu.memory_space<vmem>> -> memref<128xi32, #tpu.memory_space<vmem>>
        %dma_start3A_31 = arith.constant 0 : i32
        %dma_start3A_32 = arith.constant 0 : i32
        %dma_start3A_33 = tpu.memref_slice %arg4[%dma_start3A_31, %dma_start3A_32] : memref<10240x16xf32, #tpu.memory_space<vmem_shared>> -> memref<10240x16xf32, #tpu.memory_space<vmem_shared>>
        tpu.enqueue_indirect_dma source(%arg6 : memref<128x16xf32, #tpu.memory_space<vmem>>) target(%dma_start3A_33 : memref<10240x16xf32, #tpu.memory_space<vmem_shared>>) offsets(%dma_start3A_30 : memref<128xi32, #tpu.memory_space<vmem>>) semaphore(%run_scoped3A_28 : memref<!tpu.dma_semaphore, #tpu.memory_space<semaphore_mem>>) {add = true}
        %dma_wait3A = arith.constant 0 : i32
        %dma_wait3A_34 = tpu.memref_slice %arg5[%scan3A_25, %run_scoped3A, %dma_wait3A] : memref<80x1x128xi32, #tpu.memory_space<vmem>> -> memref<1x1x128xi32, #tpu.memory_space<vmem>>
        %dma_wait3A_35 = tpu.memref_squeeze %dma_wait3A_34 : memref<1x1x128xi32, #tpu.memory_space<vmem>> -> memref<128xi32, #tpu.memory_space<vmem>>
        %dma_wait3A_36 = arith.constant 0 : i32
        %dma_wait3A_37 = arith.constant 0 : i32
        %dma_wait3A_38 = tpu.memref_slice %arg4[%dma_wait3A_36, %dma_wait3A_37] : memref<10240x16xf32, #tpu.memory_space<vmem_shared>> -> memref<10240x16xf32, #tpu.memory_space<vmem_shared>>
        tpu.wait_indirect_dma semaphore(%run_scoped3A_28 : memref<!tpu.dma_semaphore, #tpu.memory_space<semaphore_mem>>) src(%arg6 : memref<128x16xf32, #tpu.memory_space<vmem>>) dst(%dma_wait3A_38 : memref<10240x16xf32, #tpu.memory_space<vmem_shared>>)
        tpu.yield
      }) : () -> ()
      %scan3A_27 = arith.constant 0 : i32
      scf.yield %scan3A_27 : i32
    }
    %scan3A_23 = arith.constant 80 : i32
    %barrier3A_24 = arith.constant 0 : index
    tpu.barrier barrier_id(%barrier3A_24)
    "tpu.region"() ({
      %run_scoped3A = tpu.sem_alloc : memref<!tpu.dma_semaphore, #tpu.memory_space<semaphore_mem>>
      %dma_start3A = arith.constant 0 : i32
      %dma_start3A_25 = tpu.memref_slice %arg3[%arg0, %mul3A_0, %dma_start3A] : memref<2x10240x16xf32, #tpu.memory_space<hbm>> -> memref<1x640x16xf32, #tpu.memory_space<hbm>>
      %dma_start3A_26 = tpu.memref_squeeze %dma_start3A_25 : memref<1x640x16xf32, #tpu.memory_space<hbm>> -> memref<640x16xf32, #tpu.memory_space<hbm>>
      %dma_start3A_27 = arith.constant 0 : i32
      %dma_start3A_28 = tpu.memref_slice %arg4[%mul3A_0, %dma_start3A_27] : memref<10240x16xf32, #tpu.memory_space<vmem_shared>> -> memref<640x16xf32, #tpu.memory_space<vmem_shared>>
      tpu.enqueue_dma source(%dma_start3A_28 : memref<640x16xf32, #tpu.memory_space<vmem_shared>>) target(%dma_start3A_26 : memref<640x16xf32, #tpu.memory_space<hbm>>) target_semaphore(%run_scoped3A : memref<!tpu.dma_semaphore, #tpu.memory_space<semaphore_mem>>)
      %dma_wait3A = arith.constant 0 : i32
      %dma_wait3A_29 = tpu.memref_slice %arg3[%arg0, %mul3A_0, %dma_wait3A] : memref<2x10240x16xf32, #tpu.memory_space<hbm>> -> memref<1x640x16xf32, #tpu.memory_space<hbm>>
      %dma_wait3A_30 = tpu.memref_squeeze %dma_wait3A_29 : memref<1x640x16xf32, #tpu.memory_space<hbm>> -> memref<640x16xf32, #tpu.memory_space<hbm>>
      %dma_wait3A_31 = arith.constant 0 : i32
      %dma_wait3A_32 = tpu.memref_slice %arg4[%mul3A_0, %dma_wait3A_31] : memref<10240x16xf32, #tpu.memory_space<vmem_shared>> -> memref<640x16xf32, #tpu.memory_space<vmem_shared>>
      tpu.wait_dma2 semaphore(%run_scoped3A : memref<!tpu.dma_semaphore, #tpu.memory_space<semaphore_mem>>) src(%dma_wait3A_32 : memref<640x16xf32, #tpu.memory_space<vmem_shared>>) dst(%dma_wait3A_30 : memref<640x16xf32, #tpu.memory_space<hbm>>)
      tpu.yield
    }) : () -> ()
    return
  }
}

#map = affine_map<(d0, d1) -> (0, 0, 0, 0, 0)>
#map1 = affine_map<(d0, d1) -> (0, 0)>
#map2 = affine_map<(d0, d1) -> (0, 0, 0)>
module attributes {stable_mosaic.version = 14 : i64} {
  func.func @_main_body(%arg0: i32, %arg1: i32, %arg2: memref<2x16x80x2x128xi32, #tpu.memory_space<hbm>>, %arg3: memref<10240x128xf32, #tpu.memory_space<hbm>>, %arg4: memref<2x10240x128xf32, #tpu.memory_space<hbm>>, %arg5: memref<10240x128xf32, #tpu.memory_space<vmem_shared>>, %arg6: memref<4x2x128xi32, #tpu.memory_space<vmem>>, %arg7: memref<128x128xf32, #tpu.memory_space<vmem>>, %arg8: memref<128x128xf32, #tpu.memory_space<vmem>>, %arg9: memref<!tpu.dma_semaphore, #tpu.memory_space<semaphore_mem>>, %arg10: memref<!tpu.dma_semaphore, #tpu.memory_space<semaphore_mem>>, %arg11: memref<!tpu.dma_semaphore, #tpu.memory_space<semaphore_mem>>, %arg12: memref<!tpu.dma_semaphore, #tpu.memory_space<semaphore_mem>>, %arg13: memref<!tpu.dma_semaphore, #tpu.memory_space<semaphore_mem>>, %arg14: memref<!tpu.dma_semaphore, #tpu.memory_space<semaphore_mem>>, %arg15: memref<!tpu.dma_semaphore, #tpu.memory_space<semaphore_mem>>, %arg16: memref<!tpu.dma_semaphore, #tpu.memory_space<semaphore_mem>>) attributes {dimension_semantics = [#tpu.dimension_semantics<core_parallel>, #tpu.dimension_semantics<subcore_parallel>], iteration_bounds = array<i64: 2, 16>, scalar_prefetch = 0 : i64, scratch_operands = 12 : i64, tpu.core_type = #tpu.core_type<sc_vector_subcore>, window_params = [{transform_indices = #map}, {transform_indices = #map1}, {transform_indices = #map2}]} {
    %mul3A = arith.constant 0 : i32
    %mul3A_0 = arith.muli %mul3A, %arg0 : i32
    %add3A = arith.constant 80 : i32
    %add3A_1 = arith.addi %add3A, %mul3A_0 : i32
    %mul3A_2 = arith.constant 640 : i32
    %mul3A_3 = arith.muli %arg1, %mul3A_2 : i32
    %broadcast_in_dim3A = arith.constant 0.000000e+00 : f32
    %broadcast_in_dim3A_4 = vector.broadcast %broadcast_in_dim3A : f32 to vector<16xf32>
    %scan3A = arith.constant 0 : i32
    %scan3A_5 = arith.constant 0 : i32
    %scan3A_6 = arith.constant 128 : i32
    %scan3A_7 = arith.addi %scan3A_5, %scan3A_6 : i32
    %scan3A_8 = arith.constant 1 : i32
    %scan3A_9 = scf.for %scan3A_239 = %scan3A_5 to %scan3A_7 step %scan3A_8 iter_args(%scan3A_240 = %scan3A) -> (i32)  : i32 {
      %scan3A_241 = arith.constant 0 : i32
      %scan3A_242 = arith.constant 0 : i32
      %scan3A_243 = arith.constant 8 : i32
      %scan3A_244 = arith.addi %scan3A_242, %scan3A_243 : i32
      %scan3A_245 = arith.constant 1 : i32
      %scan3A_246 = scf.for %scan3A_249 = %scan3A_242 to %scan3A_244 step %scan3A_245 iter_args(%scan3A_250 = %scan3A_241) -> (i32)  : i32 {
        %mul3A_251 = arith.constant 16 : i32
        %mul3A_252 = arith.muli %scan3A_249, %mul3A_251 : i32
        %swap3A = arith.index_cast %scan3A_239 : i32 to index
        %swap3A_253 = arith.index_cast %mul3A_252 : i32 to index
        %swap3A_254 = tpu.vector_load %arg7[%swap3A, %swap3A_253] {strides = array<i32>} : memref<128x128xf32, #tpu.memory_space<vmem>>, vector<1x16xf32>,
        %swap3A_255 = vector.shape_cast %swap3A_254 : vector<1x16xf32> to vector<16xf32>
        %swap3A_256 = vector.shape_cast %broadcast_in_dim3A_4 : vector<16xf32> to vector<1x16xf32>
        tpu.vector_store %arg7[%swap3A, %swap3A_253], %swap3A_256 {strides = array<i32>} : memref<128x128xf32, #tpu.memory_space<vmem>>, vector<1x16xf32>,
        %scan3A_257 = arith.constant 0 : i32
        scf.yield %scan3A_257 : i32
      }
      %scan3A_247 = arith.constant 8 : i32
      %scan3A_248 = arith.constant 0 : i32
      scf.yield %scan3A_248 : i32
    }
    %scan3A_10 = arith.constant 128 : i32
    %add3A_11 = arith.constant 0 : i32
    %add3A_12 = arith.addi %mul3A_3, %add3A_11 : i32
    "tpu.region"() ({
      %run_scoped3A = tpu.sem_alloc : memref<!tpu.dma_semaphore, #tpu.memory_space<semaphore_mem>>
      %dma_start3A_239 = arith.constant 0 : i32
      %dma_start3A_240 = tpu.memref_slice %arg5[%add3A_12, %dma_start3A_239] : memref<10240x128xf32, #tpu.memory_space<vmem_shared>> -> memref<128x128xf32, #tpu.memory_space<vmem_shared>>
      %dma_start3A_241 = arith.constant 0 : i32
      %dma_start3A_242 = tpu.memref_slice %arg5[%add3A_12, %dma_start3A_241] : memref<10240x128xf32, #tpu.memory_space<vmem_shared>> -> memref<128x128xf32, #tpu.memory_space<vmem_shared>>
      tpu.enqueue_dma source(%arg7 : memref<128x128xf32, #tpu.memory_space<vmem>>) target(%dma_start3A_242 : memref<128x128xf32, #tpu.memory_space<vmem_shared>>) target_semaphore(%run_scoped3A : memref<!tpu.dma_semaphore, #tpu.memory_space<semaphore_mem>>)
      %dma_wait3A_243 = arith.constant 0 : i32
      %dma_wait3A_244 = tpu.memref_slice %arg5[%add3A_12, %dma_wait3A_243] : memref<10240x128xf32, #tpu.memory_space<vmem_shared>> -> memref<128x128xf32, #tpu.memory_space<vmem_shared>>
      %dma_wait3A_245 = arith.constant 0 : i32
      %dma_wait3A_246 = tpu.memref_slice %arg5[%add3A_12, %dma_wait3A_245] : memref<10240x128xf32, #tpu.memory_space<vmem_shared>> -> memref<128x128xf32, #tpu.memory_space<vmem_shared>>
      tpu.wait_dma2 semaphore(%run_scoped3A : memref<!tpu.dma_semaphore, #tpu.memory_space<semaphore_mem>>) src(%arg7 : memref<128x128xf32, #tpu.memory_space<vmem>>) dst(%dma_wait3A_246 : memref<128x128xf32, #tpu.memory_space<vmem_shared>>)
      tpu.yield
    }) : () -> ()
    %add3A_13 = arith.constant 128 : i32
    %add3A_14 = arith.addi %mul3A_3, %add3A_13 : i32
    "tpu.region"() ({
      %run_scoped3A = tpu.sem_alloc : memref<!tpu.dma_semaphore, #tpu.memory_space<semaphore_mem>>
      %dma_start3A_239 = arith.constant 0 : i32
      %dma_start3A_240 = tpu.memref_slice %arg5[%add3A_14, %dma_start3A_239] : memref<10240x128xf32, #tpu.memory_space<vmem_shared>> -> memref<128x128xf32, #tpu.memory_space<vmem_shared>>
      %dma_start3A_241 = arith.constant 0 : i32
      %dma_start3A_242 = tpu.memref_slice %arg5[%add3A_14, %dma_start3A_241] : memref<10240x128xf32, #tpu.memory_space<vmem_shared>> -> memref<128x128xf32, #tpu.memory_space<vmem_shared>>
      tpu.enqueue_dma source(%arg7 : memref<128x128xf32, #tpu.memory_space<vmem>>) target(%dma_start3A_242 : memref<128x128xf32, #tpu.memory_space<vmem_shared>>) target_semaphore(%run_scoped3A : memref<!tpu.dma_semaphore, #tpu.memory_space<semaphore_mem>>)
      %dma_wait3A_243 = arith.constant 0 : i32
      %dma_wait3A_244 = tpu.memref_slice %arg5[%add3A_14, %dma_wait3A_243] : memref<10240x128xf32, #tpu.memory_space<vmem_shared>> -> memref<128x128xf32, #tpu.memory_space<vmem_shared>>
      %dma_wait3A_245 = arith.constant 0 : i32
      %dma_wait3A_246 = tpu.memref_slice %arg5[%add3A_14, %dma_wait3A_245] : memref<10240x128xf32, #tpu.memory_space<vmem_shared>> -> memref<128x128xf32, #tpu.memory_space<vmem_shared>>
      tpu.wait_dma2 semaphore(%run_scoped3A : memref<!tpu.dma_semaphore, #tpu.memory_space<semaphore_mem>>) src(%arg7 : memref<128x128xf32, #tpu.memory_space<vmem>>) dst(%dma_wait3A_246 : memref<128x128xf32, #tpu.memory_space<vmem_shared>>)
      tpu.yield
    }) : () -> ()
    %add3A_15 = arith.constant 256 : i32
    %add3A_16 = arith.addi %mul3A_3, %add3A_15 : i32
    "tpu.region"() ({
      %run_scoped3A = tpu.sem_alloc : memref<!tpu.dma_semaphore, #tpu.memory_space<semaphore_mem>>
      %dma_start3A_239 = arith.constant 0 : i32
      %dma_start3A_240 = tpu.memref_slice %arg5[%add3A_16, %dma_start3A_239] : memref<10240x128xf32, #tpu.memory_space<vmem_shared>> -> memref<128x128xf32, #tpu.memory_space<vmem_shared>>
      %dma_start3A_241 = arith.constant 0 : i32
      %dma_start3A_242 = tpu.memref_slice %arg5[%add3A_16, %dma_start3A_241] : memref<10240x128xf32, #tpu.memory_space<vmem_shared>> -> memref<128x128xf32, #tpu.memory_space<vmem_shared>>
      tpu.enqueue_dma source(%arg7 : memref<128x128xf32, #tpu.memory_space<vmem>>) target(%dma_start3A_242 : memref<128x128xf32, #tpu.memory_space<vmem_shared>>) target_semaphore(%run_scoped3A : memref<!tpu.dma_semaphore, #tpu.memory_space<semaphore_mem>>)
      %dma_wait3A_243 = arith.constant 0 : i32
      %dma_wait3A_244 = tpu.memref_slice %arg5[%add3A_16, %dma_wait3A_243] : memref<10240x128xf32, #tpu.memory_space<vmem_shared>> -> memref<128x128xf32, #tpu.memory_space<vmem_shared>>
      %dma_wait3A_245 = arith.constant 0 : i32
      %dma_wait3A_246 = tpu.memref_slice %arg5[%add3A_16, %dma_wait3A_245] : memref<10240x128xf32, #tpu.memory_space<vmem_shared>> -> memref<128x128xf32, #tpu.memory_space<vmem_shared>>
      tpu.wait_dma2 semaphore(%run_scoped3A : memref<!tpu.dma_semaphore, #tpu.memory_space<semaphore_mem>>) src(%arg7 : memref<128x128xf32, #tpu.memory_space<vmem>>) dst(%dma_wait3A_246 : memref<128x128xf32, #tpu.memory_space<vmem_shared>>)
      tpu.yield
    }) : () -> ()
    %add3A_17 = arith.constant 384 : i32
    %add3A_18 = arith.addi %mul3A_3, %add3A_17 : i32
    "tpu.region"() ({
      %run_scoped3A = tpu.sem_alloc : memref<!tpu.dma_semaphore, #tpu.memory_space<semaphore_mem>>
      %dma_start3A_239 = arith.constant 0 : i32
      %dma_start3A_240 = tpu.memref_slice %arg5[%add3A_18, %dma_start3A_239] : memref<10240x128xf32, #tpu.memory_space<vmem_shared>> -> memref<128x128xf32, #tpu.memory_space<vmem_shared>>
      %dma_start3A_241 = arith.constant 0 : i32
      %dma_start3A_242 = tpu.memref_slice %arg5[%add3A_18, %dma_start3A_241] : memref<10240x128xf32, #tpu.memory_space<vmem_shared>> -> memref<128x128xf32, #tpu.memory_space<vmem_shared>>
      tpu.enqueue_dma source(%arg7 : memref<128x128xf32, #tpu.memory_space<vmem>>) target(%dma_start3A_242 : memref<128x128xf32, #tpu.memory_space<vmem_shared>>) target_semaphore(%run_scoped3A : memref<!tpu.dma_semaphore, #tpu.memory_space<semaphore_mem>>)
      %dma_wait3A_243 = arith.constant 0 : i32
      %dma_wait3A_244 = tpu.memref_slice %arg5[%add3A_18, %dma_wait3A_243] : memref<10240x128xf32, #tpu.memory_space<vmem_shared>> -> memref<128x128xf32, #tpu.memory_space<vmem_shared>>
      %dma_wait3A_245 = arith.constant 0 : i32
      %dma_wait3A_246 = tpu.memref_slice %arg5[%add3A_18, %dma_wait3A_245] : memref<10240x128xf32, #tpu.memory_space<vmem_shared>> -> memref<128x128xf32, #tpu.memory_space<vmem_shared>>
      tpu.wait_dma2 semaphore(%run_scoped3A : memref<!tpu.dma_semaphore, #tpu.memory_space<semaphore_mem>>) src(%arg7 : memref<128x128xf32, #tpu.memory_space<vmem>>) dst(%dma_wait3A_246 : memref<128x128xf32, #tpu.memory_space<vmem_shared>>)
      tpu.yield
    }) : () -> ()
    %add3A_19 = arith.constant 512 : i32
    %add3A_20 = arith.addi %mul3A_3, %add3A_19 : i32
    "tpu.region"() ({
      %run_scoped3A = tpu.sem_alloc : memref<!tpu.dma_semaphore, #tpu.memory_space<semaphore_mem>>
      %dma_start3A_239 = arith.constant 0 : i32
      %dma_start3A_240 = tpu.memref_slice %arg5[%add3A_20, %dma_start3A_239] : memref<10240x128xf32, #tpu.memory_space<vmem_shared>> -> memref<128x128xf32, #tpu.memory_space<vmem_shared>>
      %dma_start3A_241 = arith.constant 0 : i32
      %dma_start3A_242 = tpu.memref_slice %arg5[%add3A_20, %dma_start3A_241] : memref<10240x128xf32, #tpu.memory_space<vmem_shared>> -> memref<128x128xf32, #tpu.memory_space<vmem_shared>>
      tpu.enqueue_dma source(%arg7 : memref<128x128xf32, #tpu.memory_space<vmem>>) target(%dma_start3A_242 : memref<128x128xf32, #tpu.memory_space<vmem_shared>>) target_semaphore(%run_scoped3A : memref<!tpu.dma_semaphore, #tpu.memory_space<semaphore_mem>>)
      %dma_wait3A_243 = arith.constant 0 : i32
      %dma_wait3A_244 = tpu.memref_slice %arg5[%add3A_20, %dma_wait3A_243] : memref<10240x128xf32, #tpu.memory_space<vmem_shared>> -> memref<128x128xf32, #tpu.memory_space<vmem_shared>>
      %dma_wait3A_245 = arith.constant 0 : i32
      %dma_wait3A_246 = tpu.memref_slice %arg5[%add3A_20, %dma_wait3A_245] : memref<10240x128xf32, #tpu.memory_space<vmem_shared>> -> memref<128x128xf32, #tpu.memory_space<vmem_shared>>
      tpu.wait_dma2 semaphore(%run_scoped3A : memref<!tpu.dma_semaphore, #tpu.memory_space<semaphore_mem>>) src(%arg7 : memref<128x128xf32, #tpu.memory_space<vmem>>) dst(%dma_wait3A_246 : memref<128x128xf32, #tpu.memory_space<vmem_shared>>)
      tpu.yield
    }) : () -> ()
    %barrier3A = arith.constant 0 : index
    tpu.barrier barrier_id(%barrier3A)
    %dma_start3A = arith.constant 0 : i32
    %dma_start3A_21 = arith.constant 0 : i32
    %dma_start3A_22 = arith.constant 0 : i32
    %dma_start3A_23 = tpu.memref_slice %arg6[%dma_start3A, %dma_start3A_21, %dma_start3A_22] : memref<4x2x128xi32, #tpu.memory_space<vmem>> -> memref<1x2x128xi32, #tpu.memory_space<vmem>>
    %dma_start3A_24 = arith.constant 0 : i32
    %dma_start3A_25 = arith.constant 0 : i32
    %dma_start3A_26 = arith.constant 0 : i32
    %dma_start3A_27 = tpu.memref_slice %arg2[%arg0, %arg1, %dma_start3A_24, %dma_start3A_25, %dma_start3A_26] : memref<2x16x80x2x128xi32, #tpu.memory_space<hbm>> -> memref<1x1x80x2x128xi32, #tpu.memory_space<hbm>>
    %dma_start3A_28 = tpu.memref_squeeze %dma_start3A_27 : memref<1x1x80x2x128xi32, #tpu.memory_space<hbm>> -> memref<80x2x128xi32, #tpu.memory_space<hbm>>
    %dma_start3A_29 = arith.constant 0 : i32
    %dma_start3A_30 = arith.constant 0 : i32
    %dma_start3A_31 = arith.constant 0 : i32
    %dma_start3A_32 = tpu.memref_slice %dma_start3A_28[%dma_start3A_29, %dma_start3A_30, %dma_start3A_31] : memref<80x2x128xi32, #tpu.memory_space<hbm>> -> memref<1x2x128xi32, #tpu.memory_space<hbm>>
    %dma_start3A_33 = arith.constant 0 : i32
    %dma_start3A_34 = arith.constant 0 : i32
    %dma_start3A_35 = arith.constant 0 : i32
    %dma_start3A_36 = tpu.memref_slice %arg6[%dma_start3A_33, %dma_start3A_34, %dma_start3A_35] : memref<4x2x128xi32, #tpu.memory_space<vmem>> -> memref<1x2x128xi32, #tpu.memory_space<vmem>>
    %dma_start3A_37 = arith.constant 0 : i32
    %dma_start3A_38 = arith.constant 0 : i32
    %dma_start3A_39 = arith.constant 0 : i32
    %dma_start3A_40 = tpu.memref_slice %arg2[%arg0, %arg1, %dma_start3A_37, %dma_start3A_38, %dma_start3A_39] : memref<2x16x80x2x128xi32, #tpu.memory_space<hbm>> -> memref<1x1x80x2x128xi32, #tpu.memory_space<hbm>>
    %dma_start3A_41 = tpu.memref_squeeze %dma_start3A_40 : memref<1x1x80x2x128xi32, #tpu.memory_space<hbm>> -> memref<80x2x128xi32, #tpu.memory_space<hbm>>
    %dma_start3A_42 = arith.constant 0 : i32
    %dma_start3A_43 = arith.constant 0 : i32
    %dma_start3A_44 = arith.constant 0 : i32
    %dma_start3A_45 = tpu.memref_slice %dma_start3A_41[%dma_start3A_42, %dma_start3A_43, %dma_start3A_44] : memref<80x2x128xi32, #tpu.memory_space<hbm>> -> memref<1x2x128xi32, #tpu.memory_space<hbm>>
    tpu.enqueue_dma source(%dma_start3A_45 : memref<1x2x128xi32, #tpu.memory_space<hbm>>) target(%dma_start3A_36 : memref<1x2x128xi32, #tpu.memory_space<vmem>>) target_semaphore(%arg11 : memref<!tpu.dma_semaphore, #tpu.memory_space<semaphore_mem>>)
    %dma_start3A_46 = arith.constant 1 : i32
    %dma_start3A_47 = arith.constant 0 : i32
    %dma_start3A_48 = arith.constant 0 : i32
    %dma_start3A_49 = tpu.memref_slice %arg6[%dma_start3A_46, %dma_start3A_47, %dma_start3A_48] : memref<4x2x128xi32, #tpu.memory_space<vmem>> -> memref<1x2x128xi32, #tpu.memory_space<vmem>>
    %dma_start3A_50 = arith.constant 0 : i32
    %dma_start3A_51 = arith.constant 0 : i32
    %dma_start3A_52 = arith.constant 0 : i32
    %dma_start3A_53 = tpu.memref_slice %arg2[%arg0, %arg1, %dma_start3A_50, %dma_start3A_51, %dma_start3A_52] : memref<2x16x80x2x128xi32, #tpu.memory_space<hbm>> -> memref<1x1x80x2x128xi32, #tpu.memory_space<hbm>>
    %dma_start3A_54 = tpu.memref_squeeze %dma_start3A_53 : memref<1x1x80x2x128xi32, #tpu.memory_space<hbm>> -> memref<80x2x128xi32, #tpu.memory_space<hbm>>
    %dma_start3A_55 = arith.constant 1 : i32
    %dma_start3A_56 = arith.constant 0 : i32
    %dma_start3A_57 = arith.constant 0 : i32
    %dma_start3A_58 = tpu.memref_slice %dma_start3A_54[%dma_start3A_55, %dma_start3A_56, %dma_start3A_57] : memref<80x2x128xi32, #tpu.memory_space<hbm>> -> memref<1x2x128xi32, #tpu.memory_space<hbm>>
    %dma_start3A_59 = arith.constant 1 : i32
    %dma_start3A_60 = arith.constant 0 : i32
    %dma_start3A_61 = arith.constant 0 : i32
    %dma_start3A_62 = tpu.memref_slice %arg6[%dma_start3A_59, %dma_start3A_60, %dma_start3A_61] : memref<4x2x128xi32, #tpu.memory_space<vmem>> -> memref<1x2x128xi32, #tpu.memory_space<vmem>>
    %dma_start3A_63 = arith.constant 0 : i32
    %dma_start3A_64 = arith.constant 0 : i32
    %dma_start3A_65 = arith.constant 0 : i32
    %dma_start3A_66 = tpu.memref_slice %arg2[%arg0, %arg1, %dma_start3A_63, %dma_start3A_64, %dma_start3A_65] : memref<2x16x80x2x128xi32, #tpu.memory_space<hbm>> -> memref<1x1x80x2x128xi32, #tpu.memory_space<hbm>>
    %dma_start3A_67 = tpu.memref_squeeze %dma_start3A_66 : memref<1x1x80x2x128xi32, #tpu.memory_space<hbm>> -> memref<80x2x128xi32, #tpu.memory_space<hbm>>
    %dma_start3A_68 = arith.constant 1 : i32
    %dma_start3A_69 = arith.constant 0 : i32
    %dma_start3A_70 = arith.constant 0 : i32
    %dma_start3A_71 = tpu.memref_slice %dma_start3A_67[%dma_start3A_68, %dma_start3A_69, %dma_start3A_70] : memref<80x2x128xi32, #tpu.memory_space<hbm>> -> memref<1x2x128xi32, #tpu.memory_space<hbm>>
    tpu.enqueue_dma source(%dma_start3A_71 : memref<1x2x128xi32, #tpu.memory_space<hbm>>) target(%dma_start3A_62 : memref<1x2x128xi32, #tpu.memory_space<vmem>>) target_semaphore(%arg12 : memref<!tpu.dma_semaphore, #tpu.memory_space<semaphore_mem>>)
    %dma_start3A_72 = arith.constant 2 : i32
    %dma_start3A_73 = arith.constant 0 : i32
    %dma_start3A_74 = arith.constant 0 : i32
    %dma_start3A_75 = tpu.memref_slice %arg6[%dma_start3A_72, %dma_start3A_73, %dma_start3A_74] : memref<4x2x128xi32, #tpu.memory_space<vmem>> -> memref<1x2x128xi32, #tpu.memory_space<vmem>>
    %dma_start3A_76 = arith.constant 0 : i32
    %dma_start3A_77 = arith.constant 0 : i32
    %dma_start3A_78 = arith.constant 0 : i32
    %dma_start3A_79 = tpu.memref_slice %arg2[%arg0, %arg1, %dma_start3A_76, %dma_start3A_77, %dma_start3A_78] : memref<2x16x80x2x128xi32, #tpu.memory_space<hbm>> -> memref<1x1x80x2x128xi32, #tpu.memory_space<hbm>>
    %dma_start3A_80 = tpu.memref_squeeze %dma_start3A_79 : memref<1x1x80x2x128xi32, #tpu.memory_space<hbm>> -> memref<80x2x128xi32, #tpu.memory_space<hbm>>
    %dma_start3A_81 = arith.constant 2 : i32
    %dma_start3A_82 = arith.constant 0 : i32
    %dma_start3A_83 = arith.constant 0 : i32
    %dma_start3A_84 = tpu.memref_slice %dma_start3A_80[%dma_start3A_81, %dma_start3A_82, %dma_start3A_83] : memref<80x2x128xi32, #tpu.memory_space<hbm>> -> memref<1x2x128xi32, #tpu.memory_space<hbm>>
    %dma_start3A_85 = arith.constant 2 : i32
    %dma_start3A_86 = arith.constant 0 : i32
    %dma_start3A_87 = arith.constant 0 : i32
    %dma_start3A_88 = tpu.memref_slice %arg6[%dma_start3A_85, %dma_start3A_86, %dma_start3A_87] : memref<4x2x128xi32, #tpu.memory_space<vmem>> -> memref<1x2x128xi32, #tpu.memory_space<vmem>>
    %dma_start3A_89 = arith.constant 0 : i32
    %dma_start3A_90 = arith.constant 0 : i32
    %dma_start3A_91 = arith.constant 0 : i32
    %dma_start3A_92 = tpu.memref_slice %arg2[%arg0, %arg1, %dma_start3A_89, %dma_start3A_90, %dma_start3A_91] : memref<2x16x80x2x128xi32, #tpu.memory_space<hbm>> -> memref<1x1x80x2x128xi32, #tpu.memory_space<hbm>>
    %dma_start3A_93 = tpu.memref_squeeze %dma_start3A_92 : memref<1x1x80x2x128xi32, #tpu.memory_space<hbm>> -> memref<80x2x128xi32, #tpu.memory_space<hbm>>
    %dma_start3A_94 = arith.constant 2 : i32
    %dma_start3A_95 = arith.constant 0 : i32
    %dma_start3A_96 = arith.constant 0 : i32
    %dma_start3A_97 = tpu.memref_slice %dma_start3A_93[%dma_start3A_94, %dma_start3A_95, %dma_start3A_96] : memref<80x2x128xi32, #tpu.memory_space<hbm>> -> memref<1x2x128xi32, #tpu.memory_space<hbm>>
    tpu.enqueue_dma source(%dma_start3A_97 : memref<1x2x128xi32, #tpu.memory_space<hbm>>) target(%dma_start3A_88 : memref<1x2x128xi32, #tpu.memory_space<vmem>>) target_semaphore(%arg13 : memref<!tpu.dma_semaphore, #tpu.memory_space<semaphore_mem>>)
    %dma_start3A_98 = arith.constant 3 : i32
    %dma_start3A_99 = arith.constant 0 : i32
    %dma_start3A_100 = arith.constant 0 : i32
    %dma_start3A_101 = tpu.memref_slice %arg6[%dma_start3A_98, %dma_start3A_99, %dma_start3A_100] : memref<4x2x128xi32, #tpu.memory_space<vmem>> -> memref<1x2x128xi32, #tpu.memory_space<vmem>>
    %dma_start3A_102 = arith.constant 0 : i32
    %dma_start3A_103 = arith.constant 0 : i32
    %dma_start3A_104 = arith.constant 0 : i32
    %dma_start3A_105 = tpu.memref_slice %arg2[%arg0, %arg1, %dma_start3A_102, %dma_start3A_103, %dma_start3A_104] : memref<2x16x80x2x128xi32, #tpu.memory_space<hbm>> -> memref<1x1x80x2x128xi32, #tpu.memory_space<hbm>>
    %dma_start3A_106 = tpu.memref_squeeze %dma_start3A_105 : memref<1x1x80x2x128xi32, #tpu.memory_space<hbm>> -> memref<80x2x128xi32, #tpu.memory_space<hbm>>
    %dma_start3A_107 = arith.constant 3 : i32
    %dma_start3A_108 = arith.constant 0 : i32
    %dma_start3A_109 = arith.constant 0 : i32
    %dma_start3A_110 = tpu.memref_slice %dma_start3A_106[%dma_start3A_107, %dma_start3A_108, %dma_start3A_109] : memref<80x2x128xi32, #tpu.memory_space<hbm>> -> memref<1x2x128xi32, #tpu.memory_space<hbm>>
    %dma_start3A_111 = arith.constant 3 : i32
    %dma_start3A_112 = arith.constant 0 : i32
    %dma_start3A_113 = arith.constant 0 : i32
    %dma_start3A_114 = tpu.memref_slice %arg6[%dma_start3A_111, %dma_start3A_112, %dma_start3A_113] : memref<4x2x128xi32, #tpu.memory_space<vmem>> -> memref<1x2x128xi32, #tpu.memory_space<vmem>>
    %dma_start3A_115 = arith.constant 0 : i32
    %dma_start3A_116 = arith.constant 0 : i32
    %dma_start3A_117 = arith.constant 0 : i32
    %dma_start3A_118 = tpu.memref_slice %arg2[%arg0, %arg1, %dma_start3A_115, %dma_start3A_116, %dma_start3A_117] : memref<2x16x80x2x128xi32, #tpu.memory_space<hbm>> -> memref<1x1x80x2x128xi32, #tpu.memory_space<hbm>>
    %dma_start3A_119 = tpu.memref_squeeze %dma_start3A_118 : memref<1x1x80x2x128xi32, #tpu.memory_space<hbm>> -> memref<80x2x128xi32, #tpu.memory_space<hbm>>
    %dma_start3A_120 = arith.constant 3 : i32
    %dma_start3A_121 = arith.constant 0 : i32
    %dma_start3A_122 = arith.constant 0 : i32
    %dma_start3A_123 = tpu.memref_slice %dma_start3A_119[%dma_start3A_120, %dma_start3A_121, %dma_start3A_122] : memref<80x2x128xi32, #tpu.memory_space<hbm>> -> memref<1x2x128xi32, #tpu.memory_space<hbm>>
    tpu.enqueue_dma source(%dma_start3A_123 : memref<1x2x128xi32, #tpu.memory_space<hbm>>) target(%dma_start3A_114 : memref<1x2x128xi32, #tpu.memory_space<vmem>>) target_semaphore(%arg14 : memref<!tpu.dma_semaphore, #tpu.memory_space<semaphore_mem>>)
    %dma_wait3A = arith.constant 0 : i32
    %dma_wait3A_124 = arith.constant 0 : i32
    %dma_wait3A_125 = arith.constant 0 : i32
    %dma_wait3A_126 = tpu.memref_slice %arg6[%dma_wait3A, %dma_wait3A_124, %dma_wait3A_125] : memref<4x2x128xi32, #tpu.memory_space<vmem>> -> memref<1x2x128xi32, #tpu.memory_space<vmem>>
    %dma_wait3A_127 = arith.constant 0 : i32
    %dma_wait3A_128 = arith.constant 0 : i32
    %dma_wait3A_129 = arith.constant 0 : i32
    %dma_wait3A_130 = tpu.memref_slice %arg2[%arg0, %arg1, %dma_wait3A_127, %dma_wait3A_128, %dma_wait3A_129] : memref<2x16x80x2x128xi32, #tpu.memory_space<hbm>> -> memref<1x1x80x2x128xi32, #tpu.memory_space<hbm>>
    %dma_wait3A_131 = tpu.memref_squeeze %dma_wait3A_130 : memref<1x1x80x2x128xi32, #tpu.memory_space<hbm>> -> memref<80x2x128xi32, #tpu.memory_space<hbm>>
    %dma_wait3A_132 = arith.constant 0 : i32
    %dma_wait3A_133 = arith.constant 0 : i32
    %dma_wait3A_134 = arith.constant 0 : i32
    %dma_wait3A_135 = tpu.memref_slice %dma_wait3A_131[%dma_wait3A_132, %dma_wait3A_133, %dma_wait3A_134] : memref<80x2x128xi32, #tpu.memory_space<hbm>> -> memref<1x2x128xi32, #tpu.memory_space<hbm>>
    %dma_wait3A_136 = arith.constant 0 : i32
    %dma_wait3A_137 = arith.constant 0 : i32
    %dma_wait3A_138 = arith.constant 0 : i32
    %dma_wait3A_139 = tpu.memref_slice %arg6[%dma_wait3A_136, %dma_wait3A_137, %dma_wait3A_138] : memref<4x2x128xi32, #tpu.memory_space<vmem>> -> memref<1x2x128xi32, #tpu.memory_space<vmem>>
    %dma_wait3A_140 = arith.constant 0 : i32
    %dma_wait3A_141 = arith.constant 0 : i32
    %dma_wait3A_142 = arith.constant 0 : i32
    %dma_wait3A_143 = tpu.memref_slice %arg2[%arg0, %arg1, %dma_wait3A_140, %dma_wait3A_141, %dma_wait3A_142] : memref<2x16x80x2x128xi32, #tpu.memory_space<hbm>> -> memref<1x1x80x2x128xi32, #tpu.memory_space<hbm>>
    %dma_wait3A_144 = tpu.memref_squeeze %dma_wait3A_143 : memref<1x1x80x2x128xi32, #tpu.memory_space<hbm>> -> memref<80x2x128xi32, #tpu.memory_space<hbm>>
    %dma_wait3A_145 = arith.constant 0 : i32
    %dma_wait3A_146 = arith.constant 0 : i32
    %dma_wait3A_147 = arith.constant 0 : i32
    %dma_wait3A_148 = tpu.memref_slice %dma_wait3A_144[%dma_wait3A_145, %dma_wait3A_146, %dma_wait3A_147] : memref<80x2x128xi32, #tpu.memory_space<hbm>> -> memref<1x2x128xi32, #tpu.memory_space<hbm>>
    tpu.wait_dma2 semaphore(%arg11 : memref<!tpu.dma_semaphore, #tpu.memory_space<semaphore_mem>>) src(%dma_wait3A_148 : memref<1x2x128xi32, #tpu.memory_space<hbm>>) dst(%dma_wait3A_139 : memref<1x2x128xi32, #tpu.memory_space<vmem>>)
    %dma_start3A_149 = arith.constant 0 : i32
    %dma_start3A_150 = arith.constant 0 : i32
    %dma_start3A_151 = arith.constant 0 : i32
    %dma_start3A_152 = tpu.memref_slice %arg6[%dma_start3A_149, %dma_start3A_150, %dma_start3A_151] : memref<4x2x128xi32, #tpu.memory_space<vmem>> -> memref<1x1x128xi32, #tpu.memory_space<vmem>>
    %dma_start3A_153 = tpu.memref_squeeze %dma_start3A_152 : memref<1x1x128xi32, #tpu.memory_space<vmem>> -> memref<128xi32, #tpu.memory_space<vmem>>
    %dma_start3A_154 = arith.constant 0 : i32
    %dma_start3A_155 = arith.constant 0 : i32
    %dma_start3A_156 = tpu.memref_slice %arg3[%dma_start3A_154, %dma_start3A_155] : memref<10240x128xf32, #tpu.memory_space<hbm>> -> memref<10240x128xf32, #tpu.memory_space<hbm>>
    tpu.enqueue_indirect_dma source(%dma_start3A_156 : memref<10240x128xf32, #tpu.memory_space<hbm>>) target(%arg7 : memref<128x128xf32, #tpu.memory_space<vmem>>) offsets(%dma_start3A_153 : memref<128xi32, #tpu.memory_space<vmem>>) semaphore(%arg9 : memref<!tpu.dma_semaphore, #tpu.memory_space<semaphore_mem>>)
    %dma_wait3A_157 = arith.constant 1 : i32
    %dma_wait3A_158 = arith.constant 0 : i32
    %dma_wait3A_159 = arith.constant 0 : i32
    %dma_wait3A_160 = tpu.memref_slice %arg6[%dma_wait3A_157, %dma_wait3A_158, %dma_wait3A_159] : memref<4x2x128xi32, #tpu.memory_space<vmem>> -> memref<1x2x128xi32, #tpu.memory_space<vmem>>
    %dma_wait3A_161 = arith.constant 0 : i32
    %dma_wait3A_162 = arith.constant 0 : i32
    %dma_wait3A_163 = arith.constant 0 : i32
    %dma_wait3A_164 = tpu.memref_slice %arg2[%arg0, %arg1, %dma_wait3A_161, %dma_wait3A_162, %dma_wait3A_163] : memref<2x16x80x2x128xi32, #tpu.memory_space<hbm>> -> memref<1x1x80x2x128xi32, #tpu.memory_space<hbm>>
    %dma_wait3A_165 = tpu.memref_squeeze %dma_wait3A_164 : memref<1x1x80x2x128xi32, #tpu.memory_space<hbm>> -> memref<80x2x128xi32, #tpu.memory_space<hbm>>
    %dma_wait3A_166 = arith.constant 0 : i32
    %dma_wait3A_167 = arith.constant 0 : i32
    %dma_wait3A_168 = arith.constant 0 : i32
    %dma_wait3A_169 = tpu.memref_slice %dma_wait3A_165[%dma_wait3A_166, %dma_wait3A_167, %dma_wait3A_168] : memref<80x2x128xi32, #tpu.memory_space<hbm>> -> memref<1x2x128xi32, #tpu.memory_space<hbm>>
    %dma_wait3A_170 = arith.constant 1 : i32
    %dma_wait3A_171 = arith.constant 0 : i32
    %dma_wait3A_172 = arith.constant 0 : i32
    %dma_wait3A_173 = tpu.memref_slice %arg6[%dma_wait3A_170, %dma_wait3A_171, %dma_wait3A_172] : memref<4x2x128xi32, #tpu.memory_space<vmem>> -> memref<1x2x128xi32, #tpu.memory_space<vmem>>
    %dma_wait3A_174 = arith.constant 0 : i32
    %dma_wait3A_175 = arith.constant 0 : i32
    %dma_wait3A_176 = arith.constant 0 : i32
    %dma_wait3A_177 = tpu.memref_slice %arg2[%arg0, %arg1, %dma_wait3A_174, %dma_wait3A_175, %dma_wait3A_176] : memref<2x16x80x2x128xi32, #tpu.memory_space<hbm>> -> memref<1x1x80x2x128xi32, #tpu.memory_space<hbm>>
    %dma_wait3A_178 = tpu.memref_squeeze %dma_wait3A_177 : memref<1x1x80x2x128xi32, #tpu.memory_space<hbm>> -> memref<80x2x128xi32, #tpu.memory_space<hbm>>
    %dma_wait3A_179 = arith.constant 0 : i32
    %dma_wait3A_180 = arith.constant 0 : i32
    %dma_wait3A_181 = arith.constant 0 : i32
    %dma_wait3A_182 = tpu.memref_slice %dma_wait3A_178[%dma_wait3A_179, %dma_wait3A_180, %dma_wait3A_181] : memref<80x2x128xi32, #tpu.memory_space<hbm>> -> memref<1x2x128xi32, #tpu.memory_space<hbm>>
    tpu.wait_dma2 semaphore(%arg12 : memref<!tpu.dma_semaphore, #tpu.memory_space<semaphore_mem>>) src(%dma_wait3A_182 : memref<1x2x128xi32, #tpu.memory_space<hbm>>) dst(%dma_wait3A_173 : memref<1x2x128xi32, #tpu.memory_space<vmem>>)
    %dma_start3A_183 = arith.constant 1 : i32
    %dma_start3A_184 = arith.constant 0 : i32
    %dma_start3A_185 = arith.constant 0 : i32
    %dma_start3A_186 = tpu.memref_slice %arg6[%dma_start3A_183, %dma_start3A_184, %dma_start3A_185] : memref<4x2x128xi32, #tpu.memory_space<vmem>> -> memref<1x1x128xi32, #tpu.memory_space<vmem>>
    %dma_start3A_187 = tpu.memref_squeeze %dma_start3A_186 : memref<1x1x128xi32, #tpu.memory_space<vmem>> -> memref<128xi32, #tpu.memory_space<vmem>>
    %dma_start3A_188 = arith.constant 0 : i32
    %dma_start3A_189 = arith.constant 0 : i32
    %dma_start3A_190 = tpu.memref_slice %arg3[%dma_start3A_188, %dma_start3A_189] : memref<10240x128xf32, #tpu.memory_space<hbm>> -> memref<10240x128xf32, #tpu.memory_space<hbm>>
    tpu.enqueue_indirect_dma source(%dma_start3A_190 : memref<10240x128xf32, #tpu.memory_space<hbm>>) target(%arg8 : memref<128x128xf32, #tpu.memory_space<vmem>>) offsets(%dma_start3A_187 : memref<128xi32, #tpu.memory_space<vmem>>) semaphore(%arg10 : memref<!tpu.dma_semaphore, #tpu.memory_space<semaphore_mem>>)
    %jit3A = arith.constant 4 : i32
    %div3A = arith.divsi %add3A_1, %jit3A : i32
    %sign3A = arith.constant 0 : i32
    %sign3A_191 = arith.cmpi sgt, %add3A_1, %sign3A : i32
    %sign3A_192 = arith.extui %sign3A_191 : i1 to i32
    %sign3A_193 = arith.constant 0 : i32
    %sign3A_194 = arith.cmpi slt, %add3A_1, %sign3A_193 : i32
    %sign3A_195 = arith.extui %sign3A_194 : i1 to i32
    %sign3A_196 = arith.subi %sign3A_192, %sign3A_195 : i32
    %sign3A_197 = arith.constant 0 : i32
    %sign3A_198 = arith.cmpi sgt, %jit3A, %sign3A_197 : i32
    %sign3A_199 = arith.extui %sign3A_198 : i1 to i32
    %sign3A_200 = arith.constant 0 : i32
    %sign3A_201 = arith.cmpi slt, %jit3A, %sign3A_200 : i32
    %sign3A_202 = arith.extui %sign3A_201 : i1 to i32
    %sign3A_203 = arith.subi %sign3A_199, %sign3A_202 : i32
    %ne3A = arith.cmpi ne, %sign3A_196, %sign3A_203 : i32
    %rem3A = arith.remsi %add3A_1, %jit3A : i32
    %ne3A_204 = arith.constant 0 : i32
    %ne3A_205 = arith.cmpi ne, %rem3A, %ne3A_204 : i32
    %and3A = arith.andi %ne3A, %ne3A_205 : i1
    %sub3A = arith.constant 1 : i32
    %sub3A_206 = arith.subi %div3A, %sub3A : i32
    %select_n3A = arith.select %and3A, %sub3A_206, %div3A : i32
    %while3A = arith.constant 0 : i32
    %while3A_207 = arith.constant 0 : i32
    %while3A_208 = arith.subi %select_n3A, %while3A : i32
    %while3A_209 = arith.addi %while3A, %while3A_208 : i32
    %while3A_210 = arith.constant 1 : i32
    %while3A_211 = arith.divsi %while3A_208, %while3A_210 : i32
    %while3A_212 = arith.muli %while3A_211, %while3A_210 : i32
    %while3A_213 = arith.addi %while3A, %while3A_212 : i32
    %while3A_214 = arith.constant 1 : i32
    %while3A_215 = scf.for %while3A_239 = %while3A to %while3A_213 step %while3A_214 iter_args(%while3A_240 = %while3A_207) -> (i32)  : i32 {
      %mul3A_241 = arith.constant 4 : i32
      %mul3A_242 = arith.muli %while3A_239, %mul3A_241 : i32
      %dma_wait3A_243 = arith.constant 0 : i32
      %dma_wait3A_244 = arith.constant 0 : i32
      %dma_wait3A_245 = arith.constant 0 : i32
      %dma_wait3A_246 = tpu.memref_slice %arg6[%dma_wait3A_243, %dma_wait3A_244, %dma_wait3A_245] : memref<4x2x128xi32, #tpu.memory_space<vmem>> -> memref<1x1x128xi32, #tpu.memory_space<vmem>>
      %dma_wait3A_247 = tpu.memref_squeeze %dma_wait3A_246 : memref<1x1x128xi32, #tpu.memory_space<vmem>> -> memref<128xi32, #tpu.memory_space<vmem>>
      %dma_wait3A_248 = arith.constant 0 : i32
      %dma_wait3A_249 = arith.constant 0 : i32
      %dma_wait3A_250 = tpu.memref_slice %arg3[%dma_wait3A_248, %dma_wait3A_249] : memref<10240x128xf32, #tpu.memory_space<hbm>> -> memref<10240x128xf32, #tpu.memory_space<hbm>>
      tpu.wait_indirect_dma semaphore(%arg9 : memref<!tpu.dma_semaphore, #tpu.memory_space<semaphore_mem>>) src(%dma_wait3A_250 : memref<10240x128xf32, #tpu.memory_space<hbm>>) dst(%arg7 : memref<128x128xf32, #tpu.memory_space<vmem>>)
      %dma_start3A_251 = arith.constant 0 : i32
      %dma_start3A_252 = arith.constant 1 : i32
      %dma_start3A_253 = arith.constant 0 : i32
      %dma_start3A_254 = tpu.memref_slice %arg6[%dma_start3A_251, %dma_start3A_252, %dma_start3A_253] : memref<4x2x128xi32, #tpu.memory_space<vmem>> -> memref<1x1x128xi32, #tpu.memory_space<vmem>>
      %dma_start3A_255 = tpu.memref_squeeze %dma_start3A_254 : memref<1x1x128xi32, #tpu.memory_space<vmem>> -> memref<128xi32, #tpu.memory_space<vmem>>
      %dma_start3A_256 = arith.constant 0 : i32
      %dma_start3A_257 = arith.constant 0 : i32
      %dma_start3A_258 = tpu.memref_slice %arg5[%dma_start3A_256, %dma_start3A_257] : memref<10240x128xf32, #tpu.memory_space<vmem_shared>> -> memref<10240x128xf32, #tpu.memory_space<vmem_shared>>
      tpu.enqueue_indirect_dma source(%arg7 : memref<128x128xf32, #tpu.memory_space<vmem>>) target(%dma_start3A_258 : memref<10240x128xf32, #tpu.memory_space<vmem_shared>>) offsets(%dma_start3A_255 : memref<128xi32, #tpu.memory_space<vmem>>) semaphore(%arg15 : memref<!tpu.dma_semaphore, #tpu.memory_space<semaphore_mem>>) {add = true}
      %dma_wait3A_259 = arith.constant 1 : i32
      %dma_wait3A_260 = arith.constant 0 : i32
      %dma_wait3A_261 = arith.constant 0 : i32
      %dma_wait3A_262 = tpu.memref_slice %arg6[%dma_wait3A_259, %dma_wait3A_260, %dma_wait3A_261] : memref<4x2x128xi32, #tpu.memory_space<vmem>> -> memref<1x1x128xi32, #tpu.memory_space<vmem>>
      %dma_wait3A_263 = tpu.memref_squeeze %dma_wait3A_262 : memref<1x1x128xi32, #tpu.memory_space<vmem>> -> memref<128xi32, #tpu.memory_space<vmem>>
      %dma_wait3A_264 = arith.constant 0 : i32
      %dma_wait3A_265 = arith.constant 0 : i32
      %dma_wait3A_266 = tpu.memref_slice %arg3[%dma_wait3A_264, %dma_wait3A_265] : memref<10240x128xf32, #tpu.memory_space<hbm>> -> memref<10240x128xf32, #tpu.memory_space<hbm>>
      tpu.wait_indirect_dma semaphore(%arg10 : memref<!tpu.dma_semaphore, #tpu.memory_space<semaphore_mem>>) src(%dma_wait3A_266 : memref<10240x128xf32, #tpu.memory_space<hbm>>) dst(%arg8 : memref<128x128xf32, #tpu.memory_space<vmem>>)
      %dma_start3A_267 = arith.constant 1 : i32
      %dma_start3A_268 = arith.constant 1 : i32
      %dma_start3A_269 = arith.constant 0 : i32
      %dma_start3A_270 = tpu.memref_slice %arg6[%dma_start3A_267, %dma_start3A_268, %dma_start3A_269] : memref<4x2x128xi32, #tpu.memory_space<vmem>> -> memref<1x1x128xi32, #tpu.memory_space<vmem>>
      %dma_start3A_271 = tpu.memref_squeeze %dma_start3A_270 : memref<1x1x128xi32, #tpu.memory_space<vmem>> -> memref<128xi32, #tpu.memory_space<vmem>>
      %dma_start3A_272 = arith.constant 0 : i32
      %dma_start3A_273 = arith.constant 0 : i32
      %dma_start3A_274 = tpu.memref_slice %arg5[%dma_start3A_272, %dma_start3A_273] : memref<10240x128xf32, #tpu.memory_space<vmem_shared>> -> memref<10240x128xf32, #tpu.memory_space<vmem_shared>>
      tpu.enqueue_indirect_dma source(%arg8 : memref<128x128xf32, #tpu.memory_space<vmem>>) target(%dma_start3A_274 : memref<10240x128xf32, #tpu.memory_space<vmem_shared>>) offsets(%dma_start3A_271 : memref<128xi32, #tpu.memory_space<vmem>>) semaphore(%arg16 : memref<!tpu.dma_semaphore, #tpu.memory_space<semaphore_mem>>) {add = true}
      %add3A_275 = arith.constant 0 : i32
      %add3A_276 = arith.addi %mul3A_242, %add3A_275 : i32
      %dma_wait3A_277 = arith.constant 0 : i32
      %dma_wait3A_278 = arith.constant 1 : i32
      %dma_wait3A_279 = arith.constant 0 : i32
      %dma_wait3A_280 = tpu.memref_slice %arg6[%dma_wait3A_277, %dma_wait3A_278, %dma_wait3A_279] : memref<4x2x128xi32, #tpu.memory_space<vmem>> -> memref<1x1x128xi32, #tpu.memory_space<vmem>>
      %dma_wait3A_281 = tpu.memref_squeeze %dma_wait3A_280 : memref<1x1x128xi32, #tpu.memory_space<vmem>> -> memref<128xi32, #tpu.memory_space<vmem>>
      %dma_wait3A_282 = arith.constant 0 : i32
      %dma_wait3A_283 = arith.constant 0 : i32
      %dma_wait3A_284 = tpu.memref_slice %arg5[%dma_wait3A_282, %dma_wait3A_283] : memref<10240x128xf32, #tpu.memory_space<vmem_shared>> -> memref<10240x128xf32, #tpu.memory_space<vmem_shared>>
      tpu.wait_indirect_dma semaphore(%arg15 : memref<!tpu.dma_semaphore, #tpu.memory_space<semaphore_mem>>) src(%arg7 : memref<128x128xf32, #tpu.memory_space<vmem>>) dst(%dma_wait3A_284 : memref<10240x128xf32, #tpu.memory_space<vmem_shared>>)
      %add3A_285 = arith.constant 2 : i32
      %add3A_286 = arith.addi %add3A_276, %add3A_285 : i32
      %lt3A = arith.cmpi slt, %add3A_286, %add3A_1 : i32
      %convert_element_type3A = arith.extui %lt3A : i1 to i32
      %cond3A = arith.constant 0 : i32
      %cond3A_287 = arith.cmpi ne, %convert_element_type3A, %cond3A : i32
      scf.if %cond3A_287 {
        %dma_wait3A_395 = arith.constant 2 : i32
        %dma_wait3A_396 = arith.constant 0 : i32
        %dma_wait3A_397 = arith.constant 0 : i32
        %dma_wait3A_398 = tpu.memref_slice %arg6[%dma_wait3A_395, %dma_wait3A_396, %dma_wait3A_397] : memref<4x2x128xi32, #tpu.memory_space<vmem>> -> memref<1x2x128xi32, #tpu.memory_space<vmem>>
        %dma_wait3A_399 = arith.constant 0 : i32
        %dma_wait3A_400 = arith.constant 0 : i32
        %dma_wait3A_401 = arith.constant 0 : i32
        %dma_wait3A_402 = tpu.memref_slice %arg2[%arg0, %arg1, %dma_wait3A_399, %dma_wait3A_400, %dma_wait3A_401] : memref<2x16x80x2x128xi32, #tpu.memory_space<hbm>> -> memref<1x1x80x2x128xi32, #tpu.memory_space<hbm>>
        %dma_wait3A_403 = tpu.memref_squeeze %dma_wait3A_402 : memref<1x1x80x2x128xi32, #tpu.memory_space<hbm>> -> memref<80x2x128xi32, #tpu.memory_space<hbm>>
        %dma_wait3A_404 = arith.constant 0 : i32
        %dma_wait3A_405 = arith.constant 0 : i32
        %dma_wait3A_406 = arith.constant 0 : i32
        %dma_wait3A_407 = tpu.memref_slice %dma_wait3A_403[%dma_wait3A_404, %dma_wait3A_405, %dma_wait3A_406] : memref<80x2x128xi32, #tpu.memory_space<hbm>> -> memref<1x2x128xi32, #tpu.memory_space<hbm>>
        %dma_wait3A_408 = arith.constant 2 : i32
        %dma_wait3A_409 = arith.constant 0 : i32
        %dma_wait3A_410 = arith.constant 0 : i32
        %dma_wait3A_411 = tpu.memref_slice %arg6[%dma_wait3A_408, %dma_wait3A_409, %dma_wait3A_410] : memref<4x2x128xi32, #tpu.memory_space<vmem>> -> memref<1x2x128xi32, #tpu.memory_space<vmem>>
        %dma_wait3A_412 = arith.constant 0 : i32
        %dma_wait3A_413 = arith.constant 0 : i32
        %dma_wait3A_414 = arith.constant 0 : i32
        %dma_wait3A_415 = tpu.memref_slice %arg2[%arg0, %arg1, %dma_wait3A_412, %dma_wait3A_413, %dma_wait3A_414] : memref<2x16x80x2x128xi32, #tpu.memory_space<hbm>> -> memref<1x1x80x2x128xi32, #tpu.memory_space<hbm>>
        %dma_wait3A_416 = tpu.memref_squeeze %dma_wait3A_415 : memref<1x1x80x2x128xi32, #tpu.memory_space<hbm>> -> memref<80x2x128xi32, #tpu.memory_space<hbm>>
        %dma_wait3A_417 = arith.constant 0 : i32
        %dma_wait3A_418 = arith.constant 0 : i32
        %dma_wait3A_419 = arith.constant 0 : i32
        %dma_wait3A_420 = tpu.memref_slice %dma_wait3A_416[%dma_wait3A_417, %dma_wait3A_418, %dma_wait3A_419] : memref<80x2x128xi32, #tpu.memory_space<hbm>> -> memref<1x2x128xi32, #tpu.memory_space<hbm>>
        tpu.wait_dma2 semaphore(%arg13 : memref<!tpu.dma_semaphore, #tpu.memory_space<semaphore_mem>>) src(%dma_wait3A_420 : memref<1x2x128xi32, #tpu.memory_space<hbm>>) dst(%dma_wait3A_411 : memref<1x2x128xi32, #tpu.memory_space<vmem>>)
        %dma_start3A_421 = arith.constant 2 : i32
        %dma_start3A_422 = arith.constant 0 : i32
        %dma_start3A_423 = arith.constant 0 : i32
        %dma_start3A_424 = tpu.memref_slice %arg6[%dma_start3A_421, %dma_start3A_422, %dma_start3A_423] : memref<4x2x128xi32, #tpu.memory_space<vmem>> -> memref<1x1x128xi32, #tpu.memory_space<vmem>>
        %dma_start3A_425 = tpu.memref_squeeze %dma_start3A_424 : memref<1x1x128xi32, #tpu.memory_space<vmem>> -> memref<128xi32, #tpu.memory_space<vmem>>
        %dma_start3A_426 = arith.constant 0 : i32
        %dma_start3A_427 = arith.constant 0 : i32
        %dma_start3A_428 = tpu.memref_slice %arg3[%dma_start3A_426, %dma_start3A_427] : memref<10240x128xf32, #tpu.memory_space<hbm>> -> memref<10240x128xf32, #tpu.memory_space<hbm>>
        tpu.enqueue_indirect_dma source(%dma_start3A_428 : memref<10240x128xf32, #tpu.memory_space<hbm>>) target(%arg7 : memref<128x128xf32, #tpu.memory_space<vmem>>) offsets(%dma_start3A_425 : memref<128xi32, #tpu.memory_space<vmem>>) semaphore(%arg9 : memref<!tpu.dma_semaphore, #tpu.memory_space<semaphore_mem>>)
      } else {
      }
      %add3A_288 = arith.constant 4 : i32
      %add3A_289 = arith.addi %add3A_276, %add3A_288 : i32
      %lt3A_290 = arith.cmpi slt, %add3A_289, %add3A_1 : i32
      %convert_element_type3A_291 = arith.extui %lt3A_290 : i1 to i32
      %cond3A_292 = arith.constant 0 : i32
      %cond3A_293 = arith.cmpi ne, %convert_element_type3A_291, %cond3A_292 : i32
      scf.if %cond3A_293 {
        %add3A_395 = arith.constant 4 : i32
        %add3A_396 = arith.addi %add3A_276, %add3A_395 : i32
        %dma_start3A_397 = arith.constant 0 : i32
        %dma_start3A_398 = arith.constant 0 : i32
        %dma_start3A_399 = arith.constant 0 : i32
        %dma_start3A_400 = tpu.memref_slice %arg6[%dma_start3A_397, %dma_start3A_398, %dma_start3A_399] : memref<4x2x128xi32, #tpu.memory_space<vmem>> -> memref<1x2x128xi32, #tpu.memory_space<vmem>>
        %dma_start3A_401 = arith.constant 0 : i32
        %dma_start3A_402 = arith.constant 0 : i32
        %dma_start3A_403 = arith.constant 0 : i32
        %dma_start3A_404 = tpu.memref_slice %arg2[%arg0, %arg1, %dma_start3A_401, %dma_start3A_402, %dma_start3A_403] : memref<2x16x80x2x128xi32, #tpu.memory_space<hbm>> -> memref<1x1x80x2x128xi32, #tpu.memory_space<hbm>>
        %dma_start3A_405 = tpu.memref_squeeze %dma_start3A_404 : memref<1x1x80x2x128xi32, #tpu.memory_space<hbm>> -> memref<80x2x128xi32, #tpu.memory_space<hbm>>
        %dma_start3A_406 = arith.constant 0 : i32
        %dma_start3A_407 = arith.constant 0 : i32
        %dma_start3A_408 = tpu.memref_slice %dma_start3A_405[%add3A_396, %dma_start3A_406, %dma_start3A_407] : memref<80x2x128xi32, #tpu.memory_space<hbm>> -> memref<1x2x128xi32, #tpu.memory_space<hbm>>
        %dma_start3A_409 = arith.constant 0 : i32
        %dma_start3A_410 = arith.constant 0 : i32
        %dma_start3A_411 = arith.constant 0 : i32
        %dma_start3A_412 = tpu.memref_slice %arg6[%dma_start3A_409, %dma_start3A_410, %dma_start3A_411] : memref<4x2x128xi32, #tpu.memory_space<vmem>> -> memref<1x2x128xi32, #tpu.memory_space<vmem>>
        %dma_start3A_413 = arith.constant 0 : i32
        %dma_start3A_414 = arith.constant 0 : i32
        %dma_start3A_415 = arith.constant 0 : i32
        %dma_start3A_416 = tpu.memref_slice %arg2[%arg0, %arg1, %dma_start3A_413, %dma_start3A_414, %dma_start3A_415] : memref<2x16x80x2x128xi32, #tpu.memory_space<hbm>> -> memref<1x1x80x2x128xi32, #tpu.memory_space<hbm>>
        %dma_start3A_417 = tpu.memref_squeeze %dma_start3A_416 : memref<1x1x80x2x128xi32, #tpu.memory_space<hbm>> -> memref<80x2x128xi32, #tpu.memory_space<hbm>>
        %dma_start3A_418 = arith.constant 0 : i32
        %dma_start3A_419 = arith.constant 0 : i32
        %dma_start3A_420 = tpu.memref_slice %dma_start3A_417[%add3A_396, %dma_start3A_418, %dma_start3A_419] : memref<80x2x128xi32, #tpu.memory_space<hbm>> -> memref<1x2x128xi32, #tpu.memory_space<hbm>>
        tpu.enqueue_dma source(%dma_start3A_420 : memref<1x2x128xi32, #tpu.memory_space<hbm>>) target(%dma_start3A_412 : memref<1x2x128xi32, #tpu.memory_space<vmem>>) target_semaphore(%arg11 : memref<!tpu.dma_semaphore, #tpu.memory_space<semaphore_mem>>)
      } else {
      }
      %add3A_294 = arith.constant 1 : i32
      %add3A_295 = arith.addi %mul3A_242, %add3A_294 : i32
      %dma_wait3A_296 = arith.constant 1 : i32
      %dma_wait3A_297 = arith.constant 1 : i32
      %dma_wait3A_298 = arith.constant 0 : i32
      %dma_wait3A_299 = tpu.memref_slice %arg6[%dma_wait3A_296, %dma_wait3A_297, %dma_wait3A_298] : memref<4x2x128xi32, #tpu.memory_space<vmem>> -> memref<1x1x128xi32, #tpu.memory_space<vmem>>
      %dma_wait3A_300 = tpu.memref_squeeze %dma_wait3A_299 : memref<1x1x128xi32, #tpu.memory_space<vmem>> -> memref<128xi32, #tpu.memory_space<vmem>>
      %dma_wait3A_301 = arith.constant 0 : i32
      %dma_wait3A_302 = arith.constant 0 : i32
      %dma_wait3A_303 = tpu.memref_slice %arg5[%dma_wait3A_301, %dma_wait3A_302] : memref<10240x128xf32, #tpu.memory_space<vmem_shared>> -> memref<10240x128xf32, #tpu.memory_space<vmem_shared>>
      tpu.wait_indirect_dma semaphore(%arg16 : memref<!tpu.dma_semaphore, #tpu.memory_space<semaphore_mem>>) src(%arg8 : memref<128x128xf32, #tpu.memory_space<vmem>>) dst(%dma_wait3A_303 : memref<10240x128xf32, #tpu.memory_space<vmem_shared>>)
      %add3A_304 = arith.constant 2 : i32
      %add3A_305 = arith.addi %add3A_295, %add3A_304 : i32
      %lt3A_306 = arith.cmpi slt, %add3A_305, %add3A_1 : i32
      %convert_element_type3A_307 = arith.extui %lt3A_306 : i1 to i32
      %cond3A_308 = arith.constant 0 : i32
      %cond3A_309 = arith.cmpi ne, %convert_element_type3A_307, %cond3A_308 : i32
      scf.if %cond3A_309 {
        %dma_wait3A_395 = arith.constant 3 : i32
        %dma_wait3A_396 = arith.constant 0 : i32
        %dma_wait3A_397 = arith.constant 0 : i32
        %dma_wait3A_398 = tpu.memref_slice %arg6[%dma_wait3A_395, %dma_wait3A_396, %dma_wait3A_397] : memref<4x2x128xi32, #tpu.memory_space<vmem>> -> memref<1x2x128xi32, #tpu.memory_space<vmem>>
        %dma_wait3A_399 = arith.constant 0 : i32
        %dma_wait3A_400 = arith.constant 0 : i32
        %dma_wait3A_401 = arith.constant 0 : i32
        %dma_wait3A_402 = tpu.memref_slice %arg2[%arg0, %arg1, %dma_wait3A_399, %dma_wait3A_400, %dma_wait3A_401] : memref<2x16x80x2x128xi32, #tpu.memory_space<hbm>> -> memref<1x1x80x2x128xi32, #tpu.memory_space<hbm>>
        %dma_wait3A_403 = tpu.memref_squeeze %dma_wait3A_402 : memref<1x1x80x2x128xi32, #tpu.memory_space<hbm>> -> memref<80x2x128xi32, #tpu.memory_space<hbm>>
        %dma_wait3A_404 = arith.constant 0 : i32
        %dma_wait3A_405 = arith.constant 0 : i32
        %dma_wait3A_406 = arith.constant 0 : i32
        %dma_wait3A_407 = tpu.memref_slice %dma_wait3A_403[%dma_wait3A_404, %dma_wait3A_405, %dma_wait3A_406] : memref<80x2x128xi32, #tpu.memory_space<hbm>> -> memref<1x2x128xi32, #tpu.memory_space<hbm>>
        %dma_wait3A_408 = arith.constant 3 : i32
        %dma_wait3A_409 = arith.constant 0 : i32
        %dma_wait3A_410 = arith.constant 0 : i32
        %dma_wait3A_411 = tpu.memref_slice %arg6[%dma_wait3A_408, %dma_wait3A_409, %dma_wait3A_410] : memref<4x2x128xi32, #tpu.memory_space<vmem>> -> memref<1x2x128xi32, #tpu.memory_space<vmem>>
        %dma_wait3A_412 = arith.constant 0 : i32
        %dma_wait3A_413 = arith.constant 0 : i32
        %dma_wait3A_414 = arith.constant 0 : i32
        %dma_wait3A_415 = tpu.memref_slice %arg2[%arg0, %arg1, %dma_wait3A_412, %dma_wait3A_413, %dma_wait3A_414] : memref<2x16x80x2x128xi32, #tpu.memory_space<hbm>> -> memref<1x1x80x2x128xi32, #tpu.memory_space<hbm>>
        %dma_wait3A_416 = tpu.memref_squeeze %dma_wait3A_415 : memref<1x1x80x2x128xi32, #tpu.memory_space<hbm>> -> memref<80x2x128xi32, #tpu.memory_space<hbm>>
        %dma_wait3A_417 = arith.constant 0 : i32
        %dma_wait3A_418 = arith.constant 0 : i32
        %dma_wait3A_419 = arith.constant 0 : i32
        %dma_wait3A_420 = tpu.memref_slice %dma_wait3A_416[%dma_wait3A_417, %dma_wait3A_418, %dma_wait3A_419] : memref<80x2x128xi32, #tpu.memory_space<hbm>> -> memref<1x2x128xi32, #tpu.memory_space<hbm>>
        tpu.wait_dma2 semaphore(%arg14 : memref<!tpu.dma_semaphore, #tpu.memory_space<semaphore_mem>>) src(%dma_wait3A_420 : memref<1x2x128xi32, #tpu.memory_space<hbm>>) dst(%dma_wait3A_411 : memref<1x2x128xi32, #tpu.memory_space<vmem>>)
        %dma_start3A_421 = arith.constant 3 : i32
        %dma_start3A_422 = arith.constant 0 : i32
        %dma_start3A_423 = arith.constant 0 : i32
        %dma_start3A_424 = tpu.memref_slice %arg6[%dma_start3A_421, %dma_start3A_422, %dma_start3A_423] : memref<4x2x128xi32, #tpu.memory_space<vmem>> -> memref<1x1x128xi32, #tpu.memory_space<vmem>>
        %dma_start3A_425 = tpu.memref_squeeze %dma_start3A_424 : memref<1x1x128xi32, #tpu.memory_space<vmem>> -> memref<128xi32, #tpu.memory_space<vmem>>
        %dma_start3A_426 = arith.constant 0 : i32
        %dma_start3A_427 = arith.constant 0 : i32
        %dma_start3A_428 = tpu.memref_slice %arg3[%dma_start3A_426, %dma_start3A_427] : memref<10240x128xf32, #tpu.memory_space<hbm>> -> memref<10240x128xf32, #tpu.memory_space<hbm>>
        tpu.enqueue_indirect_dma source(%dma_start3A_428 : memref<10240x128xf32, #tpu.memory_space<hbm>>) target(%arg8 : memref<128x128xf32, #tpu.memory_space<vmem>>) offsets(%dma_start3A_425 : memref<128xi32, #tpu.memory_space<vmem>>) semaphore(%arg10 : memref<!tpu.dma_semaphore, #tpu.memory_space<semaphore_mem>>)
      } else {
      }
      %add3A_310 = arith.constant 4 : i32
      %add3A_311 = arith.addi %add3A_295, %add3A_310 : i32
      %lt3A_312 = arith.cmpi slt, %add3A_311, %add3A_1 : i32
      %convert_element_type3A_313 = arith.extui %lt3A_312 : i1 to i32
      %cond3A_314 = arith.constant 0 : i32
      %cond3A_315 = arith.cmpi ne, %convert_element_type3A_313, %cond3A_314 : i32
      scf.if %cond3A_315 {
        %add3A_395 = arith.constant 4 : i32
        %add3A_396 = arith.addi %add3A_295, %add3A_395 : i32
        %dma_start3A_397 = arith.constant 1 : i32
        %dma_start3A_398 = arith.constant 0 : i32
        %dma_start3A_399 = arith.constant 0 : i32
        %dma_start3A_400 = tpu.memref_slice %arg6[%dma_start3A_397, %dma_start3A_398, %dma_start3A_399] : memref<4x2x128xi32, #tpu.memory_space<vmem>> -> memref<1x2x128xi32, #tpu.memory_space<vmem>>
        %dma_start3A_401 = arith.constant 0 : i32
        %dma_start3A_402 = arith.constant 0 : i32
        %dma_start3A_403 = arith.constant 0 : i32
        %dma_start3A_404 = tpu.memref_slice %arg2[%arg0, %arg1, %dma_start3A_401, %dma_start3A_402, %dma_start3A_403] : memref<2x16x80x2x128xi32, #tpu.memory_space<hbm>> -> memref<1x1x80x2x128xi32, #tpu.memory_space<hbm>>
        %dma_start3A_405 = tpu.memref_squeeze %dma_start3A_404 : memref<1x1x80x2x128xi32, #tpu.memory_space<hbm>> -> memref<80x2x128xi32, #tpu.memory_space<hbm>>
        %dma_start3A_406 = arith.constant 0 : i32
        %dma_start3A_407 = arith.constant 0 : i32
        %dma_start3A_408 = tpu.memref_slice %dma_start3A_405[%add3A_396, %dma_start3A_406, %dma_start3A_407] : memref<80x2x128xi32, #tpu.memory_space<hbm>> -> memref<1x2x128xi32, #tpu.memory_space<hbm>>
        %dma_start3A_409 = arith.constant 1 : i32
        %dma_start3A_410 = arith.constant 0 : i32
        %dma_start3A_411 = arith.constant 0 : i32
        %dma_start3A_412 = tpu.memref_slice %arg6[%dma_start3A_409, %dma_start3A_410, %dma_start3A_411] : memref<4x2x128xi32, #tpu.memory_space<vmem>> -> memref<1x2x128xi32, #tpu.memory_space<vmem>>
        %dma_start3A_413 = arith.constant 0 : i32
        %dma_start3A_414 = arith.constant 0 : i32
        %dma_start3A_415 = arith.constant 0 : i32
        %dma_start3A_416 = tpu.memref_slice %arg2[%arg0, %arg1, %dma_start3A_413, %dma_start3A_414, %dma_start3A_415] : memref<2x16x80x2x128xi32, #tpu.memory_space<hbm>> -> memref<1x1x80x2x128xi32, #tpu.memory_space<hbm>>
        %dma_start3A_417 = tpu.memref_squeeze %dma_start3A_416 : memref<1x1x80x2x128xi32, #tpu.memory_space<hbm>> -> memref<80x2x128xi32, #tpu.memory_space<hbm>>
        %dma_start3A_418 = arith.constant 0 : i32
        %dma_start3A_419 = arith.constant 0 : i32
        %dma_start3A_420 = tpu.memref_slice %dma_start3A_417[%add3A_396, %dma_start3A_418, %dma_start3A_419] : memref<80x2x128xi32, #tpu.memory_space<hbm>> -> memref<1x2x128xi32, #tpu.memory_space<hbm>>
        tpu.enqueue_dma source(%dma_start3A_420 : memref<1x2x128xi32, #tpu.memory_space<hbm>>) target(%dma_start3A_412 : memref<1x2x128xi32, #tpu.memory_space<vmem>>) target_semaphore(%arg12 : memref<!tpu.dma_semaphore, #tpu.memory_space<semaphore_mem>>)
      } else {
      }
      %add3A_316 = arith.constant 2 : i32
      %add3A_317 = arith.addi %mul3A_242, %add3A_316 : i32
      %dma_wait3A_318 = arith.constant 2 : i32
      %dma_wait3A_319 = arith.constant 0 : i32
      %dma_wait3A_320 = arith.constant 0 : i32
      %dma_wait3A_321 = tpu.memref_slice %arg6[%dma_wait3A_318, %dma_wait3A_319, %dma_wait3A_320] : memref<4x2x128xi32, #tpu.memory_space<vmem>> -> memref<1x1x128xi32, #tpu.memory_space<vmem>>
      %dma_wait3A_322 = tpu.memref_squeeze %dma_wait3A_321 : memref<1x1x128xi32, #tpu.memory_space<vmem>> -> memref<128xi32, #tpu.memory_space<vmem>>
      %dma_wait3A_323 = arith.constant 0 : i32
      %dma_wait3A_324 = arith.constant 0 : i32
      %dma_wait3A_325 = tpu.memref_slice %arg3[%dma_wait3A_323, %dma_wait3A_324] : memref<10240x128xf32, #tpu.memory_space<hbm>> -> memref<10240x128xf32, #tpu.memory_space<hbm>>
      tpu.wait_indirect_dma semaphore(%arg9 : memref<!tpu.dma_semaphore, #tpu.memory_space<semaphore_mem>>) src(%dma_wait3A_325 : memref<10240x128xf32, #tpu.memory_space<hbm>>) dst(%arg7 : memref<128x128xf32, #tpu.memory_space<vmem>>)
      %dma_start3A_326 = arith.constant 2 : i32
      %dma_start3A_327 = arith.constant 1 : i32
      %dma_start3A_328 = arith.constant 0 : i32
      %dma_start3A_329 = tpu.memref_slice %arg6[%dma_start3A_326, %dma_start3A_327, %dma_start3A_328] : memref<4x2x128xi32, #tpu.memory_space<vmem>> -> memref<1x1x128xi32, #tpu.memory_space<vmem>>
      %dma_start3A_330 = tpu.memref_squeeze %dma_start3A_329 : memref<1x1x128xi32, #tpu.memory_space<vmem>> -> memref<128xi32, #tpu.memory_space<vmem>>
      %dma_start3A_331 = arith.constant 0 : i32
      %dma_start3A_332 = arith.constant 0 : i32
      %dma_start3A_333 = tpu.memref_slice %arg5[%dma_start3A_331, %dma_start3A_332] : memref<10240x128xf32, #tpu.memory_space<vmem_shared>> -> memref<10240x128xf32, #tpu.memory_space<vmem_shared>>
      tpu.enqueue_indirect_dma source(%arg7 : memref<128x128xf32, #tpu.memory_space<vmem>>) target(%dma_start3A_333 : memref<10240x128xf32, #tpu.memory_space<vmem_shared>>) offsets(%dma_start3A_330 : memref<128xi32, #tpu.memory_space<vmem>>) semaphore(%arg15 : memref<!tpu.dma_semaphore, #tpu.memory_space<semaphore_mem>>) {add = true}
      %dma_wait3A_334 = arith.constant 3 : i32
      %dma_wait3A_335 = arith.constant 0 : i32
      %dma_wait3A_336 = arith.constant 0 : i32
      %dma_wait3A_337 = tpu.memref_slice %arg6[%dma_wait3A_334, %dma_wait3A_335, %dma_wait3A_336] : memref<4x2x128xi32, #tpu.memory_space<vmem>> -> memref<1x1x128xi32, #tpu.memory_space<vmem>>
      %dma_wait3A_338 = tpu.memref_squeeze %dma_wait3A_337 : memref<1x1x128xi32, #tpu.memory_space<vmem>> -> memref<128xi32, #tpu.memory_space<vmem>>
      %dma_wait3A_339 = arith.constant 0 : i32
      %dma_wait3A_340 = arith.constant 0 : i32
      %dma_wait3A_341 = tpu.memref_slice %arg3[%dma_wait3A_339, %dma_wait3A_340] : memref<10240x128xf32, #tpu.memory_space<hbm>> -> memref<10240x128xf32, #tpu.memory_space<hbm>>
      tpu.wait_indirect_dma semaphore(%arg10 : memref<!tpu.dma_semaphore, #tpu.memory_space<semaphore_mem>>) src(%dma_wait3A_341 : memref<10240x128xf32, #tpu.memory_space<hbm>>) dst(%arg8 : memref<128x128xf32, #tpu.memory_space<vmem>>)
      %dma_start3A_342 = arith.constant 3 : i32
      %dma_start3A_343 = arith.constant 1 : i32
      %dma_start3A_344 = arith.constant 0 : i32
      %dma_start3A_345 = tpu.memref_slice %arg6[%dma_start3A_342, %dma_start3A_343, %dma_start3A_344] : memref<4x2x128xi32, #tpu.memory_space<vmem>> -> memref<1x1x128xi32, #tpu.memory_space<vmem>>
      %dma_start3A_346 = tpu.memref_squeeze %dma_start3A_345 : memref<1x1x128xi32, #tpu.memory_space<vmem>> -> memref<128xi32, #tpu.memory_space<vmem>>
      %dma_start3A_347 = arith.constant 0 : i32
      %dma_start3A_348 = arith.constant 0 : i32
      %dma_start3A_349 = tpu.memref_slice %arg5[%dma_start3A_347, %dma_start3A_348] : memref<10240x128xf32, #tpu.memory_space<vmem_shared>> -> memref<10240x128xf32, #tpu.memory_space<vmem_shared>>
      tpu.enqueue_indirect_dma source(%arg8 : memref<128x128xf32, #tpu.memory_space<vmem>>) target(%dma_start3A_349 : memref<10240x128xf32, #tpu.memory_space<vmem_shared>>) offsets(%dma_start3A_346 : memref<128xi32, #tpu.memory_space<vmem>>) semaphore(%arg16 : memref<!tpu.dma_semaphore, #tpu.memory_space<semaphore_mem>>) {add = true}
      %add3A_350 = arith.constant 0 : i32
      %add3A_351 = arith.addi %add3A_317, %add3A_350 : i32
      %dma_wait3A_352 = arith.constant 2 : i32
      %dma_wait3A_353 = arith.constant 1 : i32
      %dma_wait3A_354 = arith.constant 0 : i32
      %dma_wait3A_355 = tpu.memref_slice %arg6[%dma_wait3A_352, %dma_wait3A_353, %dma_wait3A_354] : memref<4x2x128xi32, #tpu.memory_space<vmem>> -> memref<1x1x128xi32, #tpu.memory_space<vmem>>
      %dma_wait3A_356 = tpu.memref_squeeze %dma_wait3A_355 : memref<1x1x128xi32, #tpu.memory_space<vmem>> -> memref<128xi32, #tpu.memory_space<vmem>>
      %dma_wait3A_357 = arith.constant 0 : i32
      %dma_wait3A_358 = arith.constant 0 : i32
      %dma_wait3A_359 = tpu.memref_slice %arg5[%dma_wait3A_357, %dma_wait3A_358] : memref<10240x128xf32, #tpu.memory_space<vmem_shared>> -> memref<10240x128xf32, #tpu.memory_space<vmem_shared>>
      tpu.wait_indirect_dma semaphore(%arg15 : memref<!tpu.dma_semaphore, #tpu.memory_space<semaphore_mem>>) src(%arg7 : memref<128x128xf32, #tpu.memory_space<vmem>>) dst(%dma_wait3A_359 : memref<10240x128xf32, #tpu.memory_space<vmem_shared>>)
      %add3A_360 = arith.constant 2 : i32
      %add3A_361 = arith.addi %add3A_351, %add3A_360 : i32
      %lt3A_362 = arith.cmpi slt, %add3A_361, %add3A_1 : i32
      %convert_element_type3A_363 = arith.extui %lt3A_362 : i1 to i32
      %cond3A_364 = arith.constant 0 : i32
      %cond3A_365 = arith.cmpi ne, %convert_element_type3A_363, %cond3A_364 : i32
      scf.if %cond3A_365 {
        %dma_wait3A_395 = arith.constant 0 : i32
        %dma_wait3A_396 = arith.constant 0 : i32
        %dma_wait3A_397 = arith.constant 0 : i32
        %dma_wait3A_398 = tpu.memref_slice %arg6[%dma_wait3A_395, %dma_wait3A_396, %dma_wait3A_397] : memref<4x2x128xi32, #tpu.memory_space<vmem>> -> memref<1x2x128xi32, #tpu.memory_space<vmem>>
        %dma_wait3A_399 = arith.constant 0 : i32
        %dma_wait3A_400 = arith.constant 0 : i32
        %dma_wait3A_401 = arith.constant 0 : i32
        %dma_wait3A_402 = tpu.memref_slice %arg2[%arg0, %arg1, %dma_wait3A_399, %dma_wait3A_400, %dma_wait3A_401] : memref<2x16x80x2x128xi32, #tpu.memory_space<hbm>> -> memref<1x1x80x2x128xi32, #tpu.memory_space<hbm>>
        %dma_wait3A_403 = tpu.memref_squeeze %dma_wait3A_402 : memref<1x1x80x2x128xi32, #tpu.memory_space<hbm>> -> memref<80x2x128xi32, #tpu.memory_space<hbm>>
        %dma_wait3A_404 = arith.constant 0 : i32
        %dma_wait3A_405 = arith.constant 0 : i32
        %dma_wait3A_406 = arith.constant 0 : i32
        %dma_wait3A_407 = tpu.memref_slice %dma_wait3A_403[%dma_wait3A_404, %dma_wait3A_405, %dma_wait3A_406] : memref<80x2x128xi32, #tpu.memory_space<hbm>> -> memref<1x2x128xi32, #tpu.memory_space<hbm>>
        %dma_wait3A_408 = arith.constant 0 : i32
        %dma_wait3A_409 = arith.constant 0 : i32
        %dma_wait3A_410 = arith.constant 0 : i32
        %dma_wait3A_411 = tpu.memref_slice %arg6[%dma_wait3A_408, %dma_wait3A_409, %dma_wait3A_410] : memref<4x2x128xi32, #tpu.memory_space<vmem>> -> memref<1x2x128xi32, #tpu.memory_space<vmem>>
        %dma_wait3A_412 = arith.constant 0 : i32
        %dma_wait3A_413 = arith.constant 0 : i32
        %dma_wait3A_414 = arith.constant 0 : i32
        %dma_wait3A_415 = tpu.memref_slice %arg2[%arg0, %arg1, %dma_wait3A_412, %dma_wait3A_413, %dma_wait3A_414] : memref<2x16x80x2x128xi32, #tpu.memory_space<hbm>> -> memref<1x1x80x2x128xi32, #tpu.memory_space<hbm>>
        %dma_wait3A_416 = tpu.memref_squeeze %dma_wait3A_415 : memref<1x1x80x2x128xi32, #tpu.memory_space<hbm>> -> memref<80x2x128xi32, #tpu.memory_space<hbm>>
        %dma_wait3A_417 = arith.constant 0 : i32
        %dma_wait3A_418 = arith.constant 0 : i32
        %dma_wait3A_419 = arith.constant 0 : i32
        %dma_wait3A_420 = tpu.memref_slice %dma_wait3A_416[%dma_wait3A_417, %dma_wait3A_418, %dma_wait3A_419] : memref<80x2x128xi32, #tpu.memory_space<hbm>> -> memref<1x2x128xi32, #tpu.memory_space<hbm>>
        tpu.wait_dma2 semaphore(%arg11 : memref<!tpu.dma_semaphore, #tpu.memory_space<semaphore_mem>>) src(%dma_wait3A_420 : memref<1x2x128xi32, #tpu.memory_space<hbm>>) dst(%dma_wait3A_411 : memref<1x2x128xi32, #tpu.memory_space<vmem>>)
        %dma_start3A_421 = arith.constant 0 : i32
        %dma_start3A_422 = arith.constant 0 : i32
        %dma_start3A_423 = arith.constant 0 : i32
        %dma_start3A_424 = tpu.memref_slice %arg6[%dma_start3A_421, %dma_start3A_422, %dma_start3A_423] : memref<4x2x128xi32, #tpu.memory_space<vmem>> -> memref<1x1x128xi32, #tpu.memory_space<vmem>>
        %dma_start3A_425 = tpu.memref_squeeze %dma_start3A_424 : memref<1x1x128xi32, #tpu.memory_space<vmem>> -> memref<128xi32, #tpu.memory_space<vmem>>
        %dma_start3A_426 = arith.constant 0 : i32
        %dma_start3A_427 = arith.constant 0 : i32
        %dma_start3A_428 = tpu.memref_slice %arg3[%dma_start3A_426, %dma_start3A_427] : memref<10240x128xf32, #tpu.memory_space<hbm>> -> memref<10240x128xf32, #tpu.memory_space<hbm>>
        tpu.enqueue_indirect_dma source(%dma_start3A_428 : memref<10240x128xf32, #tpu.memory_space<hbm>>) target(%arg7 : memref<128x128xf32, #tpu.memory_space<vmem>>) offsets(%dma_start3A_425 : memref<128xi32, #tpu.memory_space<vmem>>) semaphore(%arg9 : memref<!tpu.dma_semaphore, #tpu.memory_space<semaphore_mem>>)
      } else {
      }
      %add3A_366 = arith.constant 4 : i32
      %add3A_367 = arith.addi %add3A_351, %add3A_366 : i32
      %lt3A_368 = arith.cmpi slt, %add3A_367, %add3A_1 : i32
      %convert_element_type3A_369 = arith.extui %lt3A_368 : i1 to i32
      %cond3A_370 = arith.constant 0 : i32
      %cond3A_371 = arith.cmpi ne, %convert_element_type3A_369, %cond3A_370 : i32
      scf.if %cond3A_371 {
        %add3A_395 = arith.constant 4 : i32
        %add3A_396 = arith.addi %add3A_351, %add3A_395 : i32
        %dma_start3A_397 = arith.constant 2 : i32
        %dma_start3A_398 = arith.constant 0 : i32
        %dma_start3A_399 = arith.constant 0 : i32
        %dma_start3A_400 = tpu.memref_slice %arg6[%dma_start3A_397, %dma_start3A_398, %dma_start3A_399] : memref<4x2x128xi32, #tpu.memory_space<vmem>> -> memref<1x2x128xi32, #tpu.memory_space<vmem>>
        %dma_start3A_401 = arith.constant 0 : i32
        %dma_start3A_402 = arith.constant 0 : i32
        %dma_start3A_403 = arith.constant 0 : i32
        %dma_start3A_404 = tpu.memref_slice %arg2[%arg0, %arg1, %dma_start3A_401, %dma_start3A_402, %dma_start3A_403] : memref<2x16x80x2x128xi32, #tpu.memory_space<hbm>> -> memref<1x1x80x2x128xi32, #tpu.memory_space<hbm>>
        %dma_start3A_405 = tpu.memref_squeeze %dma_start3A_404 : memref<1x1x80x2x128xi32, #tpu.memory_space<hbm>> -> memref<80x2x128xi32, #tpu.memory_space<hbm>>
        %dma_start3A_406 = arith.constant 0 : i32
        %dma_start3A_407 = arith.constant 0 : i32
        %dma_start3A_408 = tpu.memref_slice %dma_start3A_405[%add3A_396, %dma_start3A_406, %dma_start3A_407] : memref<80x2x128xi32, #tpu.memory_space<hbm>> -> memref<1x2x128xi32, #tpu.memory_space<hbm>>
        %dma_start3A_409 = arith.constant 2 : i32
        %dma_start3A_410 = arith.constant 0 : i32
        %dma_start3A_411 = arith.constant 0 : i32
        %dma_start3A_412 = tpu.memref_slice %arg6[%dma_start3A_409, %dma_start3A_410, %dma_start3A_411] : memref<4x2x128xi32, #tpu.memory_space<vmem>> -> memref<1x2x128xi32, #tpu.memory_space<vmem>>
        %dma_start3A_413 = arith.constant 0 : i32
        %dma_start3A_414 = arith.constant 0 : i32
        %dma_start3A_415 = arith.constant 0 : i32
        %dma_start3A_416 = tpu.memref_slice %arg2[%arg0, %arg1, %dma_start3A_413, %dma_start3A_414, %dma_start3A_415] : memref<2x16x80x2x128xi32, #tpu.memory_space<hbm>> -> memref<1x1x80x2x128xi32, #tpu.memory_space<hbm>>
        %dma_start3A_417 = tpu.memref_squeeze %dma_start3A_416 : memref<1x1x80x2x128xi32, #tpu.memory_space<hbm>> -> memref<80x2x128xi32, #tpu.memory_space<hbm>>
        %dma_start3A_418 = arith.constant 0 : i32
        %dma_start3A_419 = arith.constant 0 : i32
        %dma_start3A_420 = tpu.memref_slice %dma_start3A_417[%add3A_396, %dma_start3A_418, %dma_start3A_419] : memref<80x2x128xi32, #tpu.memory_space<hbm>> -> memref<1x2x128xi32, #tpu.memory_space<hbm>>
        tpu.enqueue_dma source(%dma_start3A_420 : memref<1x2x128xi32, #tpu.memory_space<hbm>>) target(%dma_start3A_412 : memref<1x2x128xi32, #tpu.memory_space<vmem>>) target_semaphore(%arg13 : memref<!tpu.dma_semaphore, #tpu.memory_space<semaphore_mem>>)
      } else {
      }
      %add3A_372 = arith.constant 1 : i32
      %add3A_373 = arith.addi %add3A_317, %add3A_372 : i32
      %dma_wait3A_374 = arith.constant 3 : i32
      %dma_wait3A_375 = arith.constant 1 : i32
      %dma_wait3A_376 = arith.constant 0 : i32
      %dma_wait3A_377 = tpu.memref_slice %arg6[%dma_wait3A_374, %dma_wait3A_375, %dma_wait3A_376] : memref<4x2x128xi32, #tpu.memory_space<vmem>> -> memref<1x1x128xi32, #tpu.memory_space<vmem>>
      %dma_wait3A_378 = tpu.memref_squeeze %dma_wait3A_377 : memref<1x1x128xi32, #tpu.memory_space<vmem>> -> memref<128xi32, #tpu.memory_space<vmem>>
      %dma_wait3A_379 = arith.constant 0 : i32
      %dma_wait3A_380 = arith.constant 0 : i32
      %dma_wait3A_381 = tpu.memref_slice %arg5[%dma_wait3A_379, %dma_wait3A_380] : memref<10240x128xf32, #tpu.memory_space<vmem_shared>> -> memref<10240x128xf32, #tpu.memory_space<vmem_shared>>
      tpu.wait_indirect_dma semaphore(%arg16 : memref<!tpu.dma_semaphore, #tpu.memory_space<semaphore_mem>>) src(%arg8 : memref<128x128xf32, #tpu.memory_space<vmem>>) dst(%dma_wait3A_381 : memref<10240x128xf32, #tpu.memory_space<vmem_shared>>)
      %add3A_382 = arith.constant 2 : i32
      %add3A_383 = arith.addi %add3A_373, %add3A_382 : i32
      %lt3A_384 = arith.cmpi slt, %add3A_383, %add3A_1 : i32
      %convert_element_type3A_385 = arith.extui %lt3A_384 : i1 to i32
      %cond3A_386 = arith.constant 0 : i32
      %cond3A_387 = arith.cmpi ne, %convert_element_type3A_385, %cond3A_386 : i32
      scf.if %cond3A_387 {
        %dma_wait3A_395 = arith.constant 1 : i32
        %dma_wait3A_396 = arith.constant 0 : i32
        %dma_wait3A_397 = arith.constant 0 : i32
        %dma_wait3A_398 = tpu.memref_slice %arg6[%dma_wait3A_395, %dma_wait3A_396, %dma_wait3A_397] : memref<4x2x128xi32, #tpu.memory_space<vmem>> -> memref<1x2x128xi32, #tpu.memory_space<vmem>>
        %dma_wait3A_399 = arith.constant 0 : i32
        %dma_wait3A_400 = arith.constant 0 : i32
        %dma_wait3A_401 = arith.constant 0 : i32
        %dma_wait3A_402 = tpu.memref_slice %arg2[%arg0, %arg1, %dma_wait3A_399, %dma_wait3A_400, %dma_wait3A_401] : memref<2x16x80x2x128xi32, #tpu.memory_space<hbm>> -> memref<1x1x80x2x128xi32, #tpu.memory_space<hbm>>
        %dma_wait3A_403 = tpu.memref_squeeze %dma_wait3A_402 : memref<1x1x80x2x128xi32, #tpu.memory_space<hbm>> -> memref<80x2x128xi32, #tpu.memory_space<hbm>>
        %dma_wait3A_404 = arith.constant 0 : i32
        %dma_wait3A_405 = arith.constant 0 : i32
        %dma_wait3A_406 = arith.constant 0 : i32
        %dma_wait3A_407 = tpu.memref_slice %dma_wait3A_403[%dma_wait3A_404, %dma_wait3A_405, %dma_wait3A_406] : memref<80x2x128xi32, #tpu.memory_space<hbm>> -> memref<1x2x128xi32, #tpu.memory_space<hbm>>
        %dma_wait3A_408 = arith.constant 1 : i32
        %dma_wait3A_409 = arith.constant 0 : i32
        %dma_wait3A_410 = arith.constant 0 : i32
        %dma_wait3A_411 = tpu.memref_slice %arg6[%dma_wait3A_408, %dma_wait3A_409, %dma_wait3A_410] : memref<4x2x128xi32, #tpu.memory_space<vmem>> -> memref<1x2x128xi32, #tpu.memory_space<vmem>>
        %dma_wait3A_412 = arith.constant 0 : i32
        %dma_wait3A_413 = arith.constant 0 : i32
        %dma_wait3A_414 = arith.constant 0 : i32
        %dma_wait3A_415 = tpu.memref_slice %arg2[%arg0, %arg1, %dma_wait3A_412, %dma_wait3A_413, %dma_wait3A_414] : memref<2x16x80x2x128xi32, #tpu.memory_space<hbm>> -> memref<1x1x80x2x128xi32, #tpu.memory_space<hbm>>
        %dma_wait3A_416 = tpu.memref_squeeze %dma_wait3A_415 : memref<1x1x80x2x128xi32, #tpu.memory_space<hbm>> -> memref<80x2x128xi32, #tpu.memory_space<hbm>>
        %dma_wait3A_417 = arith.constant 0 : i32
        %dma_wait3A_418 = arith.constant 0 : i32
        %dma_wait3A_419 = arith.constant 0 : i32
        %dma_wait3A_420 = tpu.memref_slice %dma_wait3A_416[%dma_wait3A_417, %dma_wait3A_418, %dma_wait3A_419] : memref<80x2x128xi32, #tpu.memory_space<hbm>> -> memref<1x2x128xi32, #tpu.memory_space<hbm>>
        tpu.wait_dma2 semaphore(%arg12 : memref<!tpu.dma_semaphore, #tpu.memory_space<semaphore_mem>>) src(%dma_wait3A_420 : memref<1x2x128xi32, #tpu.memory_space<hbm>>) dst(%dma_wait3A_411 : memref<1x2x128xi32, #tpu.memory_space<vmem>>)
        %dma_start3A_421 = arith.constant 1 : i32
        %dma_start3A_422 = arith.constant 0 : i32
        %dma_start3A_423 = arith.constant 0 : i32
        %dma_start3A_424 = tpu.memref_slice %arg6[%dma_start3A_421, %dma_start3A_422, %dma_start3A_423] : memref<4x2x128xi32, #tpu.memory_space<vmem>> -> memref<1x1x128xi32, #tpu.memory_space<vmem>>
        %dma_start3A_425 = tpu.memref_squeeze %dma_start3A_424 : memref<1x1x128xi32, #tpu.memory_space<vmem>> -> memref<128xi32, #tpu.memory_space<vmem>>
        %dma_start3A_426 = arith.constant 0 : i32
        %dma_start3A_427 = arith.constant 0 : i32
        %dma_start3A_428 = tpu.memref_slice %arg3[%dma_start3A_426, %dma_start3A_427] : memref<10240x128xf32, #tpu.memory_space<hbm>> -> memref<10240x128xf32, #tpu.memory_space<hbm>>
        tpu.enqueue_indirect_dma source(%dma_start3A_428 : memref<10240x128xf32, #tpu.memory_space<hbm>>) target(%arg8 : memref<128x128xf32, #tpu.memory_space<vmem>>) offsets(%dma_start3A_425 : memref<128xi32, #tpu.memory_space<vmem>>) semaphore(%arg10 : memref<!tpu.dma_semaphore, #tpu.memory_space<semaphore_mem>>)
      } else {
      }
      %add3A_388 = arith.constant 4 : i32
      %add3A_389 = arith.addi %add3A_373, %add3A_388 : i32
      %lt3A_390 = arith.cmpi slt, %add3A_389, %add3A_1 : i32
      %convert_element_type3A_391 = arith.extui %lt3A_390 : i1 to i32
      %cond3A_392 = arith.constant 0 : i32
      %cond3A_393 = arith.cmpi ne, %convert_element_type3A_391, %cond3A_392 : i32
      scf.if %cond3A_393 {
        %add3A_395 = arith.constant 4 : i32
        %add3A_396 = arith.addi %add3A_373, %add3A_395 : i32
        %dma_start3A_397 = arith.constant 3 : i32
        %dma_start3A_398 = arith.constant 0 : i32
        %dma_start3A_399 = arith.constant 0 : i32
        %dma_start3A_400 = tpu.memref_slice %arg6[%dma_start3A_397, %dma_start3A_398, %dma_start3A_399] : memref<4x2x128xi32, #tpu.memory_space<vmem>> -> memref<1x2x128xi32, #tpu.memory_space<vmem>>
        %dma_start3A_401 = arith.constant 0 : i32
        %dma_start3A_402 = arith.constant 0 : i32
        %dma_start3A_403 = arith.constant 0 : i32
        %dma_start3A_404 = tpu.memref_slice %arg2[%arg0, %arg1, %dma_start3A_401, %dma_start3A_402, %dma_start3A_403] : memref<2x16x80x2x128xi32, #tpu.memory_space<hbm>> -> memref<1x1x80x2x128xi32, #tpu.memory_space<hbm>>
        %dma_start3A_405 = tpu.memref_squeeze %dma_start3A_404 : memref<1x1x80x2x128xi32, #tpu.memory_space<hbm>> -> memref<80x2x128xi32, #tpu.memory_space<hbm>>
        %dma_start3A_406 = arith.constant 0 : i32
        %dma_start3A_407 = arith.constant 0 : i32
        %dma_start3A_408 = tpu.memref_slice %dma_start3A_405[%add3A_396, %dma_start3A_406, %dma_start3A_407] : memref<80x2x128xi32, #tpu.memory_space<hbm>> -> memref<1x2x128xi32, #tpu.memory_space<hbm>>
        %dma_start3A_409 = arith.constant 3 : i32
        %dma_start3A_410 = arith.constant 0 : i32
        %dma_start3A_411 = arith.constant 0 : i32
        %dma_start3A_412 = tpu.memref_slice %arg6[%dma_start3A_409, %dma_start3A_410, %dma_start3A_411] : memref<4x2x128xi32, #tpu.memory_space<vmem>> -> memref<1x2x128xi32, #tpu.memory_space<vmem>>
        %dma_start3A_413 = arith.constant 0 : i32
        %dma_start3A_414 = arith.constant 0 : i32
        %dma_start3A_415 = arith.constant 0 : i32
        %dma_start3A_416 = tpu.memref_slice %arg2[%arg0, %arg1, %dma_start3A_413, %dma_start3A_414, %dma_start3A_415] : memref<2x16x80x2x128xi32, #tpu.memory_space<hbm>> -> memref<1x1x80x2x128xi32, #tpu.memory_space<hbm>>
        %dma_start3A_417 = tpu.memref_squeeze %dma_start3A_416 : memref<1x1x80x2x128xi32, #tpu.memory_space<hbm>> -> memref<80x2x128xi32, #tpu.memory_space<hbm>>
        %dma_start3A_418 = arith.constant 0 : i32
        %dma_start3A_419 = arith.constant 0 : i32
        %dma_start3A_420 = tpu.memref_slice %dma_start3A_417[%add3A_396, %dma_start3A_418, %dma_start3A_419] : memref<80x2x128xi32, #tpu.memory_space<hbm>> -> memref<1x2x128xi32, #tpu.memory_space<hbm>>
        tpu.enqueue_dma source(%dma_start3A_420 : memref<1x2x128xi32, #tpu.memory_space<hbm>>) target(%dma_start3A_412 : memref<1x2x128xi32, #tpu.memory_space<vmem>>) target_semaphore(%arg14 : memref<!tpu.dma_semaphore, #tpu.memory_space<semaphore_mem>>)
      } else {
      }
      %while3A_394 = arith.constant 0 : i32
      scf.yield %while3A_394 : i32
    }
    %while3A_216 = arith.constant 1 : i32
    %while3A_217 = scf.for %while3A_239 = %while3A_213 to %while3A_209 step %while3A_216 iter_args(%while3A_240 = %while3A_215) -> (i32)  : i32 {
      %mul3A_241 = arith.constant 4 : i32
      %mul3A_242 = arith.muli %while3A_239, %mul3A_241 : i32
      %dma_wait3A_243 = arith.constant 0 : i32
      %dma_wait3A_244 = arith.constant 0 : i32
      %dma_wait3A_245 = arith.constant 0 : i32
      %dma_wait3A_246 = tpu.memref_slice %arg6[%dma_wait3A_243, %dma_wait3A_244, %dma_wait3A_245] : memref<4x2x128xi32, #tpu.memory_space<vmem>> -> memref<1x1x128xi32, #tpu.memory_space<vmem>>
      %dma_wait3A_247 = tpu.memref_squeeze %dma_wait3A_246 : memref<1x1x128xi32, #tpu.memory_space<vmem>> -> memref<128xi32, #tpu.memory_space<vmem>>
      %dma_wait3A_248 = arith.constant 0 : i32
      %dma_wait3A_249 = arith.constant 0 : i32
      %dma_wait3A_250 = tpu.memref_slice %arg3[%dma_wait3A_248, %dma_wait3A_249] : memref<10240x128xf32, #tpu.memory_space<hbm>> -> memref<10240x128xf32, #tpu.memory_space<hbm>>
      tpu.wait_indirect_dma semaphore(%arg9 : memref<!tpu.dma_semaphore, #tpu.memory_space<semaphore_mem>>) src(%dma_wait3A_250 : memref<10240x128xf32, #tpu.memory_space<hbm>>) dst(%arg7 : memref<128x128xf32, #tpu.memory_space<vmem>>)
      %dma_start3A_251 = arith.constant 0 : i32
      %dma_start3A_252 = arith.constant 1 : i32
      %dma_start3A_253 = arith.constant 0 : i32
      %dma_start3A_254 = tpu.memref_slice %arg6[%dma_start3A_251, %dma_start3A_252, %dma_start3A_253] : memref<4x2x128xi32, #tpu.memory_space<vmem>> -> memref<1x1x128xi32, #tpu.memory_space<vmem>>
      %dma_start3A_255 = tpu.memref_squeeze %dma_start3A_254 : memref<1x1x128xi32, #tpu.memory_space<vmem>> -> memref<128xi32, #tpu.memory_space<vmem>>
      %dma_start3A_256 = arith.constant 0 : i32
      %dma_start3A_257 = arith.constant 0 : i32
      %dma_start3A_258 = tpu.memref_slice %arg5[%dma_start3A_256, %dma_start3A_257] : memref<10240x128xf32, #tpu.memory_space<vmem_shared>> -> memref<10240x128xf32, #tpu.memory_space<vmem_shared>>
      tpu.enqueue_indirect_dma source(%arg7 : memref<128x128xf32, #tpu.memory_space<vmem>>) target(%dma_start3A_258 : memref<10240x128xf32, #tpu.memory_space<vmem_shared>>) offsets(%dma_start3A_255 : memref<128xi32, #tpu.memory_space<vmem>>) semaphore(%arg15 : memref<!tpu.dma_semaphore, #tpu.memory_space<semaphore_mem>>) {add = true}
      %dma_wait3A_259 = arith.constant 1 : i32
      %dma_wait3A_260 = arith.constant 0 : i32
      %dma_wait3A_261 = arith.constant 0 : i32
      %dma_wait3A_262 = tpu.memref_slice %arg6[%dma_wait3A_259, %dma_wait3A_260, %dma_wait3A_261] : memref<4x2x128xi32, #tpu.memory_space<vmem>> -> memref<1x1x128xi32, #tpu.memory_space<vmem>>
      %dma_wait3A_263 = tpu.memref_squeeze %dma_wait3A_262 : memref<1x1x128xi32, #tpu.memory_space<vmem>> -> memref<128xi32, #tpu.memory_space<vmem>>
      %dma_wait3A_264 = arith.constant 0 : i32
      %dma_wait3A_265 = arith.constant 0 : i32
      %dma_wait3A_266 = tpu.memref_slice %arg3[%dma_wait3A_264, %dma_wait3A_265] : memref<10240x128xf32, #tpu.memory_space<hbm>> -> memref<10240x128xf32, #tpu.memory_space<hbm>>
      tpu.wait_indirect_dma semaphore(%arg10 : memref<!tpu.dma_semaphore, #tpu.memory_space<semaphore_mem>>) src(%dma_wait3A_266 : memref<10240x128xf32, #tpu.memory_space<hbm>>) dst(%arg8 : memref<128x128xf32, #tpu.memory_space<vmem>>)
      %dma_start3A_267 = arith.constant 1 : i32
      %dma_start3A_268 = arith.constant 1 : i32
      %dma_start3A_269 = arith.constant 0 : i32
      %dma_start3A_270 = tpu.memref_slice %arg6[%dma_start3A_267, %dma_start3A_268, %dma_start3A_269] : memref<4x2x128xi32, #tpu.memory_space<vmem>> -> memref<1x1x128xi32, #tpu.memory_space<vmem>>
      %dma_start3A_271 = tpu.memref_squeeze %dma_start3A_270 : memref<1x1x128xi32, #tpu.memory_space<vmem>> -> memref<128xi32, #tpu.memory_space<vmem>>
      %dma_start3A_272 = arith.constant 0 : i32
      %dma_start3A_273 = arith.constant 0 : i32
      %dma_start3A_274 = tpu.memref_slice %arg5[%dma_start3A_272, %dma_start3A_273] : memref<10240x128xf32, #tpu.memory_space<vmem_shared>> -> memref<10240x128xf32, #tpu.memory_space<vmem_shared>>
      tpu.enqueue_indirect_dma source(%arg8 : memref<128x128xf32, #tpu.memory_space<vmem>>) target(%dma_start3A_274 : memref<10240x128xf32, #tpu.memory_space<vmem_shared>>) offsets(%dma_start3A_271 : memref<128xi32, #tpu.memory_space<vmem>>) semaphore(%arg16 : memref<!tpu.dma_semaphore, #tpu.memory_space<semaphore_mem>>) {add = true}
      %add3A_275 = arith.constant 0 : i32
      %add3A_276 = arith.addi %mul3A_242, %add3A_275 : i32
      %dma_wait3A_277 = arith.constant 0 : i32
      %dma_wait3A_278 = arith.constant 1 : i32
      %dma_wait3A_279 = arith.constant 0 : i32
      %dma_wait3A_280 = tpu.memref_slice %arg6[%dma_wait3A_277, %dma_wait3A_278, %dma_wait3A_279] : memref<4x2x128xi32, #tpu.memory_space<vmem>> -> memref<1x1x128xi32, #tpu.memory_space<vmem>>
      %dma_wait3A_281 = tpu.memref_squeeze %dma_wait3A_280 : memref<1x1x128xi32, #tpu.memory_space<vmem>> -> memref<128xi32, #tpu.memory_space<vmem>>
      %dma_wait3A_282 = arith.constant 0 : i32
      %dma_wait3A_283 = arith.constant 0 : i32
      %dma_wait3A_284 = tpu.memref_slice %arg5[%dma_wait3A_282, %dma_wait3A_283] : memref<10240x128xf32, #tpu.memory_space<vmem_shared>> -> memref<10240x128xf32, #tpu.memory_space<vmem_shared>>
      tpu.wait_indirect_dma semaphore(%arg15 : memref<!tpu.dma_semaphore, #tpu.memory_space<semaphore_mem>>) src(%arg7 : memref<128x128xf32, #tpu.memory_space<vmem>>) dst(%dma_wait3A_284 : memref<10240x128xf32, #tpu.memory_space<vmem_shared>>)
      %add3A_285 = arith.constant 2 : i32
      %add3A_286 = arith.addi %add3A_276, %add3A_285 : i32
      %lt3A = arith.cmpi slt, %add3A_286, %add3A_1 : i32
      %convert_element_type3A = arith.extui %lt3A : i1 to i32
      %cond3A = arith.constant 0 : i32
      %cond3A_287 = arith.cmpi ne, %convert_element_type3A, %cond3A : i32
      scf.if %cond3A_287 {
        %dma_wait3A_395 = arith.constant 2 : i32
        %dma_wait3A_396 = arith.constant 0 : i32
        %dma_wait3A_397 = arith.constant 0 : i32
        %dma_wait3A_398 = tpu.memref_slice %arg6[%dma_wait3A_395, %dma_wait3A_396, %dma_wait3A_397] : memref<4x2x128xi32, #tpu.memory_space<vmem>> -> memref<1x2x128xi32, #tpu.memory_space<vmem>>
        %dma_wait3A_399 = arith.constant 0 : i32
        %dma_wait3A_400 = arith.constant 0 : i32
        %dma_wait3A_401 = arith.constant 0 : i32
        %dma_wait3A_402 = tpu.memref_slice %arg2[%arg0, %arg1, %dma_wait3A_399, %dma_wait3A_400, %dma_wait3A_401] : memref<2x16x80x2x128xi32, #tpu.memory_space<hbm>> -> memref<1x1x80x2x128xi32, #tpu.memory_space<hbm>>
        %dma_wait3A_403 = tpu.memref_squeeze %dma_wait3A_402 : memref<1x1x80x2x128xi32, #tpu.memory_space<hbm>> -> memref<80x2x128xi32, #tpu.memory_space<hbm>>
        %dma_wait3A_404 = arith.constant 0 : i32
        %dma_wait3A_405 = arith.constant 0 : i32
        %dma_wait3A_406 = arith.constant 0 : i32
        %dma_wait3A_407 = tpu.memref_slice %dma_wait3A_403[%dma_wait3A_404, %dma_wait3A_405, %dma_wait3A_406] : memref<80x2x128xi32, #tpu.memory_space<hbm>> -> memref<1x2x128xi32, #tpu.memory_space<hbm>>
        %dma_wait3A_408 = arith.constant 2 : i32
        %dma_wait3A_409 = arith.constant 0 : i32
        %dma_wait3A_410 = arith.constant 0 : i32
        %dma_wait3A_411 = tpu.memref_slice %arg6[%dma_wait3A_408, %dma_wait3A_409, %dma_wait3A_410] : memref<4x2x128xi32, #tpu.memory_space<vmem>> -> memref<1x2x128xi32, #tpu.memory_space<vmem>>
        %dma_wait3A_412 = arith.constant 0 : i32
        %dma_wait3A_413 = arith.constant 0 : i32
        %dma_wait3A_414 = arith.constant 0 : i32
        %dma_wait3A_415 = tpu.memref_slice %arg2[%arg0, %arg1, %dma_wait3A_412, %dma_wait3A_413, %dma_wait3A_414] : memref<2x16x80x2x128xi32, #tpu.memory_space<hbm>> -> memref<1x1x80x2x128xi32, #tpu.memory_space<hbm>>
        %dma_wait3A_416 = tpu.memref_squeeze %dma_wait3A_415 : memref<1x1x80x2x128xi32, #tpu.memory_space<hbm>> -> memref<80x2x128xi32, #tpu.memory_space<hbm>>
        %dma_wait3A_417 = arith.constant 0 : i32
        %dma_wait3A_418 = arith.constant 0 : i32
        %dma_wait3A_419 = arith.constant 0 : i32
        %dma_wait3A_420 = tpu.memref_slice %dma_wait3A_416[%dma_wait3A_417, %dma_wait3A_418, %dma_wait3A_419] : memref<80x2x128xi32, #tpu.memory_space<hbm>> -> memref<1x2x128xi32, #tpu.memory_space<hbm>>
        tpu.wait_dma2 semaphore(%arg13 : memref<!tpu.dma_semaphore, #tpu.memory_space<semaphore_mem>>) src(%dma_wait3A_420 : memref<1x2x128xi32, #tpu.memory_space<hbm>>) dst(%dma_wait3A_411 : memref<1x2x128xi32, #tpu.memory_space<vmem>>)
        %dma_start3A_421 = arith.constant 2 : i32
        %dma_start3A_422 = arith.constant 0 : i32
        %dma_start3A_423 = arith.constant 0 : i32
        %dma_start3A_424 = tpu.memref_slice %arg6[%dma_start3A_421, %dma_start3A_422, %dma_start3A_423] : memref<4x2x128xi32, #tpu.memory_space<vmem>> -> memref<1x1x128xi32, #tpu.memory_space<vmem>>
        %dma_start3A_425 = tpu.memref_squeeze %dma_start3A_424 : memref<1x1x128xi32, #tpu.memory_space<vmem>> -> memref<128xi32, #tpu.memory_space<vmem>>
        %dma_start3A_426 = arith.constant 0 : i32
        %dma_start3A_427 = arith.constant 0 : i32
        %dma_start3A_428 = tpu.memref_slice %arg3[%dma_start3A_426, %dma_start3A_427] : memref<10240x128xf32, #tpu.memory_space<hbm>> -> memref<10240x128xf32, #tpu.memory_space<hbm>>
        tpu.enqueue_indirect_dma source(%dma_start3A_428 : memref<10240x128xf32, #tpu.memory_space<hbm>>) target(%arg7 : memref<128x128xf32, #tpu.memory_space<vmem>>) offsets(%dma_start3A_425 : memref<128xi32, #tpu.memory_space<vmem>>) semaphore(%arg9 : memref<!tpu.dma_semaphore, #tpu.memory_space<semaphore_mem>>)
      } else {
      }
      %add3A_288 = arith.constant 4 : i32
      %add3A_289 = arith.addi %add3A_276, %add3A_288 : i32
      %lt3A_290 = arith.cmpi slt, %add3A_289, %add3A_1 : i32
      %convert_element_type3A_291 = arith.extui %lt3A_290 : i1 to i32
      %cond3A_292 = arith.constant 0 : i32
      %cond3A_293 = arith.cmpi ne, %convert_element_type3A_291, %cond3A_292 : i32
      scf.if %cond3A_293 {
        %add3A_395 = arith.constant 4 : i32
        %add3A_396 = arith.addi %add3A_276, %add3A_395 : i32
        %dma_start3A_397 = arith.constant 0 : i32
        %dma_start3A_398 = arith.constant 0 : i32
        %dma_start3A_399 = arith.constant 0 : i32
        %dma_start3A_400 = tpu.memref_slice %arg6[%dma_start3A_397, %dma_start3A_398, %dma_start3A_399] : memref<4x2x128xi32, #tpu.memory_space<vmem>> -> memref<1x2x128xi32, #tpu.memory_space<vmem>>
        %dma_start3A_401 = arith.constant 0 : i32
        %dma_start3A_402 = arith.constant 0 : i32
        %dma_start3A_403 = arith.constant 0 : i32
        %dma_start3A_404 = tpu.memref_slice %arg2[%arg0, %arg1, %dma_start3A_401, %dma_start3A_402, %dma_start3A_403] : memref<2x16x80x2x128xi32, #tpu.memory_space<hbm>> -> memref<1x1x80x2x128xi32, #tpu.memory_space<hbm>>
        %dma_start3A_405 = tpu.memref_squeeze %dma_start3A_404 : memref<1x1x80x2x128xi32, #tpu.memory_space<hbm>> -> memref<80x2x128xi32, #tpu.memory_space<hbm>>
        %dma_start3A_406 = arith.constant 0 : i32
        %dma_start3A_407 = arith.constant 0 : i32
        %dma_start3A_408 = tpu.memref_slice %dma_start3A_405[%add3A_396, %dma_start3A_406, %dma_start3A_407] : memref<80x2x128xi32, #tpu.memory_space<hbm>> -> memref<1x2x128xi32, #tpu.memory_space<hbm>>
        %dma_start3A_409 = arith.constant 0 : i32
        %dma_start3A_410 = arith.constant 0 : i32
        %dma_start3A_411 = arith.constant 0 : i32
        %dma_start3A_412 = tpu.memref_slice %arg6[%dma_start3A_409, %dma_start3A_410, %dma_start3A_411] : memref<4x2x128xi32, #tpu.memory_space<vmem>> -> memref<1x2x128xi32, #tpu.memory_space<vmem>>
        %dma_start3A_413 = arith.constant 0 : i32
        %dma_start3A_414 = arith.constant 0 : i32
        %dma_start3A_415 = arith.constant 0 : i32
        %dma_start3A_416 = tpu.memref_slice %arg2[%arg0, %arg1, %dma_start3A_413, %dma_start3A_414, %dma_start3A_415] : memref<2x16x80x2x128xi32, #tpu.memory_space<hbm>> -> memref<1x1x80x2x128xi32, #tpu.memory_space<hbm>>
        %dma_start3A_417 = tpu.memref_squeeze %dma_start3A_416 : memref<1x1x80x2x128xi32, #tpu.memory_space<hbm>> -> memref<80x2x128xi32, #tpu.memory_space<hbm>>
        %dma_start3A_418 = arith.constant 0 : i32
        %dma_start3A_419 = arith.constant 0 : i32
        %dma_start3A_420 = tpu.memref_slice %dma_start3A_417[%add3A_396, %dma_start3A_418, %dma_start3A_419] : memref<80x2x128xi32, #tpu.memory_space<hbm>> -> memref<1x2x128xi32, #tpu.memory_space<hbm>>
        tpu.enqueue_dma source(%dma_start3A_420 : memref<1x2x128xi32, #tpu.memory_space<hbm>>) target(%dma_start3A_412 : memref<1x2x128xi32, #tpu.memory_space<vmem>>) target_semaphore(%arg11 : memref<!tpu.dma_semaphore, #tpu.memory_space<semaphore_mem>>)
      } else {
      }
      %add3A_294 = arith.constant 1 : i32
      %add3A_295 = arith.addi %mul3A_242, %add3A_294 : i32
      %dma_wait3A_296 = arith.constant 1 : i32
      %dma_wait3A_297 = arith.constant 1 : i32
      %dma_wait3A_298 = arith.constant 0 : i32
      %dma_wait3A_299 = tpu.memref_slice %arg6[%dma_wait3A_296, %dma_wait3A_297, %dma_wait3A_298] : memref<4x2x128xi32, #tpu.memory_space<vmem>> -> memref<1x1x128xi32, #tpu.memory_space<vmem>>
      %dma_wait3A_300 = tpu.memref_squeeze %dma_wait3A_299 : memref<1x1x128xi32, #tpu.memory_space<vmem>> -> memref<128xi32, #tpu.memory_space<vmem>>
      %dma_wait3A_301 = arith.constant 0 : i32
      %dma_wait3A_302 = arith.constant 0 : i32
      %dma_wait3A_303 = tpu.memref_slice %arg5[%dma_wait3A_301, %dma_wait3A_302] : memref<10240x128xf32, #tpu.memory_space<vmem_shared>> -> memref<10240x128xf32, #tpu.memory_space<vmem_shared>>
      tpu.wait_indirect_dma semaphore(%arg16 : memref<!tpu.dma_semaphore, #tpu.memory_space<semaphore_mem>>) src(%arg8 : memref<128x128xf32, #tpu.memory_space<vmem>>) dst(%dma_wait3A_303 : memref<10240x128xf32, #tpu.memory_space<vmem_shared>>)
      %add3A_304 = arith.constant 2 : i32
      %add3A_305 = arith.addi %add3A_295, %add3A_304 : i32
      %lt3A_306 = arith.cmpi slt, %add3A_305, %add3A_1 : i32
      %convert_element_type3A_307 = arith.extui %lt3A_306 : i1 to i32
      %cond3A_308 = arith.constant 0 : i32
      %cond3A_309 = arith.cmpi ne, %convert_element_type3A_307, %cond3A_308 : i32
      scf.if %cond3A_309 {
        %dma_wait3A_395 = arith.constant 3 : i32
        %dma_wait3A_396 = arith.constant 0 : i32
        %dma_wait3A_397 = arith.constant 0 : i32
        %dma_wait3A_398 = tpu.memref_slice %arg6[%dma_wait3A_395, %dma_wait3A_396, %dma_wait3A_397] : memref<4x2x128xi32, #tpu.memory_space<vmem>> -> memref<1x2x128xi32, #tpu.memory_space<vmem>>
        %dma_wait3A_399 = arith.constant 0 : i32
        %dma_wait3A_400 = arith.constant 0 : i32
        %dma_wait3A_401 = arith.constant 0 : i32
        %dma_wait3A_402 = tpu.memref_slice %arg2[%arg0, %arg1, %dma_wait3A_399, %dma_wait3A_400, %dma_wait3A_401] : memref<2x16x80x2x128xi32, #tpu.memory_space<hbm>> -> memref<1x1x80x2x128xi32, #tpu.memory_space<hbm>>
        %dma_wait3A_403 = tpu.memref_squeeze %dma_wait3A_402 : memref<1x1x80x2x128xi32, #tpu.memory_space<hbm>> -> memref<80x2x128xi32, #tpu.memory_space<hbm>>
        %dma_wait3A_404 = arith.constant 0 : i32
        %dma_wait3A_405 = arith.constant 0 : i32
        %dma_wait3A_406 = arith.constant 0 : i32
        %dma_wait3A_407 = tpu.memref_slice %dma_wait3A_403[%dma_wait3A_404, %dma_wait3A_405, %dma_wait3A_406] : memref<80x2x128xi32, #tpu.memory_space<hbm>> -> memref<1x2x128xi32, #tpu.memory_space<hbm>>
        %dma_wait3A_408 = arith.constant 3 : i32
        %dma_wait3A_409 = arith.constant 0 : i32
        %dma_wait3A_410 = arith.constant 0 : i32
        %dma_wait3A_411 = tpu.memref_slice %arg6[%dma_wait3A_408, %dma_wait3A_409, %dma_wait3A_410] : memref<4x2x128xi32, #tpu.memory_space<vmem>> -> memref<1x2x128xi32, #tpu.memory_space<vmem>>
        %dma_wait3A_412 = arith.constant 0 : i32
        %dma_wait3A_413 = arith.constant 0 : i32
        %dma_wait3A_414 = arith.constant 0 : i32
        %dma_wait3A_415 = tpu.memref_slice %arg2[%arg0, %arg1, %dma_wait3A_412, %dma_wait3A_413, %dma_wait3A_414] : memref<2x16x80x2x128xi32, #tpu.memory_space<hbm>> -> memref<1x1x80x2x128xi32, #tpu.memory_space<hbm>>
        %dma_wait3A_416 = tpu.memref_squeeze %dma_wait3A_415 : memref<1x1x80x2x128xi32, #tpu.memory_space<hbm>> -> memref<80x2x128xi32, #tpu.memory_space<hbm>>
        %dma_wait3A_417 = arith.constant 0 : i32
        %dma_wait3A_418 = arith.constant 0 : i32
        %dma_wait3A_419 = arith.constant 0 : i32
        %dma_wait3A_420 = tpu.memref_slice %dma_wait3A_416[%dma_wait3A_417, %dma_wait3A_418, %dma_wait3A_419] : memref<80x2x128xi32, #tpu.memory_space<hbm>> -> memref<1x2x128xi32, #tpu.memory_space<hbm>>
        tpu.wait_dma2 semaphore(%arg14 : memref<!tpu.dma_semaphore, #tpu.memory_space<semaphore_mem>>) src(%dma_wait3A_420 : memref<1x2x128xi32, #tpu.memory_space<hbm>>) dst(%dma_wait3A_411 : memref<1x2x128xi32, #tpu.memory_space<vmem>>)
        %dma_start3A_421 = arith.constant 3 : i32
        %dma_start3A_422 = arith.constant 0 : i32
        %dma_start3A_423 = arith.constant 0 : i32
        %dma_start3A_424 = tpu.memref_slice %arg6[%dma_start3A_421, %dma_start3A_422, %dma_start3A_423] : memref<4x2x128xi32, #tpu.memory_space<vmem>> -> memref<1x1x128xi32, #tpu.memory_space<vmem>>
        %dma_start3A_425 = tpu.memref_squeeze %dma_start3A_424 : memref<1x1x128xi32, #tpu.memory_space<vmem>> -> memref<128xi32, #tpu.memory_space<vmem>>
        %dma_start3A_426 = arith.constant 0 : i32
        %dma_start3A_427 = arith.constant 0 : i32
        %dma_start3A_428 = tpu.memref_slice %arg3[%dma_start3A_426, %dma_start3A_427] : memref<10240x128xf32, #tpu.memory_space<hbm>> -> memref<10240x128xf32, #tpu.memory_space<hbm>>
        tpu.enqueue_indirect_dma source(%dma_start3A_428 : memref<10240x128xf32, #tpu.memory_space<hbm>>) target(%arg8 : memref<128x128xf32, #tpu.memory_space<vmem>>) offsets(%dma_start3A_425 : memref<128xi32, #tpu.memory_space<vmem>>) semaphore(%arg10 : memref<!tpu.dma_semaphore, #tpu.memory_space<semaphore_mem>>)
      } else {
      }
      %add3A_310 = arith.constant 4 : i32
      %add3A_311 = arith.addi %add3A_295, %add3A_310 : i32
      %lt3A_312 = arith.cmpi slt, %add3A_311, %add3A_1 : i32
      %convert_element_type3A_313 = arith.extui %lt3A_312 : i1 to i32
      %cond3A_314 = arith.constant 0 : i32
      %cond3A_315 = arith.cmpi ne, %convert_element_type3A_313, %cond3A_314 : i32
      scf.if %cond3A_315 {
        %add3A_395 = arith.constant 4 : i32
        %add3A_396 = arith.addi %add3A_295, %add3A_395 : i32
        %dma_start3A_397 = arith.constant 1 : i32
        %dma_start3A_398 = arith.constant 0 : i32
        %dma_start3A_399 = arith.constant 0 : i32
        %dma_start3A_400 = tpu.memref_slice %arg6[%dma_start3A_397, %dma_start3A_398, %dma_start3A_399] : memref<4x2x128xi32, #tpu.memory_space<vmem>> -> memref<1x2x128xi32, #tpu.memory_space<vmem>>
        %dma_start3A_401 = arith.constant 0 : i32
        %dma_start3A_402 = arith.constant 0 : i32
        %dma_start3A_403 = arith.constant 0 : i32
        %dma_start3A_404 = tpu.memref_slice %arg2[%arg0, %arg1, %dma_start3A_401, %dma_start3A_402, %dma_start3A_403] : memref<2x16x80x2x128xi32, #tpu.memory_space<hbm>> -> memref<1x1x80x2x128xi32, #tpu.memory_space<hbm>>
        %dma_start3A_405 = tpu.memref_squeeze %dma_start3A_404 : memref<1x1x80x2x128xi32, #tpu.memory_space<hbm>> -> memref<80x2x128xi32, #tpu.memory_space<hbm>>
        %dma_start3A_406 = arith.constant 0 : i32
        %dma_start3A_407 = arith.constant 0 : i32
        %dma_start3A_408 = tpu.memref_slice %dma_start3A_405[%add3A_396, %dma_start3A_406, %dma_start3A_407] : memref<80x2x128xi32, #tpu.memory_space<hbm>> -> memref<1x2x128xi32, #tpu.memory_space<hbm>>
        %dma_start3A_409 = arith.constant 1 : i32
        %dma_start3A_410 = arith.constant 0 : i32
        %dma_start3A_411 = arith.constant 0 : i32
        %dma_start3A_412 = tpu.memref_slice %arg6[%dma_start3A_409, %dma_start3A_410, %dma_start3A_411] : memref<4x2x128xi32, #tpu.memory_space<vmem>> -> memref<1x2x128xi32, #tpu.memory_space<vmem>>
        %dma_start3A_413 = arith.constant 0 : i32
        %dma_start3A_414 = arith.constant 0 : i32
        %dma_start3A_415 = arith.constant 0 : i32
        %dma_start3A_416 = tpu.memref_slice %arg2[%arg0, %arg1, %dma_start3A_413, %dma_start3A_414, %dma_start3A_415] : memref<2x16x80x2x128xi32, #tpu.memory_space<hbm>> -> memref<1x1x80x2x128xi32, #tpu.memory_space<hbm>>
        %dma_start3A_417 = tpu.memref_squeeze %dma_start3A_416 : memref<1x1x80x2x128xi32, #tpu.memory_space<hbm>> -> memref<80x2x128xi32, #tpu.memory_space<hbm>>
        %dma_start3A_418 = arith.constant 0 : i32
        %dma_start3A_419 = arith.constant 0 : i32
        %dma_start3A_420 = tpu.memref_slice %dma_start3A_417[%add3A_396, %dma_start3A_418, %dma_start3A_419] : memref<80x2x128xi32, #tpu.memory_space<hbm>> -> memref<1x2x128xi32, #tpu.memory_space<hbm>>
        tpu.enqueue_dma source(%dma_start3A_420 : memref<1x2x128xi32, #tpu.memory_space<hbm>>) target(%dma_start3A_412 : memref<1x2x128xi32, #tpu.memory_space<vmem>>) target_semaphore(%arg12 : memref<!tpu.dma_semaphore, #tpu.memory_space<semaphore_mem>>)
      } else {
      }
      %add3A_316 = arith.constant 2 : i32
      %add3A_317 = arith.addi %mul3A_242, %add3A_316 : i32
      %dma_wait3A_318 = arith.constant 2 : i32
      %dma_wait3A_319 = arith.constant 0 : i32
      %dma_wait3A_320 = arith.constant 0 : i32
      %dma_wait3A_321 = tpu.memref_slice %arg6[%dma_wait3A_318, %dma_wait3A_319, %dma_wait3A_320] : memref<4x2x128xi32, #tpu.memory_space<vmem>> -> memref<1x1x128xi32, #tpu.memory_space<vmem>>
      %dma_wait3A_322 = tpu.memref_squeeze %dma_wait3A_321 : memref<1x1x128xi32, #tpu.memory_space<vmem>> -> memref<128xi32, #tpu.memory_space<vmem>>
      %dma_wait3A_323 = arith.constant 0 : i32
      %dma_wait3A_324 = arith.constant 0 : i32
      %dma_wait3A_325 = tpu.memref_slice %arg3[%dma_wait3A_323, %dma_wait3A_324] : memref<10240x128xf32, #tpu.memory_space<hbm>> -> memref<10240x128xf32, #tpu.memory_space<hbm>>
      tpu.wait_indirect_dma semaphore(%arg9 : memref<!tpu.dma_semaphore, #tpu.memory_space<semaphore_mem>>) src(%dma_wait3A_325 : memref<10240x128xf32, #tpu.memory_space<hbm>>) dst(%arg7 : memref<128x128xf32, #tpu.memory_space<vmem>>)
      %dma_start3A_326 = arith.constant 2 : i32
      %dma_start3A_327 = arith.constant 1 : i32
      %dma_start3A_328 = arith.constant 0 : i32
      %dma_start3A_329 = tpu.memref_slice %arg6[%dma_start3A_326, %dma_start3A_327, %dma_start3A_328] : memref<4x2x128xi32, #tpu.memory_space<vmem>> -> memref<1x1x128xi32, #tpu.memory_space<vmem>>
      %dma_start3A_330 = tpu.memref_squeeze %dma_start3A_329 : memref<1x1x128xi32, #tpu.memory_space<vmem>> -> memref<128xi32, #tpu.memory_space<vmem>>
      %dma_start3A_331 = arith.constant 0 : i32
      %dma_start3A_332 = arith.constant 0 : i32
      %dma_start3A_333 = tpu.memref_slice %arg5[%dma_start3A_331, %dma_start3A_332] : memref<10240x128xf32, #tpu.memory_space<vmem_shared>> -> memref<10240x128xf32, #tpu.memory_space<vmem_shared>>
      tpu.enqueue_indirect_dma source(%arg7 : memref<128x128xf32, #tpu.memory_space<vmem>>) target(%dma_start3A_333 : memref<10240x128xf32, #tpu.memory_space<vmem_shared>>) offsets(%dma_start3A_330 : memref<128xi32, #tpu.memory_space<vmem>>) semaphore(%arg15 : memref<!tpu.dma_semaphore, #tpu.memory_space<semaphore_mem>>) {add = true}
      %dma_wait3A_334 = arith.constant 3 : i32
      %dma_wait3A_335 = arith.constant 0 : i32
      %dma_wait3A_336 = arith.constant 0 : i32
      %dma_wait3A_337 = tpu.memref_slice %arg6[%dma_wait3A_334, %dma_wait3A_335, %dma_wait3A_336] : memref<4x2x128xi32, #tpu.memory_space<vmem>> -> memref<1x1x128xi32, #tpu.memory_space<vmem>>
      %dma_wait3A_338 = tpu.memref_squeeze %dma_wait3A_337 : memref<1x1x128xi32, #tpu.memory_space<vmem>> -> memref<128xi32, #tpu.memory_space<vmem>>
      %dma_wait3A_339 = arith.constant 0 : i32
      %dma_wait3A_340 = arith.constant 0 : i32
      %dma_wait3A_341 = tpu.memref_slice %arg3[%dma_wait3A_339, %dma_wait3A_340] : memref<10240x128xf32, #tpu.memory_space<hbm>> -> memref<10240x128xf32, #tpu.memory_space<hbm>>
      tpu.wait_indirect_dma semaphore(%arg10 : memref<!tpu.dma_semaphore, #tpu.memory_space<semaphore_mem>>) src(%dma_wait3A_341 : memref<10240x128xf32, #tpu.memory_space<hbm>>) dst(%arg8 : memref<128x128xf32, #tpu.memory_space<vmem>>)
      %dma_start3A_342 = arith.constant 3 : i32
      %dma_start3A_343 = arith.constant 1 : i32
      %dma_start3A_344 = arith.constant 0 : i32
      %dma_start3A_345 = tpu.memref_slice %arg6[%dma_start3A_342, %dma_start3A_343, %dma_start3A_344] : memref<4x2x128xi32, #tpu.memory_space<vmem>> -> memref<1x1x128xi32, #tpu.memory_space<vmem>>
      %dma_start3A_346 = tpu.memref_squeeze %dma_start3A_345 : memref<1x1x128xi32, #tpu.memory_space<vmem>> -> memref<128xi32, #tpu.memory_space<vmem>>
      %dma_start3A_347 = arith.constant 0 : i32
      %dma_start3A_348 = arith.constant 0 : i32
      %dma_start3A_349 = tpu.memref_slice %arg5[%dma_start3A_347, %dma_start3A_348] : memref<10240x128xf32, #tpu.memory_space<vmem_shared>> -> memref<10240x128xf32, #tpu.memory_space<vmem_shared>>
      tpu.enqueue_indirect_dma source(%arg8 : memref<128x128xf32, #tpu.memory_space<vmem>>) target(%dma_start3A_349 : memref<10240x128xf32, #tpu.memory_space<vmem_shared>>) offsets(%dma_start3A_346 : memref<128xi32, #tpu.memory_space<vmem>>) semaphore(%arg16 : memref<!tpu.dma_semaphore, #tpu.memory_space<semaphore_mem>>) {add = true}
      %add3A_350 = arith.constant 0 : i32
      %add3A_351 = arith.addi %add3A_317, %add3A_350 : i32
      %dma_wait3A_352 = arith.constant 2 : i32
      %dma_wait3A_353 = arith.constant 1 : i32
      %dma_wait3A_354 = arith.constant 0 : i32
      %dma_wait3A_355 = tpu.memref_slice %arg6[%dma_wait3A_352, %dma_wait3A_353, %dma_wait3A_354] : memref<4x2x128xi32, #tpu.memory_space<vmem>> -> memref<1x1x128xi32, #tpu.memory_space<vmem>>
      %dma_wait3A_356 = tpu.memref_squeeze %dma_wait3A_355 : memref<1x1x128xi32, #tpu.memory_space<vmem>> -> memref<128xi32, #tpu.memory_space<vmem>>
      %dma_wait3A_357 = arith.constant 0 : i32
      %dma_wait3A_358 = arith.constant 0 : i32
      %dma_wait3A_359 = tpu.memref_slice %arg5[%dma_wait3A_357, %dma_wait3A_358] : memref<10240x128xf32, #tpu.memory_space<vmem_shared>> -> memref<10240x128xf32, #tpu.memory_space<vmem_shared>>
      tpu.wait_indirect_dma semaphore(%arg15 : memref<!tpu.dma_semaphore, #tpu.memory_space<semaphore_mem>>) src(%arg7 : memref<128x128xf32, #tpu.memory_space<vmem>>) dst(%dma_wait3A_359 : memref<10240x128xf32, #tpu.memory_space<vmem_shared>>)
      %add3A_360 = arith.constant 2 : i32
      %add3A_361 = arith.addi %add3A_351, %add3A_360 : i32
      %lt3A_362 = arith.cmpi slt, %add3A_361, %add3A_1 : i32
      %convert_element_type3A_363 = arith.extui %lt3A_362 : i1 to i32
      %cond3A_364 = arith.constant 0 : i32
      %cond3A_365 = arith.cmpi ne, %convert_element_type3A_363, %cond3A_364 : i32
      scf.if %cond3A_365 {
        %dma_wait3A_395 = arith.constant 0 : i32
        %dma_wait3A_396 = arith.constant 0 : i32
        %dma_wait3A_397 = arith.constant 0 : i32
        %dma_wait3A_398 = tpu.memref_slice %arg6[%dma_wait3A_395, %dma_wait3A_396, %dma_wait3A_397] : memref<4x2x128xi32, #tpu.memory_space<vmem>> -> memref<1x2x128xi32, #tpu.memory_space<vmem>>
        %dma_wait3A_399 = arith.constant 0 : i32
        %dma_wait3A_400 = arith.constant 0 : i32
        %dma_wait3A_401 = arith.constant 0 : i32
        %dma_wait3A_402 = tpu.memref_slice %arg2[%arg0, %arg1, %dma_wait3A_399, %dma_wait3A_400, %dma_wait3A_401] : memref<2x16x80x2x128xi32, #tpu.memory_space<hbm>> -> memref<1x1x80x2x128xi32, #tpu.memory_space<hbm>>
        %dma_wait3A_403 = tpu.memref_squeeze %dma_wait3A_402 : memref<1x1x80x2x128xi32, #tpu.memory_space<hbm>> -> memref<80x2x128xi32, #tpu.memory_space<hbm>>
        %dma_wait3A_404 = arith.constant 0 : i32
        %dma_wait3A_405 = arith.constant 0 : i32
        %dma_wait3A_406 = arith.constant 0 : i32
        %dma_wait3A_407 = tpu.memref_slice %dma_wait3A_403[%dma_wait3A_404, %dma_wait3A_405, %dma_wait3A_406] : memref<80x2x128xi32, #tpu.memory_space<hbm>> -> memref<1x2x128xi32, #tpu.memory_space<hbm>>
        %dma_wait3A_408 = arith.constant 0 : i32
        %dma_wait3A_409 = arith.constant 0 : i32
        %dma_wait3A_410 = arith.constant 0 : i32
        %dma_wait3A_411 = tpu.memref_slice %arg6[%dma_wait3A_408, %dma_wait3A_409, %dma_wait3A_410] : memref<4x2x128xi32, #tpu.memory_space<vmem>> -> memref<1x2x128xi32, #tpu.memory_space<vmem>>
        %dma_wait3A_412 = arith.constant 0 : i32
        %dma_wait3A_413 = arith.constant 0 : i32
        %dma_wait3A_414 = arith.constant 0 : i32
        %dma_wait3A_415 = tpu.memref_slice %arg2[%arg0, %arg1, %dma_wait3A_412, %dma_wait3A_413, %dma_wait3A_414] : memref<2x16x80x2x128xi32, #tpu.memory_space<hbm>> -> memref<1x1x80x2x128xi32, #tpu.memory_space<hbm>>
        %dma_wait3A_416 = tpu.memref_squeeze %dma_wait3A_415 : memref<1x1x80x2x128xi32, #tpu.memory_space<hbm>> -> memref<80x2x128xi32, #tpu.memory_space<hbm>>
        %dma_wait3A_417 = arith.constant 0 : i32
        %dma_wait3A_418 = arith.constant 0 : i32
        %dma_wait3A_419 = arith.constant 0 : i32
        %dma_wait3A_420 = tpu.memref_slice %dma_wait3A_416[%dma_wait3A_417, %dma_wait3A_418, %dma_wait3A_419] : memref<80x2x128xi32, #tpu.memory_space<hbm>> -> memref<1x2x128xi32, #tpu.memory_space<hbm>>
        tpu.wait_dma2 semaphore(%arg11 : memref<!tpu.dma_semaphore, #tpu.memory_space<semaphore_mem>>) src(%dma_wait3A_420 : memref<1x2x128xi32, #tpu.memory_space<hbm>>) dst(%dma_wait3A_411 : memref<1x2x128xi32, #tpu.memory_space<vmem>>)
        %dma_start3A_421 = arith.constant 0 : i32
        %dma_start3A_422 = arith.constant 0 : i32
        %dma_start3A_423 = arith.constant 0 : i32
        %dma_start3A_424 = tpu.memref_slice %arg6[%dma_start3A_421, %dma_start3A_422, %dma_start3A_423] : memref<4x2x128xi32, #tpu.memory_space<vmem>> -> memref<1x1x128xi32, #tpu.memory_space<vmem>>
        %dma_start3A_425 = tpu.memref_squeeze %dma_start3A_424 : memref<1x1x128xi32, #tpu.memory_space<vmem>> -> memref<128xi32, #tpu.memory_space<vmem>>
        %dma_start3A_426 = arith.constant 0 : i32
        %dma_start3A_427 = arith.constant 0 : i32
        %dma_start3A_428 = tpu.memref_slice %arg3[%dma_start3A_426, %dma_start3A_427] : memref<10240x128xf32, #tpu.memory_space<hbm>> -> memref<10240x128xf32, #tpu.memory_space<hbm>>
        tpu.enqueue_indirect_dma source(%dma_start3A_428 : memref<10240x128xf32, #tpu.memory_space<hbm>>) target(%arg7 : memref<128x128xf32, #tpu.memory_space<vmem>>) offsets(%dma_start3A_425 : memref<128xi32, #tpu.memory_space<vmem>>) semaphore(%arg9 : memref<!tpu.dma_semaphore, #tpu.memory_space<semaphore_mem>>)
      } else {
      }
      %add3A_366 = arith.constant 4 : i32
      %add3A_367 = arith.addi %add3A_351, %add3A_366 : i32
      %lt3A_368 = arith.cmpi slt, %add3A_367, %add3A_1 : i32
      %convert_element_type3A_369 = arith.extui %lt3A_368 : i1 to i32
      %cond3A_370 = arith.constant 0 : i32
      %cond3A_371 = arith.cmpi ne, %convert_element_type3A_369, %cond3A_370 : i32
      scf.if %cond3A_371 {
        %add3A_395 = arith.constant 4 : i32
        %add3A_396 = arith.addi %add3A_351, %add3A_395 : i32
        %dma_start3A_397 = arith.constant 2 : i32
        %dma_start3A_398 = arith.constant 0 : i32
        %dma_start3A_399 = arith.constant 0 : i32
        %dma_start3A_400 = tpu.memref_slice %arg6[%dma_start3A_397, %dma_start3A_398, %dma_start3A_399] : memref<4x2x128xi32, #tpu.memory_space<vmem>> -> memref<1x2x128xi32, #tpu.memory_space<vmem>>
        %dma_start3A_401 = arith.constant 0 : i32
        %dma_start3A_402 = arith.constant 0 : i32
        %dma_start3A_403 = arith.constant 0 : i32
        %dma_start3A_404 = tpu.memref_slice %arg2[%arg0, %arg1, %dma_start3A_401, %dma_start3A_402, %dma_start3A_403] : memref<2x16x80x2x128xi32, #tpu.memory_space<hbm>> -> memref<1x1x80x2x128xi32, #tpu.memory_space<hbm>>
        %dma_start3A_405 = tpu.memref_squeeze %dma_start3A_404 : memref<1x1x80x2x128xi32, #tpu.memory_space<hbm>> -> memref<80x2x128xi32, #tpu.memory_space<hbm>>
        %dma_start3A_406 = arith.constant 0 : i32
        %dma_start3A_407 = arith.constant 0 : i32
        %dma_start3A_408 = tpu.memref_slice %dma_start3A_405[%add3A_396, %dma_start3A_406, %dma_start3A_407] : memref<80x2x128xi32, #tpu.memory_space<hbm>> -> memref<1x2x128xi32, #tpu.memory_space<hbm>>
        %dma_start3A_409 = arith.constant 2 : i32
        %dma_start3A_410 = arith.constant 0 : i32
        %dma_start3A_411 = arith.constant 0 : i32
        %dma_start3A_412 = tpu.memref_slice %arg6[%dma_start3A_409, %dma_start3A_410, %dma_start3A_411] : memref<4x2x128xi32, #tpu.memory_space<vmem>> -> memref<1x2x128xi32, #tpu.memory_space<vmem>>
        %dma_start3A_413 = arith.constant 0 : i32
        %dma_start3A_414 = arith.constant 0 : i32
        %dma_start3A_415 = arith.constant 0 : i32
        %dma_start3A_416 = tpu.memref_slice %arg2[%arg0, %arg1, %dma_start3A_413, %dma_start3A_414, %dma_start3A_415] : memref<2x16x80x2x128xi32, #tpu.memory_space<hbm>> -> memref<1x1x80x2x128xi32, #tpu.memory_space<hbm>>
        %dma_start3A_417 = tpu.memref_squeeze %dma_start3A_416 : memref<1x1x80x2x128xi32, #tpu.memory_space<hbm>> -> memref<80x2x128xi32, #tpu.memory_space<hbm>>
        %dma_start3A_418 = arith.constant 0 : i32
        %dma_start3A_419 = arith.constant 0 : i32
        %dma_start3A_420 = tpu.memref_slice %dma_start3A_417[%add3A_396, %dma_start3A_418, %dma_start3A_419] : memref<80x2x128xi32, #tpu.memory_space<hbm>> -> memref<1x2x128xi32, #tpu.memory_space<hbm>>
        tpu.enqueue_dma source(%dma_start3A_420 : memref<1x2x128xi32, #tpu.memory_space<hbm>>) target(%dma_start3A_412 : memref<1x2x128xi32, #tpu.memory_space<vmem>>) target_semaphore(%arg13 : memref<!tpu.dma_semaphore, #tpu.memory_space<semaphore_mem>>)
      } else {
      }
      %add3A_372 = arith.constant 1 : i32
      %add3A_373 = arith.addi %add3A_317, %add3A_372 : i32
      %dma_wait3A_374 = arith.constant 3 : i32
      %dma_wait3A_375 = arith.constant 1 : i32
      %dma_wait3A_376 = arith.constant 0 : i32
      %dma_wait3A_377 = tpu.memref_slice %arg6[%dma_wait3A_374, %dma_wait3A_375, %dma_wait3A_376] : memref<4x2x128xi32, #tpu.memory_space<vmem>> -> memref<1x1x128xi32, #tpu.memory_space<vmem>>
      %dma_wait3A_378 = tpu.memref_squeeze %dma_wait3A_377 : memref<1x1x128xi32, #tpu.memory_space<vmem>> -> memref<128xi32, #tpu.memory_space<vmem>>
      %dma_wait3A_379 = arith.constant 0 : i32
      %dma_wait3A_380 = arith.constant 0 : i32
      %dma_wait3A_381 = tpu.memref_slice %arg5[%dma_wait3A_379, %dma_wait3A_380] : memref<10240x128xf32, #tpu.memory_space<vmem_shared>> -> memref<10240x128xf32, #tpu.memory_space<vmem_shared>>
      tpu.wait_indirect_dma semaphore(%arg16 : memref<!tpu.dma_semaphore, #tpu.memory_space<semaphore_mem>>) src(%arg8 : memref<128x128xf32, #tpu.memory_space<vmem>>) dst(%dma_wait3A_381 : memref<10240x128xf32, #tpu.memory_space<vmem_shared>>)
      %add3A_382 = arith.constant 2 : i32
      %add3A_383 = arith.addi %add3A_373, %add3A_382 : i32
      %lt3A_384 = arith.cmpi slt, %add3A_383, %add3A_1 : i32
      %convert_element_type3A_385 = arith.extui %lt3A_384 : i1 to i32
      %cond3A_386 = arith.constant 0 : i32
      %cond3A_387 = arith.cmpi ne, %convert_element_type3A_385, %cond3A_386 : i32
      scf.if %cond3A_387 {
        %dma_wait3A_395 = arith.constant 1 : i32
        %dma_wait3A_396 = arith.constant 0 : i32
        %dma_wait3A_397 = arith.constant 0 : i32
        %dma_wait3A_398 = tpu.memref_slice %arg6[%dma_wait3A_395, %dma_wait3A_396, %dma_wait3A_397] : memref<4x2x128xi32, #tpu.memory_space<vmem>> -> memref<1x2x128xi32, #tpu.memory_space<vmem>>
        %dma_wait3A_399 = arith.constant 0 : i32
        %dma_wait3A_400 = arith.constant 0 : i32
        %dma_wait3A_401 = arith.constant 0 : i32
        %dma_wait3A_402 = tpu.memref_slice %arg2[%arg0, %arg1, %dma_wait3A_399, %dma_wait3A_400, %dma_wait3A_401] : memref<2x16x80x2x128xi32, #tpu.memory_space<hbm>> -> memref<1x1x80x2x128xi32, #tpu.memory_space<hbm>>
        %dma_wait3A_403 = tpu.memref_squeeze %dma_wait3A_402 : memref<1x1x80x2x128xi32, #tpu.memory_space<hbm>> -> memref<80x2x128xi32, #tpu.memory_space<hbm>>
        %dma_wait3A_404 = arith.constant 0 : i32
        %dma_wait3A_405 = arith.constant 0 : i32
        %dma_wait3A_406 = arith.constant 0 : i32
        %dma_wait3A_407 = tpu.memref_slice %dma_wait3A_403[%dma_wait3A_404, %dma_wait3A_405, %dma_wait3A_406] : memref<80x2x128xi32, #tpu.memory_space<hbm>> -> memref<1x2x128xi32, #tpu.memory_space<hbm>>
        %dma_wait3A_408 = arith.constant 1 : i32
        %dma_wait3A_409 = arith.constant 0 : i32
        %dma_wait3A_410 = arith.constant 0 : i32
        %dma_wait3A_411 = tpu.memref_slice %arg6[%dma_wait3A_408, %dma_wait3A_409, %dma_wait3A_410] : memref<4x2x128xi32, #tpu.memory_space<vmem>> -> memref<1x2x128xi32, #tpu.memory_space<vmem>>
        %dma_wait3A_412 = arith.constant 0 : i32
        %dma_wait3A_413 = arith.constant 0 : i32
        %dma_wait3A_414 = arith.constant 0 : i32
        %dma_wait3A_415 = tpu.memref_slice %arg2[%arg0, %arg1, %dma_wait3A_412, %dma_wait3A_413, %dma_wait3A_414] : memref<2x16x80x2x128xi32, #tpu.memory_space<hbm>> -> memref<1x1x80x2x128xi32, #tpu.memory_space<hbm>>
        %dma_wait3A_416 = tpu.memref_squeeze %dma_wait3A_415 : memref<1x1x80x2x128xi32, #tpu.memory_space<hbm>> -> memref<80x2x128xi32, #tpu.memory_space<hbm>>
        %dma_wait3A_417 = arith.constant 0 : i32
        %dma_wait3A_418 = arith.constant 0 : i32
        %dma_wait3A_419 = arith.constant 0 : i32
        %dma_wait3A_420 = tpu.memref_slice %dma_wait3A_416[%dma_wait3A_417, %dma_wait3A_418, %dma_wait3A_419] : memref<80x2x128xi32, #tpu.memory_space<hbm>> -> memref<1x2x128xi32, #tpu.memory_space<hbm>>
        tpu.wait_dma2 semaphore(%arg12 : memref<!tpu.dma_semaphore, #tpu.memory_space<semaphore_mem>>) src(%dma_wait3A_420 : memref<1x2x128xi32, #tpu.memory_space<hbm>>) dst(%dma_wait3A_411 : memref<1x2x128xi32, #tpu.memory_space<vmem>>)
        %dma_start3A_421 = arith.constant 1 : i32
        %dma_start3A_422 = arith.constant 0 : i32
        %dma_start3A_423 = arith.constant 0 : i32
        %dma_start3A_424 = tpu.memref_slice %arg6[%dma_start3A_421, %dma_start3A_422, %dma_start3A_423] : memref<4x2x128xi32, #tpu.memory_space<vmem>> -> memref<1x1x128xi32, #tpu.memory_space<vmem>>
        %dma_start3A_425 = tpu.memref_squeeze %dma_start3A_424 : memref<1x1x128xi32, #tpu.memory_space<vmem>> -> memref<128xi32, #tpu.memory_space<vmem>>
        %dma_start3A_426 = arith.constant 0 : i32
        %dma_start3A_427 = arith.constant 0 : i32
        %dma_start3A_428 = tpu.memref_slice %arg3[%dma_start3A_426, %dma_start3A_427] : memref<10240x128xf32, #tpu.memory_space<hbm>> -> memref<10240x128xf32, #tpu.memory_space<hbm>>
        tpu.enqueue_indirect_dma source(%dma_start3A_428 : memref<10240x128xf32, #tpu.memory_space<hbm>>) target(%arg8 : memref<128x128xf32, #tpu.memory_space<vmem>>) offsets(%dma_start3A_425 : memref<128xi32, #tpu.memory_space<vmem>>) semaphore(%arg10 : memref<!tpu.dma_semaphore, #tpu.memory_space<semaphore_mem>>)
      } else {
      }
      %add3A_388 = arith.constant 4 : i32
      %add3A_389 = arith.addi %add3A_373, %add3A_388 : i32
      %lt3A_390 = arith.cmpi slt, %add3A_389, %add3A_1 : i32
      %convert_element_type3A_391 = arith.extui %lt3A_390 : i1 to i32
      %cond3A_392 = arith.constant 0 : i32
      %cond3A_393 = arith.cmpi ne, %convert_element_type3A_391, %cond3A_392 : i32
      scf.if %cond3A_393 {
        %add3A_395 = arith.constant 4 : i32
        %add3A_396 = arith.addi %add3A_373, %add3A_395 : i32
        %dma_start3A_397 = arith.constant 3 : i32
        %dma_start3A_398 = arith.constant 0 : i32
        %dma_start3A_399 = arith.constant 0 : i32
        %dma_start3A_400 = tpu.memref_slice %arg6[%dma_start3A_397, %dma_start3A_398, %dma_start3A_399] : memref<4x2x128xi32, #tpu.memory_space<vmem>> -> memref<1x2x128xi32, #tpu.memory_space<vmem>>
        %dma_start3A_401 = arith.constant 0 : i32
        %dma_start3A_402 = arith.constant 0 : i32
        %dma_start3A_403 = arith.constant 0 : i32
        %dma_start3A_404 = tpu.memref_slice %arg2[%arg0, %arg1, %dma_start3A_401, %dma_start3A_402, %dma_start3A_403] : memref<2x16x80x2x128xi32, #tpu.memory_space<hbm>> -> memref<1x1x80x2x128xi32, #tpu.memory_space<hbm>>
        %dma_start3A_405 = tpu.memref_squeeze %dma_start3A_404 : memref<1x1x80x2x128xi32, #tpu.memory_space<hbm>> -> memref<80x2x128xi32, #tpu.memory_space<hbm>>
        %dma_start3A_406 = arith.constant 0 : i32
        %dma_start3A_407 = arith.constant 0 : i32
        %dma_start3A_408 = tpu.memref_slice %dma_start3A_405[%add3A_396, %dma_start3A_406, %dma_start3A_407] : memref<80x2x128xi32, #tpu.memory_space<hbm>> -> memref<1x2x128xi32, #tpu.memory_space<hbm>>
        %dma_start3A_409 = arith.constant 3 : i32
        %dma_start3A_410 = arith.constant 0 : i32
        %dma_start3A_411 = arith.constant 0 : i32
        %dma_start3A_412 = tpu.memref_slice %arg6[%dma_start3A_409, %dma_start3A_410, %dma_start3A_411] : memref<4x2x128xi32, #tpu.memory_space<vmem>> -> memref<1x2x128xi32, #tpu.memory_space<vmem>>
        %dma_start3A_413 = arith.constant 0 : i32
        %dma_start3A_414 = arith.constant 0 : i32
        %dma_start3A_415 = arith.constant 0 : i32
        %dma_start3A_416 = tpu.memref_slice %arg2[%arg0, %arg1, %dma_start3A_413, %dma_start3A_414, %dma_start3A_415] : memref<2x16x80x2x128xi32, #tpu.memory_space<hbm>> -> memref<1x1x80x2x128xi32, #tpu.memory_space<hbm>>
        %dma_start3A_417 = tpu.memref_squeeze %dma_start3A_416 : memref<1x1x80x2x128xi32, #tpu.memory_space<hbm>> -> memref<80x2x128xi32, #tpu.memory_space<hbm>>
        %dma_start3A_418 = arith.constant 0 : i32
        %dma_start3A_419 = arith.constant 0 : i32
        %dma_start3A_420 = tpu.memref_slice %dma_start3A_417[%add3A_396, %dma_start3A_418, %dma_start3A_419] : memref<80x2x128xi32, #tpu.memory_space<hbm>> -> memref<1x2x128xi32, #tpu.memory_space<hbm>>
        tpu.enqueue_dma source(%dma_start3A_420 : memref<1x2x128xi32, #tpu.memory_space<hbm>>) target(%dma_start3A_412 : memref<1x2x128xi32, #tpu.memory_space<vmem>>) target_semaphore(%arg14 : memref<!tpu.dma_semaphore, #tpu.memory_space<semaphore_mem>>)
      } else {
      }
      %while3A_394 = arith.constant 0 : i32
      scf.yield %while3A_394 : i32
    }
    %barrier3A_218 = arith.constant 0 : index
    tpu.barrier barrier_id(%barrier3A_218)
    %add3A_219 = arith.constant 0 : i32
    %add3A_220 = arith.addi %mul3A_3, %add3A_219 : i32
    "tpu.region"() ({
      %run_scoped3A = tpu.sem_alloc : memref<!tpu.dma_semaphore, #tpu.memory_space<semaphore_mem>>
      %dma_start3A_239 = arith.constant 0 : i32
      %dma_start3A_240 = tpu.memref_slice %arg5[%add3A_220, %dma_start3A_239] : memref<10240x128xf32, #tpu.memory_space<vmem_shared>> -> memref<128x128xf32, #tpu.memory_space<vmem_shared>>
      %dma_start3A_241 = arith.constant 0 : i32
      %dma_start3A_242 = tpu.memref_slice %arg5[%add3A_220, %dma_start3A_241] : memref<10240x128xf32, #tpu.memory_space<vmem_shared>> -> memref<128x128xf32, #tpu.memory_space<vmem_shared>>
      tpu.enqueue_dma source(%dma_start3A_242 : memref<128x128xf32, #tpu.memory_space<vmem_shared>>) target(%arg7 : memref<128x128xf32, #tpu.memory_space<vmem>>) target_semaphore(%run_scoped3A : memref<!tpu.dma_semaphore, #tpu.memory_space<semaphore_mem>>)
      %dma_wait3A_243 = arith.constant 0 : i32
      %dma_wait3A_244 = tpu.memref_slice %arg5[%add3A_220, %dma_wait3A_243] : memref<10240x128xf32, #tpu.memory_space<vmem_shared>> -> memref<128x128xf32, #tpu.memory_space<vmem_shared>>
      %dma_wait3A_245 = arith.constant 0 : i32
      %dma_wait3A_246 = tpu.memref_slice %arg5[%add3A_220, %dma_wait3A_245] : memref<10240x128xf32, #tpu.memory_space<vmem_shared>> -> memref<128x128xf32, #tpu.memory_space<vmem_shared>>
      tpu.wait_dma2 semaphore(%run_scoped3A : memref<!tpu.dma_semaphore, #tpu.memory_space<semaphore_mem>>) src(%dma_wait3A_246 : memref<128x128xf32, #tpu.memory_space<vmem_shared>>) dst(%arg7 : memref<128x128xf32, #tpu.memory_space<vmem>>)
      tpu.yield
    }) : () -> ()
    %add3A_221 = arith.constant 0 : i32
    %add3A_222 = arith.addi %mul3A_3, %add3A_221 : i32
    "tpu.region"() ({
      %run_scoped3A = tpu.sem_alloc : memref<!tpu.dma_semaphore, #tpu.memory_space<semaphore_mem>>
      %dma_start3A_239 = arith.constant 0 : i32
      %dma_start3A_240 = tpu.memref_slice %arg4[%arg0, %add3A_222, %dma_start3A_239] : memref<2x10240x128xf32, #tpu.memory_space<hbm>> -> memref<1x128x128xf32, #tpu.memory_space<hbm>>
      %dma_start3A_241 = tpu.memref_squeeze %dma_start3A_240 : memref<1x128x128xf32, #tpu.memory_space<hbm>> -> memref<128x128xf32, #tpu.memory_space<hbm>>
      %dma_start3A_242 = arith.constant 0 : i32
      %dma_start3A_243 = tpu.memref_slice %arg4[%arg0, %add3A_222, %dma_start3A_242] : memref<2x10240x128xf32, #tpu.memory_space<hbm>> -> memref<1x128x128xf32, #tpu.memory_space<hbm>>
      %dma_start3A_244 = tpu.memref_squeeze %dma_start3A_243 : memref<1x128x128xf32, #tpu.memory_space<hbm>> -> memref<128x128xf32, #tpu.memory_space<hbm>>
      tpu.enqueue_dma source(%arg7 : memref<128x128xf32, #tpu.memory_space<vmem>>) target(%dma_start3A_244 : memref<128x128xf32, #tpu.memory_space<hbm>>) target_semaphore(%run_scoped3A : memref<!tpu.dma_semaphore, #tpu.memory_space<semaphore_mem>>)
      %dma_wait3A_245 = arith.constant 0 : i32
      %dma_wait3A_246 = tpu.memref_slice %arg4[%arg0, %add3A_222, %dma_wait3A_245] : memref<2x10240x128xf32, #tpu.memory_space<hbm>> -> memref<1x128x128xf32, #tpu.memory_space<hbm>>
      %dma_wait3A_247 = tpu.memref_squeeze %dma_wait3A_246 : memref<1x128x128xf32, #tpu.memory_space<hbm>> -> memref<128x128xf32, #tpu.memory_space<hbm>>
      %dma_wait3A_248 = arith.constant 0 : i32
      %dma_wait3A_249 = tpu.memref_slice %arg4[%arg0, %add3A_222, %dma_wait3A_248] : memref<2x10240x128xf32, #tpu.memory_space<hbm>> -> memref<1x128x128xf32, #tpu.memory_space<hbm>>
      %dma_wait3A_250 = tpu.memref_squeeze %dma_wait3A_249 : memref<1x128x128xf32, #tpu.memory_space<hbm>> -> memref<128x128xf32, #tpu.memory_space<hbm>>
      tpu.wait_dma2 semaphore(%run_scoped3A : memref<!tpu.dma_semaphore, #tpu.memory_space<semaphore_mem>>) src(%arg7 : memref<128x128xf32, #tpu.memory_space<vmem>>) dst(%dma_wait3A_250 : memref<128x128xf32, #tpu.memory_space<hbm>>)
      tpu.yield
    }) : () -> ()
    %add3A_223 = arith.constant 128 : i32
    %add3A_224 = arith.addi %mul3A_3, %add3A_223 : i32
    "tpu.region"() ({
      %run_scoped3A = tpu.sem_alloc : memref<!tpu.dma_semaphore, #tpu.memory_space<semaphore_mem>>
      %dma_start3A_239 = arith.constant 0 : i32
      %dma_start3A_240 = tpu.memref_slice %arg5[%add3A_224, %dma_start3A_239] : memref<10240x128xf32, #tpu.memory_space<vmem_shared>> -> memref<128x128xf32, #tpu.memory_space<vmem_shared>>
      %dma_start3A_241 = arith.constant 0 : i32
      %dma_start3A_242 = tpu.memref_slice %arg5[%add3A_224, %dma_start3A_241] : memref<10240x128xf32, #tpu.memory_space<vmem_shared>> -> memref<128x128xf32, #tpu.memory_space<vmem_shared>>
      tpu.enqueue_dma source(%dma_start3A_242 : memref<128x128xf32, #tpu.memory_space<vmem_shared>>) target(%arg8 : memref<128x128xf32, #tpu.memory_space<vmem>>) target_semaphore(%run_scoped3A : memref<!tpu.dma_semaphore, #tpu.memory_space<semaphore_mem>>)
      %dma_wait3A_243 = arith.constant 0 : i32
      %dma_wait3A_244 = tpu.memref_slice %arg5[%add3A_224, %dma_wait3A_243] : memref<10240x128xf32, #tpu.memory_space<vmem_shared>> -> memref<128x128xf32, #tpu.memory_space<vmem_shared>>
      %dma_wait3A_245 = arith.constant 0 : i32
      %dma_wait3A_246 = tpu.memref_slice %arg5[%add3A_224, %dma_wait3A_245] : memref<10240x128xf32, #tpu.memory_space<vmem_shared>> -> memref<128x128xf32, #tpu.memory_space<vmem_shared>>
      tpu.wait_dma2 semaphore(%run_scoped3A : memref<!tpu.dma_semaphore, #tpu.memory_space<semaphore_mem>>) src(%dma_wait3A_246 : memref<128x128xf32, #tpu.memory_space<vmem_shared>>) dst(%arg8 : memref<128x128xf32, #tpu.memory_space<vmem>>)
      tpu.yield
    }) : () -> ()
    %add3A_225 = arith.constant 128 : i32
    %add3A_226 = arith.addi %mul3A_3, %add3A_225 : i32
    "tpu.region"() ({
      %run_scoped3A = tpu.sem_alloc : memref<!tpu.dma_semaphore, #tpu.memory_space<semaphore_mem>>
      %dma_start3A_239 = arith.constant 0 : i32
      %dma_start3A_240 = tpu.memref_slice %arg4[%arg0, %add3A_226, %dma_start3A_239] : memref<2x10240x128xf32, #tpu.memory_space<hbm>> -> memref<1x128x128xf32, #tpu.memory_space<hbm>>
      %dma_start3A_241 = tpu.memref_squeeze %dma_start3A_240 : memref<1x128x128xf32, #tpu.memory_space<hbm>> -> memref<128x128xf32, #tpu.memory_space<hbm>>
      %dma_start3A_242 = arith.constant 0 : i32
      %dma_start3A_243 = tpu.memref_slice %arg4[%arg0, %add3A_226, %dma_start3A_242] : memref<2x10240x128xf32, #tpu.memory_space<hbm>> -> memref<1x128x128xf32, #tpu.memory_space<hbm>>
      %dma_start3A_244 = tpu.memref_squeeze %dma_start3A_243 : memref<1x128x128xf32, #tpu.memory_space<hbm>> -> memref<128x128xf32, #tpu.memory_space<hbm>>
      tpu.enqueue_dma source(%arg8 : memref<128x128xf32, #tpu.memory_space<vmem>>) target(%dma_start3A_244 : memref<128x128xf32, #tpu.memory_space<hbm>>) target_semaphore(%run_scoped3A : memref<!tpu.dma_semaphore, #tpu.memory_space<semaphore_mem>>)
      %dma_wait3A_245 = arith.constant 0 : i32
      %dma_wait3A_246 = tpu.memref_slice %arg4[%arg0, %add3A_226, %dma_wait3A_245] : memref<2x10240x128xf32, #tpu.memory_space<hbm>> -> memref<1x128x128xf32, #tpu.memory_space<hbm>>
      %dma_wait3A_247 = tpu.memref_squeeze %dma_wait3A_246 : memref<1x128x128xf32, #tpu.memory_space<hbm>> -> memref<128x128xf32, #tpu.memory_space<hbm>>
      %dma_wait3A_248 = arith.constant 0 : i32
      %dma_wait3A_249 = tpu.memref_slice %arg4[%arg0, %add3A_226, %dma_wait3A_248] : memref<2x10240x128xf32, #tpu.memory_space<hbm>> -> memref<1x128x128xf32, #tpu.memory_space<hbm>>
      %dma_wait3A_250 = tpu.memref_squeeze %dma_wait3A_249 : memref<1x128x128xf32, #tpu.memory_space<hbm>> -> memref<128x128xf32, #tpu.memory_space<hbm>>
      tpu.wait_dma2 semaphore(%run_scoped3A : memref<!tpu.dma_semaphore, #tpu.memory_space<semaphore_mem>>) src(%arg8 : memref<128x128xf32, #tpu.memory_space<vmem>>) dst(%dma_wait3A_250 : memref<128x128xf32, #tpu.memory_space<hbm>>)
      tpu.yield
    }) : () -> ()
    %add3A_227 = arith.constant 256 : i32
    %add3A_228 = arith.addi %mul3A_3, %add3A_227 : i32
    "tpu.region"() ({
      %run_scoped3A = tpu.sem_alloc : memref<!tpu.dma_semaphore, #tpu.memory_space<semaphore_mem>>
      %dma_start3A_239 = arith.constant 0 : i32
      %dma_start3A_240 = tpu.memref_slice %arg5[%add3A_228, %dma_start3A_239] : memref<10240x128xf32, #tpu.memory_space<vmem_shared>> -> memref<128x128xf32, #tpu.memory_space<vmem_shared>>
      %dma_start3A_241 = arith.constant 0 : i32
      %dma_start3A_242 = tpu.memref_slice %arg5[%add3A_228, %dma_start3A_241] : memref<10240x128xf32, #tpu.memory_space<vmem_shared>> -> memref<128x128xf32, #tpu.memory_space<vmem_shared>>
      tpu.enqueue_dma source(%dma_start3A_242 : memref<128x128xf32, #tpu.memory_space<vmem_shared>>) target(%arg7 : memref<128x128xf32, #tpu.memory_space<vmem>>) target_semaphore(%run_scoped3A : memref<!tpu.dma_semaphore, #tpu.memory_space<semaphore_mem>>)
      %dma_wait3A_243 = arith.constant 0 : i32
      %dma_wait3A_244 = tpu.memref_slice %arg5[%add3A_228, %dma_wait3A_243] : memref<10240x128xf32, #tpu.memory_space<vmem_shared>> -> memref<128x128xf32, #tpu.memory_space<vmem_shared>>
      %dma_wait3A_245 = arith.constant 0 : i32
      %dma_wait3A_246 = tpu.memref_slice %arg5[%add3A_228, %dma_wait3A_245] : memref<10240x128xf32, #tpu.memory_space<vmem_shared>> -> memref<128x128xf32, #tpu.memory_space<vmem_shared>>
      tpu.wait_dma2 semaphore(%run_scoped3A : memref<!tpu.dma_semaphore, #tpu.memory_space<semaphore_mem>>) src(%dma_wait3A_246 : memref<128x128xf32, #tpu.memory_space<vmem_shared>>) dst(%arg7 : memref<128x128xf32, #tpu.memory_space<vmem>>)
      tpu.yield
    }) : () -> ()
    %add3A_229 = arith.constant 256 : i32
    %add3A_230 = arith.addi %mul3A_3, %add3A_229 : i32
    "tpu.region"() ({
      %run_scoped3A = tpu.sem_alloc : memref<!tpu.dma_semaphore, #tpu.memory_space<semaphore_mem>>
      %dma_start3A_239 = arith.constant 0 : i32
      %dma_start3A_240 = tpu.memref_slice %arg4[%arg0, %add3A_230, %dma_start3A_239] : memref<2x10240x128xf32, #tpu.memory_space<hbm>> -> memref<1x128x128xf32, #tpu.memory_space<hbm>>
      %dma_start3A_241 = tpu.memref_squeeze %dma_start3A_240 : memref<1x128x128xf32, #tpu.memory_space<hbm>> -> memref<128x128xf32, #tpu.memory_space<hbm>>
      %dma_start3A_242 = arith.constant 0 : i32
      %dma_start3A_243 = tpu.memref_slice %arg4[%arg0, %add3A_230, %dma_start3A_242] : memref<2x10240x128xf32, #tpu.memory_space<hbm>> -> memref<1x128x128xf32, #tpu.memory_space<hbm>>
      %dma_start3A_244 = tpu.memref_squeeze %dma_start3A_243 : memref<1x128x128xf32, #tpu.memory_space<hbm>> -> memref<128x128xf32, #tpu.memory_space<hbm>>
      tpu.enqueue_dma source(%arg7 : memref<128x128xf32, #tpu.memory_space<vmem>>) target(%dma_start3A_244 : memref<128x128xf32, #tpu.memory_space<hbm>>) target_semaphore(%run_scoped3A : memref<!tpu.dma_semaphore, #tpu.memory_space<semaphore_mem>>)
      %dma_wait3A_245 = arith.constant 0 : i32
      %dma_wait3A_246 = tpu.memref_slice %arg4[%arg0, %add3A_230, %dma_wait3A_245] : memref<2x10240x128xf32, #tpu.memory_space<hbm>> -> memref<1x128x128xf32, #tpu.memory_space<hbm>>
      %dma_wait3A_247 = tpu.memref_squeeze %dma_wait3A_246 : memref<1x128x128xf32, #tpu.memory_space<hbm>> -> memref<128x128xf32, #tpu.memory_space<hbm>>
      %dma_wait3A_248 = arith.constant 0 : i32
      %dma_wait3A_249 = tpu.memref_slice %arg4[%arg0, %add3A_230, %dma_wait3A_248] : memref<2x10240x128xf32, #tpu.memory_space<hbm>> -> memref<1x128x128xf32, #tpu.memory_space<hbm>>
      %dma_wait3A_250 = tpu.memref_squeeze %dma_wait3A_249 : memref<1x128x128xf32, #tpu.memory_space<hbm>> -> memref<128x128xf32, #tpu.memory_space<hbm>>
      tpu.wait_dma2 semaphore(%run_scoped3A : memref<!tpu.dma_semaphore, #tpu.memory_space<semaphore_mem>>) src(%arg7 : memref<128x128xf32, #tpu.memory_space<vmem>>) dst(%dma_wait3A_250 : memref<128x128xf32, #tpu.memory_space<hbm>>)
      tpu.yield
    }) : () -> ()
    %add3A_231 = arith.constant 384 : i32
    %add3A_232 = arith.addi %mul3A_3, %add3A_231 : i32
    "tpu.region"() ({
      %run_scoped3A = tpu.sem_alloc : memref<!tpu.dma_semaphore, #tpu.memory_space<semaphore_mem>>
      %dma_start3A_239 = arith.constant 0 : i32
      %dma_start3A_240 = tpu.memref_slice %arg5[%add3A_232, %dma_start3A_239] : memref<10240x128xf32, #tpu.memory_space<vmem_shared>> -> memref<128x128xf32, #tpu.memory_space<vmem_shared>>
      %dma_start3A_241 = arith.constant 0 : i32
      %dma_start3A_242 = tpu.memref_slice %arg5[%add3A_232, %dma_start3A_241] : memref<10240x128xf32, #tpu.memory_space<vmem_shared>> -> memref<128x128xf32, #tpu.memory_space<vmem_shared>>
      tpu.enqueue_dma source(%dma_start3A_242 : memref<128x128xf32, #tpu.memory_space<vmem_shared>>) target(%arg8 : memref<128x128xf32, #tpu.memory_space<vmem>>) target_semaphore(%run_scoped3A : memref<!tpu.dma_semaphore, #tpu.memory_space<semaphore_mem>>)
      %dma_wait3A_243 = arith.constant 0 : i32
      %dma_wait3A_244 = tpu.memref_slice %arg5[%add3A_232, %dma_wait3A_243] : memref<10240x128xf32, #tpu.memory_space<vmem_shared>> -> memref<128x128xf32, #tpu.memory_space<vmem_shared>>
      %dma_wait3A_245 = arith.constant 0 : i32
      %dma_wait3A_246 = tpu.memref_slice %arg5[%add3A_232, %dma_wait3A_245] : memref<10240x128xf32, #tpu.memory_space<vmem_shared>> -> memref<128x128xf32, #tpu.memory_space<vmem_shared>>
      tpu.wait_dma2 semaphore(%run_scoped3A : memref<!tpu.dma_semaphore, #tpu.memory_space<semaphore_mem>>) src(%dma_wait3A_246 : memref<128x128xf32, #tpu.memory_space<vmem_shared>>) dst(%arg8 : memref<128x128xf32, #tpu.memory_space<vmem>>)
      tpu.yield
    }) : () -> ()
    %add3A_233 = arith.constant 384 : i32
    %add3A_234 = arith.addi %mul3A_3, %add3A_233 : i32
    "tpu.region"() ({
      %run_scoped3A = tpu.sem_alloc : memref<!tpu.dma_semaphore, #tpu.memory_space<semaphore_mem>>
      %dma_start3A_239 = arith.constant 0 : i32
      %dma_start3A_240 = tpu.memref_slice %arg4[%arg0, %add3A_234, %dma_start3A_239] : memref<2x10240x128xf32, #tpu.memory_space<hbm>> -> memref<1x128x128xf32, #tpu.memory_space<hbm>>
      %dma_start3A_241 = tpu.memref_squeeze %dma_start3A_240 : memref<1x128x128xf32, #tpu.memory_space<hbm>> -> memref<128x128xf32, #tpu.memory_space<hbm>>
      %dma_start3A_242 = arith.constant 0 : i32
      %dma_start3A_243 = tpu.memref_slice %arg4[%arg0, %add3A_234, %dma_start3A_242] : memref<2x10240x128xf32, #tpu.memory_space<hbm>> -> memref<1x128x128xf32, #tpu.memory_space<hbm>>
      %dma_start3A_244 = tpu.memref_squeeze %dma_start3A_243 : memref<1x128x128xf32, #tpu.memory_space<hbm>> -> memref<128x128xf32, #tpu.memory_space<hbm>>
      tpu.enqueue_dma source(%arg8 : memref<128x128xf32, #tpu.memory_space<vmem>>) target(%dma_start3A_244 : memref<128x128xf32, #tpu.memory_space<hbm>>) target_semaphore(%run_scoped3A : memref<!tpu.dma_semaphore, #tpu.memory_space<semaphore_mem>>)
      %dma_wait3A_245 = arith.constant 0 : i32
      %dma_wait3A_246 = tpu.memref_slice %arg4[%arg0, %add3A_234, %dma_wait3A_245] : memref<2x10240x128xf32, #tpu.memory_space<hbm>> -> memref<1x128x128xf32, #tpu.memory_space<hbm>>
      %dma_wait3A_247 = tpu.memref_squeeze %dma_wait3A_246 : memref<1x128x128xf32, #tpu.memory_space<hbm>> -> memref<128x128xf32, #tpu.memory_space<hbm>>
      %dma_wait3A_248 = arith.constant 0 : i32
      %dma_wait3A_249 = tpu.memref_slice %arg4[%arg0, %add3A_234, %dma_wait3A_248] : memref<2x10240x128xf32, #tpu.memory_space<hbm>> -> memref<1x128x128xf32, #tpu.memory_space<hbm>>
      %dma_wait3A_250 = tpu.memref_squeeze %dma_wait3A_249 : memref<1x128x128xf32, #tpu.memory_space<hbm>> -> memref<128x128xf32, #tpu.memory_space<hbm>>
      tpu.wait_dma2 semaphore(%run_scoped3A : memref<!tpu.dma_semaphore, #tpu.memory_space<semaphore_mem>>) src(%arg8 : memref<128x128xf32, #tpu.memory_space<vmem>>) dst(%dma_wait3A_250 : memref<128x128xf32, #tpu.memory_space<hbm>>)
      tpu.yield
    }) : () -> ()
    %add3A_235 = arith.constant 512 : i32
    %add3A_236 = arith.addi %mul3A_3, %add3A_235 : i32
    "tpu.region"() ({
      %run_scoped3A = tpu.sem_alloc : memref<!tpu.dma_semaphore, #tpu.memory_space<semaphore_mem>>
      %dma_start3A_239 = arith.constant 0 : i32
      %dma_start3A_240 = tpu.memref_slice %arg5[%add3A_236, %dma_start3A_239] : memref<10240x128xf32, #tpu.memory_space<vmem_shared>> -> memref<128x128xf32, #tpu.memory_space<vmem_shared>>
      %dma_start3A_241 = arith.constant 0 : i32
      %dma_start3A_242 = tpu.memref_slice %arg5[%add3A_236, %dma_start3A_241] : memref<10240x128xf32, #tpu.memory_space<vmem_shared>> -> memref<128x128xf32, #tpu.memory_space<vmem_shared>>
      tpu.enqueue_dma source(%dma_start3A_242 : memref<128x128xf32, #tpu.memory_space<vmem_shared>>) target(%arg7 : memref<128x128xf32, #tpu.memory_space<vmem>>) target_semaphore(%run_scoped3A : memref<!tpu.dma_semaphore, #tpu.memory_space<semaphore_mem>>)
      %dma_wait3A_243 = arith.constant 0 : i32
      %dma_wait3A_244 = tpu.memref_slice %arg5[%add3A_236, %dma_wait3A_243] : memref<10240x128xf32, #tpu.memory_space<vmem_shared>> -> memref<128x128xf32, #tpu.memory_space<vmem_shared>>
      %dma_wait3A_245 = arith.constant 0 : i32
      %dma_wait3A_246 = tpu.memref_slice %arg5[%add3A_236, %dma_wait3A_245] : memref<10240x128xf32, #tpu.memory_space<vmem_shared>> -> memref<128x128xf32, #tpu.memory_space<vmem_shared>>
      tpu.wait_dma2 semaphore(%run_scoped3A : memref<!tpu.dma_semaphore, #tpu.memory_space<semaphore_mem>>) src(%dma_wait3A_246 : memref<128x128xf32, #tpu.memory_space<vmem_shared>>) dst(%arg7 : memref<128x128xf32, #tpu.memory_space<vmem>>)
      tpu.yield
    }) : () -> ()
    %add3A_237 = arith.constant 512 : i32
    %add3A_238 = arith.addi %mul3A_3, %add3A_237 : i32
    "tpu.region"() ({
      %run_scoped3A = tpu.sem_alloc : memref<!tpu.dma_semaphore, #tpu.memory_space<semaphore_mem>>
      %dma_start3A_239 = arith.constant 0 : i32
      %dma_start3A_240 = tpu.memref_slice %arg4[%arg0, %add3A_238, %dma_start3A_239] : memref<2x10240x128xf32, #tpu.memory_space<hbm>> -> memref<1x128x128xf32, #tpu.memory_space<hbm>>
      %dma_start3A_241 = tpu.memref_squeeze %dma_start3A_240 : memref<1x128x128xf32, #tpu.memory_space<hbm>> -> memref<128x128xf32, #tpu.memory_space<hbm>>
      %dma_start3A_242 = arith.constant 0 : i32
      %dma_start3A_243 = tpu.memref_slice %arg4[%arg0, %add3A_238, %dma_start3A_242] : memref<2x10240x128xf32, #tpu.memory_space<hbm>> -> memref<1x128x128xf32, #tpu.memory_space<hbm>>
      %dma_start3A_244 = tpu.memref_squeeze %dma_start3A_243 : memref<1x128x128xf32, #tpu.memory_space<hbm>> -> memref<128x128xf32, #tpu.memory_space<hbm>>
      tpu.enqueue_dma source(%arg7 : memref<128x128xf32, #tpu.memory_space<vmem>>) target(%dma_start3A_244 : memref<128x128xf32, #tpu.memory_space<hbm>>) target_semaphore(%run_scoped3A : memref<!tpu.dma_semaphore, #tpu.memory_space<semaphore_mem>>)
      %dma_wait3A_245 = arith.constant 0 : i32
      %dma_wait3A_246 = tpu.memref_slice %arg4[%arg0, %add3A_238, %dma_wait3A_245] : memref<2x10240x128xf32, #tpu.memory_space<hbm>> -> memref<1x128x128xf32, #tpu.memory_space<hbm>>
      %dma_wait3A_247 = tpu.memref_squeeze %dma_wait3A_246 : memref<1x128x128xf32, #tpu.memory_space<hbm>> -> memref<128x128xf32, #tpu.memory_space<hbm>>
      %dma_wait3A_248 = arith.constant 0 : i32
      %dma_wait3A_249 = tpu.memref_slice %arg4[%arg0, %add3A_238, %dma_wait3A_248] : memref<2x10240x128xf32, #tpu.memory_space<hbm>> -> memref<1x128x128xf32, #tpu.memory_space<hbm>>
      %dma_wait3A_250 = tpu.memref_squeeze %dma_wait3A_249 : memref<1x128x128xf32, #tpu.memory_space<hbm>> -> memref<128x128xf32, #tpu.memory_space<hbm>>
      tpu.wait_dma2 semaphore(%run_scoped3A : memref<!tpu.dma_semaphore, #tpu.memory_space<semaphore_mem>>) src(%arg7 : memref<128x128xf32, #tpu.memory_space<vmem>>) dst(%dma_wait3A_250 : memref<128x128xf32, #tpu.memory_space<hbm>>)
      tpu.yield
    }) : () -> ()
    return
  }
}

module attributes {stable_mosaic.version = 14 : i64} {
  func.func @_h_body(%arg0: i32, %arg1: memref<1024x128xf32, #tpu.memory_space<vmem>>, %arg2: memref<128x128xf32, #tpu.memory_space<vmem>>, %arg3: memref<1024x16xf32, #tpu.memory_space<vmem>>, %arg4: memref<1024x16xf32, #tpu.memory_space<vmem>>, %arg5: memref<1024x128xf32, #tpu.memory_space<vmem>>) attributes {dimension_semantics = [#tpu.dimension_semantics<arbitrary>], iteration_bounds = array<i64: 10>, scalar_prefetch = 0 : i64, scratch_operands = 0 : i64, tpu.core_type = #tpu.core_type<tc>, window_params = [{transform_indices = @transform_0, window_bounds = array<i64: 1024, 128>}, {pipeline_mode = #tpu.pipeline_mode<synchronous>, transform_indices = @transform_1, window_bounds = array<i64: 128, 128>}, {transform_indices = @transform_2, window_bounds = array<i64: 1024, 16>}, {transform_indices = @transform_3, window_bounds = array<i64: 1024, 16>}, {transform_indices = @transform_4, window_bounds = array<i64: 1024, 128>}]} {
    %get3A = arith.constant 0 : index
    %get3A_0 = arith.constant 0 : index
    %get3A_1 = vector.load %arg3[%get3A, %get3A_0] : memref<1024x16xf32, #tpu.memory_space<vmem>>, vector<1024x1xf32>
    %get3A_2 = arith.constant 0 : index
    %get3A_3 = arith.constant 0 : index
    %get3A_4 = vector.load %arg4[%get3A_2, %get3A_3] : memref<1024x16xf32, #tpu.memory_space<vmem>>, vector<1024x1xf32>
    %add3A = arith.addf %get3A_1, %get3A_4 : vector<1024x1xf32>
    %add3A_5 = arith.constant 1.000000e+00 : f32
    %add3A_6 = vector.broadcast %add3A_5 : f32 to vector<1024x1xf32>
    %add3A_7 = arith.addf %add3A, %add3A_6 : vector<1024x1xf32>
    %rsqrt3A = math.rsqrt %add3A_7 : vector<1024x1xf32>
    %get3A_8 = arith.constant 0 : index
    %get3A_9 = arith.constant 0 : index
    %get3A_10 = vector.load %arg1[%get3A_8, %get3A_9] : memref<1024x128xf32, #tpu.memory_space<vmem>>, vector<1024x128xf32>
    %get3A_11 = arith.constant 0 : index
    %get3A_12 = arith.constant 0 : index
    %get3A_13 = vector.load %arg2[%get3A_11, %get3A_12] : memref<128x128xf32, #tpu.memory_space<vmem>>, vector<128x128xf32>
    %dot_general3A = arith.constant dense<0.000000e+00> : vector<1024x128xf32>
    %dot_general3A_14 = tpu.matmul %get3A_10, %get3A_13, %dot_general3A {dimension_numbers = #tpu.dot_dimension_numbers<[1], [0], [0], [1], [0, 0, 1, 1], [], []>, precision = #tpu.contract_precision<fp32>, transpose_lhs_hint = false} : vector<1024x128xf32>, vector<128x128xf32>, vector<1024x128xf32> -> vector<1024x128xf32>
    %mul3A = vector.broadcast %rsqrt3A : vector<1024x1xf32> to vector<1024x128xf32>
    %mul3A_15 = arith.mulf %dot_general3A_14, %mul3A : vector<1024x128xf32>
    %swap3A = arith.constant 0 : index
    %swap3A_16 = arith.constant 0 : index
    %swap3A_17 = vector.load %arg5[%swap3A, %swap3A_16] : memref<1024x128xf32, #tpu.memory_space<vmem>>, vector<1024x128xf32>
    tpu.vector_store %arg5[%swap3A, %swap3A_16], %mul3A_15 {strides = array<i32>} : memref<1024x128xf32, #tpu.memory_space<vmem>>, vector<1024x128xf32>,
    return
  }
  func.func @transform_0(%arg0: i32) -> (i32, i32) {
    %c0_i32 = arith.constant 0 : i32
    %c0_i32_0 = arith.constant 0 : i32
    return %arg0, %c0_i32 : i32, i32
  }
  func.func @transform_1(%arg0: i32) -> (i32, i32) {
    %c0_i32 = arith.constant 0 : i32
    %c0_i32_0 = arith.constant 0 : i32
    %c0_i32_1 = arith.constant 0 : i32
    return %c0_i32, %c0_i32_0 : i32, i32
  }
  func.func @transform_2(%arg0: i32) -> (i32, i32) {
    %c0_i32 = arith.constant 0 : i32
    %c0_i32_0 = arith.constant 0 : i32
    return %arg0, %c0_i32 : i32, i32
  }
  func.func @transform_3(%arg0: i32) -> (i32, i32) {
    %c0_i32 = arith.constant 0 : i32
    %c0_i32_0 = arith.constant 0 : i32
    return %arg0, %c0_i32 : i32, i32
  }
  func.func @transform_4(%arg0: i32) -> (i32, i32) {
    %c0_i32 = arith.constant 0 : i32
    %c0_i32_0 = arith.constant 0 : i32
    return %arg0, %c0_i32 : i32, i32
  }
}

module attributes {stable_mosaic.version = 14 : i64} {
  func.func @_final_body(%arg0: i32, %arg1: memref<2x1024x128xf32, #tpu.memory_space<vmem>>, %arg2: memref<1024x128xf32, #tpu.memory_space<vmem>>, %arg3: memref<1024x16xf32, #tpu.memory_space<vmem>>, %arg4: memref<1024x16xf32, #tpu.memory_space<vmem>>, %arg5: memref<1x128xf32, #tpu.memory_space<vmem>>, %arg6: memref<1x1xf32, #tpu.memory_space<vmem>>, %arg7: memref<1024x128xf32, #tpu.memory_space<vmem>>) attributes {dimension_semantics = [#tpu.dimension_semantics<arbitrary>], iteration_bounds = array<i64: 10>, scalar_prefetch = 0 : i64, scratch_operands = 0 : i64, tpu.core_type = #tpu.core_type<tc>, window_params = [{transform_indices = @transform_0, window_bounds = array<i64: 2, 1024, 128>}, {transform_indices = @transform_1, window_bounds = array<i64: 1024, 128>}, {transform_indices = @transform_2, window_bounds = array<i64: 1024, 16>}, {transform_indices = @transform_3, window_bounds = array<i64: 1024, 16>}, {pipeline_mode = #tpu.pipeline_mode<synchronous>, transform_indices = @transform_4, window_bounds = array<i64: 1, 128>}, {pipeline_mode = #tpu.pipeline_mode<synchronous>, transform_indices = @transform_5, window_bounds = array<i64: 1, 1>}, {transform_indices = @transform_6, window_bounds = array<i64: 1024, 128>}]} {
    %get3A = arith.constant 0 : index
    %get3A_0 = arith.constant 0 : index
    %get3A_1 = vector.load %arg3[%get3A, %get3A_0] : memref<1024x16xf32, #tpu.memory_space<vmem>>, vector<1024x1xf32>
    %get3A_2 = arith.constant 0 : index
    %get3A_3 = arith.constant 0 : index
    %get3A_4 = vector.load %arg4[%get3A_2, %get3A_3] : memref<1024x16xf32, #tpu.memory_space<vmem>>, vector<1024x1xf32>
    %add3A = arith.addf %get3A_1, %get3A_4 : vector<1024x1xf32>
    %add3A_5 = arith.constant 1.000000e+00 : f32
    %add3A_6 = vector.broadcast %add3A_5 : f32 to vector<1024x1xf32>
    %add3A_7 = arith.addf %add3A, %add3A_6 : vector<1024x1xf32>
    %rsqrt3A = math.rsqrt %add3A_7 : vector<1024x1xf32>
    %get3A_8 = arith.constant 0 : index
    %get3A_9 = arith.constant 0 : index
    %get3A_10 = arith.constant 0 : index
    %get3A_11 = vector.load %arg1[%get3A_8, %get3A_9, %get3A_10] : memref<2x1024x128xf32, #tpu.memory_space<vmem>>, vector<1x1024x128xf32>
    %get3A_12 = vector.shape_cast %get3A_11 : vector<1x1024x128xf32> to vector<1024x128xf32>
    %get3A_13 = arith.constant 1 : index
    %get3A_14 = arith.constant 0 : index
    %get3A_15 = arith.constant 0 : index
    %get3A_16 = vector.load %arg1[%get3A_13, %get3A_14, %get3A_15] : memref<2x1024x128xf32, #tpu.memory_space<vmem>>, vector<1x1024x128xf32>
    %get3A_17 = vector.shape_cast %get3A_16 : vector<1x1024x128xf32> to vector<1024x128xf32>
    %add3A_18 = arith.addf %get3A_12, %get3A_17 : vector<1024x128xf32>
    %get3A_19 = arith.constant 0 : index
    %get3A_20 = arith.constant 0 : index
    %get3A_21 = vector.load %arg2[%get3A_19, %get3A_20] : memref<1024x128xf32, #tpu.memory_space<vmem>>, vector<1024x128xf32>
    %add3A_22 = arith.addf %add3A_18, %get3A_21 : vector<1024x128xf32>
    %mul3A = vector.broadcast %rsqrt3A : vector<1024x1xf32> to vector<1024x128xf32>
    %mul3A_23 = arith.mulf %add3A_22, %mul3A : vector<1024x128xf32>
    %get3A_24 = arith.constant 0 : index
    %get3A_25 = arith.constant 0 : index
    %get3A_26 = vector.load %arg5[%get3A_24, %get3A_25] : memref<1x128xf32, #tpu.memory_space<vmem>>, vector<1x128xf32>
    %add3A_27 = vector.broadcast %get3A_26 : vector<1x128xf32> to vector<1024x128xf32>
    %add3A_28 = arith.addf %mul3A_23, %add3A_27 : vector<1024x128xf32>
    %get3A_29 = arith.constant 0 : index
    %get3A_30 = arith.constant 0 : index
    %get3A_31 = vector.load %arg6[%get3A_29, %get3A_30] : memref<1x1xf32, #tpu.memory_space<vmem>>, vector<1x1xf32>
    %get3A_32 = vector.extract %get3A_31[0, 0] : f32 from vector<1x1xf32>
    %ge3A = arith.constant 0.000000e+00 : f32
    %ge3A_33 = vector.broadcast %ge3A : f32 to vector<1024x128xf32>
    %ge3A_34 = arith.cmpf oge, %add3A_28, %ge3A_33 : vector<1024x128xf32>
    %mul3A_35 = vector.broadcast %get3A_32 : f32 to vector<1024x128xf32>
    %mul3A_36 = arith.mulf %mul3A_35, %add3A_28 : vector<1024x128xf32>
    %select_n3A = arith.select %ge3A_34, %add3A_28, %mul3A_36 : vector<1024x128xi1>, vector<1024x128xf32>
    %swap3A = arith.constant 0 : index
    %swap3A_37 = arith.constant 0 : index
    %swap3A_38 = vector.load %arg7[%swap3A, %swap3A_37] : memref<1024x128xf32, #tpu.memory_space<vmem>>, vector<1024x128xf32>
    tpu.vector_store %arg7[%swap3A, %swap3A_37], %select_n3A {strides = array<i32>} : memref<1024x128xf32, #tpu.memory_space<vmem>>, vector<1024x128xf32>,
    return
  }
  func.func @transform_0(%arg0: i32) -> (i32, i32, i32) {
    %c0_i32 = arith.constant 0 : i32
    %c0_i32_0 = arith.constant 0 : i32
    %c0_i32_1 = arith.constant 0 : i32
    return %c0_i32, %arg0, %c0_i32_0 : i32, i32, i32
  }
  func.func @transform_1(%arg0: i32) -> (i32, i32) {
    %c0_i32 = arith.constant 0 : i32
    %c0_i32_0 = arith.constant 0 : i32
    return %arg0, %c0_i32 : i32, i32
  }
  func.func @transform_2(%arg0: i32) -> (i32, i32) {
    %c0_i32 = arith.constant 0 : i32
    %c0_i32_0 = arith.constant 0 : i32
    return %arg0, %c0_i32 : i32, i32
  }
  func.func @transform_3(%arg0: i32) -> (i32, i32) {
    %c0_i32 = arith.constant 0 : i32
    %c0_i32_0 = arith.constant 0 : i32
    return %arg0, %c0_i32 : i32, i32
  }
  func.func @transform_4(%arg0: i32) -> (i32, i32) {
    %c0_i32 = arith.constant 0 : i32
    %c0_i32_0 = arith.constant 0 : i32
    %c0_i32_1 = arith.constant 0 : i32
    return %c0_i32, %c0_i32_0 : i32, i32
  }
  func.func @transform_5(%arg0: i32) -> (i32, i32) {
    %c0_i32 = arith.constant 0 : i32
    %c0_i32_0 = arith.constant 0 : i32
    %c0_i32_1 = arith.constant 0 : i32
    return %c0_i32, %c0_i32_0 : i32, i32
  }
  func.func @transform_6(%arg0: i32) -> (i32, i32) {
    %c0_i32 = arith.constant 0 : i32
    %c0_i32_0 = arith.constant 0 : i32
    return %arg0, %c0_i32 : i32, i32
  }
}

</mosaic_0001>

<sc_bundles>
// kernel: kernel.6.cloned.1.call-start
scs
__scs_entry_jumppad:
0x0: {  	(pc) =	sbr.rel $0x88, $3  }
0x1: {  	(tag) =	ssettag $0x0;
	lr =	simm.s32 $0x1  }
0x2: {  	[smem:$0x3F9C] =	sst lr;
	_ =	strace $0xD0000000  }
0x3: {  	_ = 	snop  }
0x4: {  	_ = 	snop  }
0x5: {  	_ = 	snop  }
0x6: {  	_ = 	snop  }
0x7: {  	_ = 	snop  }
__scs_overlays_trampoline_lowered:
0x8: {  	[smem:$0x3FAB] =	sst s0  }
0x9: {  	[smem:$0x3FAC] =	sst s1  }
0xa: {  	[smem:$0x3FAD] =	sst s2  }
0xb: {  	[smem:$0x3FAE] =	sst s3  }
0xc: {  	[smem:$0x3FAF] =	sst s4  }
0xd: {  	[smem:$0x3FB0] =	sst s5  }
0xe: {  	[smem:$0x3FB1] =	sst s6  }
0xf: {  	[smem:$0x3FB2] =	sst s7  }
0x10: {  	[smem:$0x3FB3] =	sst s8  }
0x11: {  	[smem:$0x3FB4] =	sst s9;
	s0 =	simm.s32 @!p0 $0x0  }
0x12: {  	s1 =	sld [smem:$0x3F9A];
	s0 =	simm.s32 @p0 $0x1  }
0x13: {  	[smem:$0x3FB5] =	sst s0;
	s0 =	simm.s32 @!p1 $0x0  }
0x14: {  	s2 =	sld [smem:$0x3F99];
	s0 =	simm.s32 @p1 $0x1  }
0x15: {  	[smem:$0x3FB6] =	sst s0;
	s0 =	simm.s32 @!p2 $0x0  }
0x16: {  	s3 =	sld [smem:$0x3FDB];
	s0 =	simm.s32 @p2 $0x1  }
0x17: {  	s4 =	simm.s32 $0x1BF5;
	[smem:$0x3FB8] =	sst s0  }
0x18: {  	s0 =	sld [smem:$0x3F9B];
	_ =	swait.ge [sflag:s4], $0x0  }
0x19: {  	s7 =	sld [smem:$0x3F9C]  }
0x1a: {  	s8 =	sadd.s32 $0xFFFFE003, lr  }
0x1b: {  	s9 =	sadd.s32 $0xFFFFFEF7, lr;
	s5 =	simm.s32 $0xFFFFFFFF;
	p2 =	slt.u32 s8, $0xFFFFF086  }
0x1c: {  	p1 =	slt.u32 s9, $0xF7A;
	s5 =	simm.s32 @!p2 $0x0  }
0x1d: {  	s5 =	simm.s32 @p1 $0x1;
	p0 =	seq.s32 s7, s2  }
0x1e: {  	s7 =	smul.u32 @!p0 $0xF7A, s2;
	p2 =	seq.s32 @!p0 s5, $0x0  }
0x1f: {  	s9 =	smul.u32 $0xF7A, s1;
	s8 =	simm.s32 @!p0 $0x1BF5;
	p2 =	por !p2, p0  }
0x20: {  	[sflag:s8] =	ssyncset.s32 @!p0 $0xFFFFF086;
	s6 =	sadd.s32 @!p0 s3, s7;
	s7 =	simm.s32 @!p0 $0x108  }
0x21: {  	s3 =	sadd.s32 s3, s9;
	s6 =	sadd.s32 @!p0 $0x88, s6;
	s7 =	simm.s32 @p2 $0x1082  }
0x22: {  	[simem:s7], [sflag:s8] =	dma.local @!p0 [hbm:s6], $0xF7A  }
0x23: {  	s9 =	sor.u32 $0xD0000000, s2;
	s6 =	simm.s32 $0x108;
	_ =	swait.ge @!p0 [sflag:s8], $0x0  }
0x24: {  	s3 =	sadd.s32 $0x88, s3;
	s6 =	simm.s32 @!p1 $0x1082;
	[sflag:s4] =	ssyncset.s32 $0xFFFFF086  }
0x25: {  	[simem:s6], [sflag:s4] =	dma.local [hbm:s3], $0xF7A  }
0x26: {  	[smem:$0x3F9C] =	sst s1;
	(tag) =	ssettag s2;
	_ =	strace s9  }
0x27: {  	s1 =	sld [smem:$0x3FAC]  }
0x28: {  	s2 =	sld [smem:$0x3FAD]  }
0x29: {  	s4 =	sld [smem:$0x3FAF]  }
0x2a: {  	p0 =	seq.s32 s5, $0x0;
	s5 =	sld [smem:$0x3FB0]  }
0x2b: {  	s6 =	sld [smem:$0x3FB1]  }
0x2c: {  	s7 =	sld [smem:$0x3FB2]  }
0x2d: {  	s3 =	simm.s32 $0x108;
	s8 =	sld [smem:$0x3FB3]  }
0x2e: {  	s3 =	simm.s32 @!p0 $0x1082;
	s9 =	sld [smem:$0x3FB4]  }
0x2f: {  	lr =	sadd.s32 s0, s3;
	s0 =	sld [smem:$0x3FAB]  }
0x30: {  	s3 =	sld [smem:$0x3FAE]  }
0x31: {  	[smem:$0x3FB7] =	sst s10  }
0x32: {  	s10 =	sld [smem:$0x3FB5];
	_ =	sdelay $0x3  }
0x33: {  	p0 =	seq.s32 s10, $0x1;
	s10 =	sld [smem:$0x3FB7];
	_ =	sdelay $0x3  }
0x34: {  	[smem:$0x3FB7] =	sst s10  }
0x35: {  	s10 =	sld [smem:$0x3FB6];
	_ =	sdelay $0x3  }
0x36: {  	p1 =	seq.s32 s10, $0x1;
	s10 =	sld [smem:$0x3FB7];
	_ =	sdelay $0x3  }
0x37: {  	[smem:$0x3FB7] =	sst s10  }
0x38: {  	s10 =	sld [smem:$0x3FB8]  }
0x39: {  	_ = 	snop;
	(pc) =	sbr.ind lr, $3  }
0x3a: {  	_ = 	snop  }
0x3b: {  	_ = 	snop  }
0x3c: {  	p2 =	seq.s32 s10, $0x1;
	s10 =	sld [smem:$0x3FB7]  }
0x3d: {  	_ =	shalt  }
0x3e: {  	_ =	shalt  }
0x3f: {  	_ =	shalt  }
0x40: {  	_ =	shalt  }
0x41: {  	_ =	shalt  }
0x42: {  	_ =	shalt  }
0x43: {  	_ =	shalt  }
0x44: {  	_ =	shalt  }
0x45: {  	_ =	shalt  }
0x46: {  	_ =	shalt  }
0x47: {  	_ =	shalt  }
0x48: {  	_ =	shalt  }
0x49: {  	_ =	shalt  }
0x4a: {  	_ =	shalt  }
0x4b: {  	_ =	shalt  }
0x4c: {  	_ =	shalt  }
0x4d: {  	_ =	shalt  }
0x4e: {  	_ =	shalt  }
0x4f: {  	_ =	shalt  }
0x50: {  	_ =	shalt  }
0x51: {  	_ =	shalt  }
0x52: {  	_ =	shalt  }
0x53: {  	_ =	shalt  }
0x54: {  	_ =	shalt  }
0x55: {  	_ =	shalt  }
0x56: {  	_ =	shalt  }
0x57: {  	_ =	shalt  }
0x58: {  	_ =	shalt  }
0x59: {  	_ =	shalt  }
0x5a: {  	_ =	shalt  }
0x5b: {  	_ =	shalt  }
0x5c: {  	_ =	shalt  }
0x5d: {  	_ =	shalt  }
0x5e: {  	_ =	shalt  }
0x5f: {  	_ =	shalt  }
0x60: {  	_ =	shalt  }
0x61: {  	_ =	shalt  }
0x62: {  	_ =	shalt  }
0x63: {  	_ =	shalt  }
0x64: {  	_ =	shalt  }
0x65: {  	_ =	shalt  }
0x66: {  	_ =	shalt  }
0x67: {  	_ =	shalt  }
0x68: {  	_ =	shalt  }
0x69: {  	_ =	shalt  }
0x6a: {  	_ =	shalt  }
0x6b: {  	_ =	shalt  }
0x6c: {  	_ =	shalt  }
0x6d: {  	_ =	shalt  }
0x6e: {  	_ =	shalt  }
0x6f: {  	_ =	shalt  }
0x70: {  	_ =	shalt  }
0x71: {  	_ =	shalt  }
0x72: {  	_ =	shalt  }
0x73: {  	_ =	shalt  }
0x74: {  	_ =	shalt  }
0x75: {  	_ =	shalt  }
0x76: {  	_ =	shalt  }
0x77: {  	_ =	shalt  }
0x78: {  	_ =	shalt  }
0x79: {  	_ =	shalt  }
0x7a: {  	_ =	shalt  }
0x7b: {  	_ =	shalt  }
0x7c: {  	_ =	shalt  }
0x7d: {  	_ =	shalt  }
0x7e: {  	_ =	shalt  }
0x7f: {  	_ =	shalt  }
0x80: {  	_ =	shalt  }
0x81: {  	_ =	shalt  }
0x82: {  	_ =	shalt  }
0x83: {  	_ =	shalt  }
0x84: {  	_ =	shalt  }
0x85: {  	_ =	shalt  }
0x86: {  	_ =	shalt  }
0x87: {  	_ =	shalt  }
.Lfunc_end0:
.L_simem_size_0:
called_computation_lowered:
.L_overlay_start_0:
0x88: {  	s2 =	sld [smem:$0x3FD9]  }
0x89: {  	s3 =	sld [smem:$0x3FFE];
	_ =	sdelay $0x1  }
0x8a: {  	s1 =	srdreg.scid  }
0x8b: {  	s0 =	sand.u32 $0x1, s1  }
0x8c: {  	s17 =	sshll.u32 s0, $0xA;
	s2 =	sadd.s32 s3, s2  }
0x8d: {  	s2 =	sadd.s32 s2, s17  }
0x8e: {  	[smem:$0x3FC3] =	sst s2  }
0x8f: {  	_ = 	snop  }
0x90: {  	s2 =	sld [smem:$0x3FD0];
	(tm) =	ssettm $0x1  }
0x91: {  	s18 =	sld [smem:$0x3FFB];
	_ =	sdelay $0x3  }
0x92: {  	_ =	strace s18  }
0x93: {  	s3 =	sld [smem:$0x3FFC];
	_ =	sdelay $0x3  }
0x94: {  	_ =	strace s3  }
0x95: {  	s3 =	sld [smem:$0x3FFD];
	_ =	sdelay $0x3  }
0x96: {  	_ =	strace s3  }
0x97: {  	_ =	strace $0x8FFFFFFF  }
0x98: {  	s19 =	sld [smem:$0x3FDB];
	_ =	sdelay $0x1  }
0x99: {  	s4 =	simm.s32 $_scs_section_size  }
0x9a: {  	s5 =	simm.s32 $_size__tile_overlayer_lowered;
	s6 =	simm.s32 $_tile_overlayer_lowered  }
0x9b: {  	s22 =	simm.s32 $0x1BFF;
	s21 =	sshll.u32 s6, $0x1;
	s3 =	sadd.s32 s4, s19  }
0x9c: {  	s7 =	simm.s32 $0x0;
	s20 =	sshll.u32 s5, $0x1;
	s5 =	sadd.s32 s21, s3  }
0x9d: {  	[timem:s7], [sflag:s22] =	dma.local [hbm:s5], s20  }
0x9e: {  	_ =	swait.ge [sflag:s22], s20  }
0x9f: {  	s4 =	ssub.s32 $0x0, s20;
	[sflag:s22] =	ssyncset.done $0x0  }
0xa0: {  	[sflag:s22] =	ssyncadd.s32 s4;
	_ =	sdelay $0x1  }
0xa1: {  	s23 =	simm.s32 $0x1B8B  }
0xa2: {  	_ =	swait.ge [sflag:s23], $0x1  }
0xa3: {  	[sflag:s23] =	ssyncset.done $0x0  }
0xa4: {  	s25 =	simm.s32 $0x1B8E;
	s24 =	sld [smem:$0x3FFE];
	[sflag:s23] =	ssyncadd.s32 $0xFFFFFFFF  }
0xa5: {  	s26 =	simm.s32 $execute0_lowered;
	[smem:$0x3FD2] =	sst s25  }
0xa6: {  	s5 =	sshll.u32 s26, $0x1;
	_ =	strace $0x80000046;
	[dreg:$0x1] =	wrdreg $0xFFFFFFFF  }
0xa7: {  	s28 =	simm.s32 $_size_execute0_lowered;
	s3 =	sadd.s32 s3, s5;
	[dreg:$0x0] =	wrdreg $0x0  }
0xa8: {  	s5 =	sshll.u32 s28, $0x1;
	[dreg:$0x2] =	wrdreg s3  }
0xa9: {  	[dreg:$0x3] =	wrdreg s5  }
0xaa: {  	[dreg:$0x4] =	wrdreg $0xC0  }
0xab: {  	_ =	task [dreg:s7], $0x5FFFF  }
0xac: {  	[dreg:$0x1] =	wrdreg $0xFFFFFFFF  }
0xad: {  	[dreg:$0x0] =	wrdreg $0x60  }
0xae: {  	[dreg:$0x2] =	wrdreg s2  }
0xaf: {  	[dreg:$0x3] =	wrdreg s24  }
0xb0: {  	[dreg:$0x4] =	wrdreg $0x0  }
0xb1: {  	[dreg:$0x5] =	wrdreg $0x9  }
0xb2: {  	_ =	task.clear_ibuf [dreg:s7], $0x6FFFF;
	_ =	strace $0x90000046  }
0xb3: {  	s29 =	simm.s32 $0x9;
	_ =	strace $0x80000048  }
0xb4: {  	_ =	swait.ge [sflag:s29], $0x1  }
0xb5: {  	[sflag:s29] =	ssyncadd.s32 $0xFFFFFFFF  }
0xb6: {  	_ =	strace $0x90000048  }
0xb7: {  	_ =	sfence  }
0xb8: {  	s30 =	sld [smem:$0x0];
	_ =	sdelay $0x2  }
0xb9: {  	s31 =	sshll.u32 s1, $0xD;
	s1 =	sshrl.u32 s1, $0x2  }
0xba: {  	s3 =	sand.u32 $0x4000, s31;
	s1 =	sadd.s32 s1, s30  }
0xbb: {  	s0 =	sor.u32 s3, s0;
	s1 =	sshll.u32 s1, $0x11  }
0xbc: {  	s0 =	sor.u32 s1, s0  }
0xbd: {  	s0 =	sadd.s32 $0x8F2B, s0  }
0xbe: {  	[sflag:s0] =	ssyncadd.remote.s32 $0x1  }
0xbf: {  	_ =	sfence.sel $0xFFFF  }
0xc0: {  	[dreg:$0x0] =	wrdreg $0xFFFFFFFF;
	(pc) =	sbr.abs _section_cstart, $3  }
0xc1: {  	[dreg:$0x1] =	wrdreg $0xFFFFFFFF  }
0xc2: {  	_ =	task.clear_ibuf [dreg:s7], $0x2FFFF;
	_ =	strace $0x9FFFFFFF  }
0xc3: {  	(tm) =	ssettm $0x7FFFFFFF  }
tec
execute0_lowered:
.L_overlay_start_1:
0x0: {  	(tag) =	ssettag $0x1  }
0x1: {  	s5 =	rddreg [dreg:$0x0]  }
0x2: {  	s4 =	rddreg [dreg:$0x1]  }
0x3: {  	s0 =	srdreg.scid;
	s2 =	rddreg [dreg:$0x2]  }
0x4: {  	s1 =	rddreg [dreg:$0x3];
	s6 =	sand.u32 $0x1, s0  }
0x5: {  	s0 =	stileid.u32;
	s7 =	smul.u32 $0x140000, s6  }
0x6: {  	s3 =	simm.s32 $0x0;
	s11 =	simm.s32 $0x100;
	s8 =	smul.u32 $0x14000, s0  }
0x7: {  	s12 =	simm.s32 $0x2800;
	[smem:$0x7FF] =	sst s3;
	s9 =	smul.u32 $0x50000, s6  }
0x8: {  	s13 =	simm.s32 $0x5000;
	s26 =	smul.u32 $0x5000, s0;
	_ =	strace $0x80000047  }
0x9: {  	s10 =	smul.u32 $0x50000, s0;
	s28 =	ssub.s32 $0x2, s6;
	s14 =	sshll.u32 s0, $0x6  }
0xa: {  	s30 =	sshrl.u32 s28, $0x1;
	s14 =	sor.u32 $0x1C01, s14;
	s7 =	sadd.s32 s8, s7  }
0xb: {  	s29 =	sadd.s32 s26, s9;
	s31 =	sshrl.u32 s10, $0x2;
	s8 =	ssub.s32 s28, s30  }
0xc: {  	s9 =	simm.s32 $0x1;
	s7 =	sshrl.u32 s7, $0x3;
	s6 =	sshrl.u32 s29, $0x3  }
0xd: {  	s10 =	simm.s32 $0x80;
	s7 =	sadd.s32 s7, s4;
	s5 =	sadd.s32 s6, s5  }
0xe: {  	s4 =	sadd.s32 s31, s2;
	s5 =	sadd.s32 $0x10, s5;
	s6 =	sadd.s32 $0x1600, s7  }
0xf: {  	v0 =	vimm.f32 $1.000000000e+00;
	v1 =	vimm.f32 $0.0e+00;
	s7 =	smax.u32 s8, $0x1;
	s8 =	simm.s32 $0x9000;
	s15 =	sshrl.u32 s4, $0x3  }
.LBB2_1:
0x10: {  	s16 =	simm.s32 $0x0  }
.LBB2_2:
0x11: {  	p0 =	sne.s32 s16, $0xFE00  }
.Ltmp0:
0x12: {  	_ = 	snop;
	(pc) =	sbr.rel @p0 .LBB2_2-.Ltmp0, $3  }
0x13: {  	_ =	sdelay $0x1  }
0x14: {  	s17 =	sshra.s32 s16, $0x2  }
0x15: {  	s16 =	sadd.s32 $0x200, s16;
	[tilespmem:s17+$0x5000] =	vst v0  }
0x16: {  	s16 =	simm.s32 $0x200;
	s17 =	simm.s32 $0x0  }
.LBB2_4:
0x17: {  	p0 =	sne.s32 s16, $0x4FE00;
	[tilespmem:s17+$0x9000] =	vst v1;
	s17 =	smov.u32 s16;
	s16 =	sadd.s32 $0x200, s16  }
.Ltmp1:
0x18: {  	(pc) =	sbr.rel @p0 .LBB2_4-.Ltmp1, $2  }
0x19: {  	_ =	sdelay $0x2  }
0x1a: {  	s17 =	sshra.s32 s17, $0x2  }
0x1b: {  	[tilespmem:s17+$0x9000] =	vst v1  }
0x1c: {  	[spmem:s4] =	stream.linear.scatter [tilespmem:s8], [sflag:$0x1], $0x14000, $0x38;
	[tilespmem:$0x1D000] =	vst v63  }
0x1d: {  	_ =	swait.ge [sflag:s9], $0x14000  }
0x1e: {  	[sflag:s9] =	ssyncset.done $0x0  }
0x1f: {  	[sflag:s9] =	ssyncadd.s32 $0xFFFEC000  }
0x20: {  	[bflag:$0x0] =	sbarrier.arrive $0xFFFF  }
0x21: {  	[tilespmem:s12], [sflag:$0x1] =	stream.strided.gather [hbm4b:s5+s10], $0x2800, s11, s10, $0x38;
	[tilespmem:$0x1D000] =	vst v63  }
0x22: {  	_ =	swait.ge [sflag:s9], $0x2800  }
0x23: {  	[sflag:s9] =	ssyncset.done $0x0  }
0x24: {  	s16 =	simm.s32 $0x2800;
	[sflag:s9] =	ssyncadd.s32 $0xFFFFD800  }
0x25: {  	[spmem:s2] =	stream.indirect.scatter.add.f32 [tilespmem:s13], [sflag:$0x1], $0x10, s16, s10, $0xb8;
	[tilespmem:$0x1D000] =	vst v63  }
0x26: {  	s16 =	simm.s32 $0x200;
	_ =	swait.ge [sflag:s9], $0x800  }
.LBB2_6:
0x27: {  	s17 =	sshra.s32 s16, $0x2;
	[sflag:s9] =	ssyncset.done $0x0;
	p0 =	sne.s32 s16, $0x9E00  }
.Ltmp2:
0x28: {  	s17 =	sadd.s32 $0x2800, s17;
	[sflag:s9] =	ssyncadd.s32 $0xFFFFF800;
	(pc) =	sbr.rel @p0 .LBB2_6-.Ltmp2, $3  }
0x29: {  	[spmem:s2] =	stream.indirect.scatter.add.f32 [tilespmem:s13], [sflag:$0x1], $0x10, s17, s10, $0xb8;
	[tilespmem:$0x1D000] =	vst v63  }
0x2a: {  	s16 =	sadd.s32 $0x200, s16;
	_ =	sdelay $0x1  }
0x2b: {  	_ =	swait.ge [sflag:s9], $0x800  }
0x2c: {  	[sflag:s9] =	ssyncset.done $0x0;
	s3 =	sadd.s32 $0x1, s3  }
0x2d: {  	[sflag:s9] =	ssyncadd.s32 $0xFFFFF800;
	p0 =	sne.s32 s3, s7  }
.Ltmp3:
0x2e: {  	[bflag:$0x0] =	sbarrier.arrive $0xFFFF;
	(pc) =	sbr.rel @p0 .LBB2_1-.Ltmp3, $4  }
0x2f: {  	[hbm:s6], [sflag:s14] =	dma.local [spmem:s15], $0x2800  }
0x30: {  	_ =	swait.ge [sflag:s9], $0x2800  }
0x31: {  	[sflag:s9] =	ssyncset.done $0x0  }
0x32: {  	[sflag:s9] =	ssyncadd.s32 $0xFFFFD800  }
0x33: {  	_ =	sfence.sel $0x180000  }
0x34: {  	[bflag:$0x0] =	sbarrier.arrive $0xFFFF  }
0x35: {  	p0 =	sne.s32 s0, $0x0;
	_ =	strace $0x90000047  }
0x36: {  	s0 =	sadd.s32 @!p0 $0x100000, s1;
	[bflag:$0x2] =	sbarrier.arrive $0xFFFF  }
0x37: {  	[sflag:s0] =	ssyncadd.tile.s32 @!p0 $0x1;
	_ =	shalt  }
.Lfunc_end2:
_tile_overlayer_lowered:
.L_overlay_start_2:
0x38: {  	(tag) =	ssettag $0x2  }
0x39: {  	s0 =	rddreg [dreg:$0x0];
	s2 =	stileid.u32  }
0x3a: {  	s1 =	rddreg [dreg:$0x1];
	p0 =	sne.s32 s2, $0x0  }
0x3b: {  	s3 =	rddreg [dreg:$0x2];
	[bflag:$0x3] =	sbarrier.arrive $0xFFFF;
	s2 =	simm.s32 @!p0 $0x1C01  }
0x3c: {  	[timem:s3], [sflag:s2] =	dma.local @!p0 [hbm:s0], s1  }
0x3d: {  	s0 =	simm.s32 @!p0 $0x1  }
0x3e: {  	_ =	swait.ge @!p0 [sflag:s0], s1  }
0x3f: {  	s1 =	ssub.s32 @!p0 $0x0, s1;
	[sflag:s0] =	ssyncset.done @!p0 $0x0  }
0x40: {  	[sflag:s0] =	ssyncadd.s32 @!p0 s1  }
0x41: {  	[bflag:$0x3] =	sbarrier.arrive $0xFFFF  }
0x42: {  	_ =	shalt  }

// kernel: kernel.9.cloned.1.call-start
scs
__scs_entry_jumppad:
0x0: {  	(pc) =	sbr.rel $0x88, $3  }
0x1: {  	(tag) =	ssettag $0x0;
	lr =	simm.s32 $0x1  }
0x2: {  	[smem:$0x3F9C] =	sst lr;
	_ =	strace $0xD0000000  }
0x3: {  	_ = 	snop  }
0x4: {  	_ = 	snop  }
0x5: {  	_ = 	snop  }
0x6: {  	_ = 	snop  }
0x7: {  	_ = 	snop  }
__scs_overlays_trampoline_lowered:
0x8: {  	[smem:$0x3FAB] =	sst s0  }
0x9: {  	[smem:$0x3FAC] =	sst s1  }
0xa: {  	[smem:$0x3FAD] =	sst s2  }
0xb: {  	[smem:$0x3FAE] =	sst s3  }
0xc: {  	[smem:$0x3FAF] =	sst s4  }
0xd: {  	[smem:$0x3FB0] =	sst s5  }
0xe: {  	[smem:$0x3FB1] =	sst s6  }
0xf: {  	[smem:$0x3FB2] =	sst s7  }
0x10: {  	[smem:$0x3FB3] =	sst s8  }
0x11: {  	[smem:$0x3FB4] =	sst s9;
	s0 =	simm.s32 @!p0 $0x0  }
0x12: {  	s1 =	sld [smem:$0x3F9A];
	s0 =	simm.s32 @p0 $0x1  }
0x13: {  	[smem:$0x3FB5] =	sst s0;
	s0 =	simm.s32 @!p1 $0x0  }
0x14: {  	s2 =	sld [smem:$0x3F99];
	s0 =	simm.s32 @p1 $0x1  }
0x15: {  	[smem:$0x3FB6] =	sst s0;
	s0 =	simm.s32 @!p2 $0x0  }
0x16: {  	s3 =	sld [smem:$0x3FDB];
	s0 =	simm.s32 @p2 $0x1  }
0x17: {  	s4 =	simm.s32 $0x1BF5;
	[smem:$0x3FB8] =	sst s0  }
0x18: {  	s0 =	sld [smem:$0x3F9B];
	_ =	swait.ge [sflag:s4], $0x0  }
0x19: {  	s7 =	sld [smem:$0x3F9C]  }
0x1a: {  	s8 =	sadd.s32 $0xFFFFE003, lr  }
0x1b: {  	s9 =	sadd.s32 $0xFFFFFEF7, lr;
	s5 =	simm.s32 $0xFFFFFFFF;
	p2 =	slt.u32 s8, $0xFFFFF086  }
0x1c: {  	p1 =	slt.u32 s9, $0xF7A;
	s5 =	simm.s32 @!p2 $0x0  }
0x1d: {  	s5 =	simm.s32 @p1 $0x1;
	p0 =	seq.s32 s7, s2  }
0x1e: {  	s7 =	smul.u32 @!p0 $0xF7A, s2;
	p2 =	seq.s32 @!p0 s5, $0x0  }
0x1f: {  	s9 =	smul.u32 $0xF7A, s1;
	s8 =	simm.s32 @!p0 $0x1BF5;
	p2 =	por !p2, p0  }
0x20: {  	[sflag:s8] =	ssyncset.s32 @!p0 $0xFFFFF086;
	s6 =	sadd.s32 @!p0 s3, s7;
	s7 =	simm.s32 @!p0 $0x108  }
0x21: {  	s3 =	sadd.s32 s3, s9;
	s6 =	sadd.s32 @!p0 $0x88, s6;
	s7 =	simm.s32 @p2 $0x1082  }
0x22: {  	[simem:s7], [sflag:s8] =	dma.local @!p0 [hbm:s6], $0xF7A  }
0x23: {  	s9 =	sor.u32 $0xD0000000, s2;
	s6 =	simm.s32 $0x108;
	_ =	swait.ge @!p0 [sflag:s8], $0x0  }
0x24: {  	s3 =	sadd.s32 $0x88, s3;
	s6 =	simm.s32 @!p1 $0x1082;
	[sflag:s4] =	ssyncset.s32 $0xFFFFF086  }
0x25: {  	[simem:s6], [sflag:s4] =	dma.local [hbm:s3], $0xF7A  }
0x26: {  	[smem:$0x3F9C] =	sst s1;
	(tag) =	ssettag s2;
	_ =	strace s9  }
0x27: {  	s1 =	sld [smem:$0x3FAC]  }
0x28: {  	s2 =	sld [smem:$0x3FAD]  }
0x29: {  	s4 =	sld [smem:$0x3FAF]  }
0x2a: {  	p0 =	seq.s32 s5, $0x0;
	s5 =	sld [smem:$0x3FB0]  }
0x2b: {  	s6 =	sld [smem:$0x3FB1]  }
0x2c: {  	s7 =	sld [smem:$0x3FB2]  }
0x2d: {  	s3 =	simm.s32 $0x108;
	s8 =	sld [smem:$0x3FB3]  }
0x2e: {  	s3 =	simm.s32 @!p0 $0x1082;
	s9 =	sld [smem:$0x3FB4]  }
0x2f: {  	lr =	sadd.s32 s0, s3;
	s0 =	sld [smem:$0x3FAB]  }
0x30: {  	s3 =	sld [smem:$0x3FAE]  }
0x31: {  	[smem:$0x3FB7] =	sst s10  }
0x32: {  	s10 =	sld [smem:$0x3FB5];
	_ =	sdelay $0x3  }
0x33: {  	p0 =	seq.s32 s10, $0x1;
	s10 =	sld [smem:$0x3FB7];
	_ =	sdelay $0x3  }
0x34: {  	[smem:$0x3FB7] =	sst s10  }
0x35: {  	s10 =	sld [smem:$0x3FB6];
	_ =	sdelay $0x3  }
0x36: {  	p1 =	seq.s32 s10, $0x1;
	s10 =	sld [smem:$0x3FB7];
	_ =	sdelay $0x3  }
0x37: {  	[smem:$0x3FB7] =	sst s10  }
0x38: {  	s10 =	sld [smem:$0x3FB8]  }
0x39: {  	_ = 	snop;
	(pc) =	sbr.ind lr, $3  }
0x3a: {  	_ = 	snop  }
0x3b: {  	_ = 	snop  }
0x3c: {  	p2 =	seq.s32 s10, $0x1;
	s10 =	sld [smem:$0x3FB7]  }
0x3d: {  	_ =	shalt  }
0x3e: {  	_ =	shalt  }
0x3f: {  	_ =	shalt  }
0x40: {  	_ =	shalt  }
0x41: {  	_ =	shalt  }
0x42: {  	_ =	shalt  }
0x43: {  	_ =	shalt  }
0x44: {  	_ =	shalt  }
0x45: {  	_ =	shalt  }
0x46: {  	_ =	shalt  }
0x47: {  	_ =	shalt  }
0x48: {  	_ =	shalt  }
0x49: {  	_ =	shalt  }
0x4a: {  	_ =	shalt  }
0x4b: {  	_ =	shalt  }
0x4c: {  	_ =	shalt  }
0x4d: {  	_ =	shalt  }
0x4e: {  	_ =	shalt  }
0x4f: {  	_ =	shalt  }
0x50: {  	_ =	shalt  }
0x51: {  	_ =	shalt  }
0x52: {  	_ =	shalt  }
0x53: {  	_ =	shalt  }
0x54: {  	_ =	shalt  }
0x55: {  	_ =	shalt  }
0x56: {  	_ =	shalt  }
0x57: {  	_ =	shalt  }
0x58: {  	_ =	shalt  }
0x59: {  	_ =	shalt  }
0x5a: {  	_ =	shalt  }
0x5b: {  	_ =	shalt  }
0x5c: {  	_ =	shalt  }
0x5d: {  	_ =	shalt  }
0x5e: {  	_ =	shalt  }
0x5f: {  	_ =	shalt  }
0x60: {  	_ =	shalt  }
0x61: {  	_ =	shalt  }
0x62: {  	_ =	shalt  }
0x63: {  	_ =	shalt  }
0x64: {  	_ =	shalt  }
0x65: {  	_ =	shalt  }
0x66: {  	_ =	shalt  }
0x67: {  	_ =	shalt  }
0x68: {  	_ =	shalt  }
0x69: {  	_ =	shalt  }
0x6a: {  	_ =	shalt  }
0x6b: {  	_ =	shalt  }
0x6c: {  	_ =	shalt  }
0x6d: {  	_ =	shalt  }
0x6e: {  	_ =	shalt  }
0x6f: {  	_ =	shalt  }
0x70: {  	_ =	shalt  }
0x71: {  	_ =	shalt  }
0x72: {  	_ =	shalt  }
0x73: {  	_ =	shalt  }
0x74: {  	_ =	shalt  }
0x75: {  	_ =	shalt  }
0x76: {  	_ =	shalt  }
0x77: {  	_ =	shalt  }
0x78: {  	_ =	shalt  }
0x79: {  	_ =	shalt  }
0x7a: {  	_ =	shalt  }
0x7b: {  	_ =	shalt  }
0x7c: {  	_ =	shalt  }
0x7d: {  	_ =	shalt  }
0x7e: {  	_ =	shalt  }
0x7f: {  	_ =	shalt  }
0x80: {  	_ =	shalt  }
0x81: {  	_ =	shalt  }
0x82: {  	_ =	shalt  }
0x83: {  	_ =	shalt  }
0x84: {  	_ =	shalt  }
0x85: {  	_ =	shalt  }
0x86: {  	_ =	shalt  }
0x87: {  	_ =	shalt  }
.Lfunc_end0:
.L_simem_size_0:
called_computation.1_lowered:
.L_overlay_start_0:
0x88: {  	s2 =	sld [smem:$0x3FD9]  }
0x89: {  	s3 =	sld [smem:$0x3FFE];
	_ =	sdelay $0x1  }
0x8a: {  	s1 =	srdreg.scid  }
0x8b: {  	s0 =	sand.u32 $0x1, s1  }
0x8c: {  	s17 =	sshll.u32 s0, $0xA;
	s2 =	sadd.s32 s3, s2  }
0x8d: {  	s2 =	sadd.s32 s2, s17  }
0x8e: {  	[smem:$0x3FC3] =	sst s2  }
0x8f: {  	_ = 	snop  }
0x90: {  	s2 =	sld [smem:$0x3FD0];
	(tm) =	ssettm $0x1  }
0x91: {  	s18 =	sld [smem:$0x3FFB];
	_ =	sdelay $0x3  }
0x92: {  	_ =	strace s18  }
0x93: {  	s3 =	sld [smem:$0x3FFC];
	_ =	sdelay $0x3  }
0x94: {  	_ =	strace s3  }
0x95: {  	s3 =	sld [smem:$0x3FFD];
	_ =	sdelay $0x3  }
0x96: {  	_ =	strace s3  }
0x97: {  	_ =	strace $0x8FFFFFFF  }
0x98: {  	s19 =	sld [smem:$0x3FDB];
	_ =	sdelay $0x1  }
0x99: {  	s4 =	simm.s32 $_scs_section_size  }
0x9a: {  	s5 =	simm.s32 $_size__tile_overlayer_lowered;
	s6 =	simm.s32 $_tile_overlayer_lowered  }
0x9b: {  	s22 =	simm.s32 $0x1BFF;
	s21 =	sshll.u32 s6, $0x1;
	s3 =	sadd.s32 s4, s19  }
0x9c: {  	s7 =	simm.s32 $0x0;
	s20 =	sshll.u32 s5, $0x1;
	s5 =	sadd.s32 s21, s3  }
0x9d: {  	[timem:s7], [sflag:s22] =	dma.local [hbm:s5], s20  }
0x9e: {  	_ =	swait.ge [sflag:s22], s20  }
0x9f: {  	s4 =	ssub.s32 $0x0, s20;
	[sflag:s22] =	ssyncset.done $0x0  }
0xa0: {  	[sflag:s22] =	ssyncadd.s32 s4;
	_ =	sdelay $0x1  }
0xa1: {  	s23 =	simm.s32 $0x1B8B  }
0xa2: {  	_ =	swait.ge [sflag:s23], $0x1  }
0xa3: {  	[sflag:s23] =	ssyncset.done $0x0  }
0xa4: {  	s25 =	simm.s32 $0x1B8E;
	s24 =	sld [smem:$0x3FFE];
	[sflag:s23] =	ssyncadd.s32 $0xFFFFFFFF  }
0xa5: {  	s26 =	simm.s32 $execute0_lowered;
	[smem:$0x3FD2] =	sst s25  }
0xa6: {  	s5 =	sshll.u32 s26, $0x1;
	_ =	strace $0x80000049;
	[dreg:$0x1] =	wrdreg $0xFFFFFFFF  }
0xa7: {  	s28 =	simm.s32 $_size_execute0_lowered;
	s3 =	sadd.s32 s3, s5;
	[dreg:$0x0] =	wrdreg $0x0  }
0xa8: {  	s5 =	sshll.u32 s28, $0x1;
	[dreg:$0x2] =	wrdreg s3  }
0xa9: {  	[dreg:$0x3] =	wrdreg s5  }
0xaa: {  	[dreg:$0x4] =	wrdreg $0xC0  }
0xab: {  	_ =	task [dreg:s7], $0x5FFFF  }
0xac: {  	[dreg:$0x1] =	wrdreg $0xFFFFFFFF  }
0xad: {  	[dreg:$0x0] =	wrdreg $0x60  }
0xae: {  	[dreg:$0x2] =	wrdreg s2  }
0xaf: {  	[dreg:$0x3] =	wrdreg s24  }
0xb0: {  	[dreg:$0x4] =	wrdreg $0x0  }
0xb1: {  	[dreg:$0x5] =	wrdreg $0x9  }
0xb2: {  	_ =	task.clear_ibuf [dreg:s7], $0x6FFFF;
	_ =	strace $0x90000049  }
0xb3: {  	s29 =	simm.s32 $0x9;
	_ =	strace $0x8000004B  }
0xb4: {  	_ =	swait.ge [sflag:s29], $0x1  }
0xb5: {  	[sflag:s29] =	ssyncadd.s32 $0xFFFFFFFF  }
0xb6: {  	_ =	strace $0x9000004B  }
0xb7: {  	_ =	sfence  }
0xb8: {  	s30 =	sld [smem:$0x0];
	_ =	sdelay $0x2  }
0xb9: {  	s31 =	sshll.u32 s1, $0xD;
	s1 =	sshrl.u32 s1, $0x2  }
0xba: {  	s3 =	sand.u32 $0x4000, s31;
	s1 =	sadd.s32 s1, s30  }
0xbb: {  	s0 =	sor.u32 s3, s0;
	s1 =	sshll.u32 s1, $0x11  }
0xbc: {  	s0 =	sor.u32 s1, s0  }
0xbd: {  	s0 =	sadd.s32 $0x8F2B, s0  }
0xbe: {  	[sflag:s0] =	ssyncadd.remote.s32 $0x1  }
0xbf: {  	_ =	sfence.sel $0xFFFF  }
0xc0: {  	[dreg:$0x0] =	wrdreg $0xFFFFFFFF;
	(pc) =	sbr.abs _section_cstart, $3  }
0xc1: {  	[dreg:$0x1] =	wrdreg $0xFFFFFFFF  }
0xc2: {  	_ =	task.clear_ibuf [dreg:s7], $0x2FFFF;
	_ =	strace $0x9FFFFFFF  }
0xc3: {  	(tm) =	ssettm $0x7FFFFFFF  }
tec
execute0_lowered:
.L_overlay_start_1:
0x0: {  	(tag) =	ssettag $0x1  }
0x1: {  	s0 =	rddreg [dreg:$0x0]  }
0x2: {  	s2 =	rddreg [dreg:$0x1]  }
0x3: {  	s1 =	rddreg [dreg:$0x2];
	s3 =	simm.s32 $0x0  }
0x4: {  	s4 =	srdreg.scid;
	s9 =	stileid.u32;
	s28 =	simm.s32 $0x1  }
0x5: {  	s29 =	simm.s32 $0x14080;
	s30 =	simm.s32 $0x2;
	s6 =	smul.u32 $0x50000, s9  }
0x6: {  	s31 =	simm.s32 $0x14180;
	[smem:$0x7FF] =	sst s3;
	s10 =	smul.u32 $0x14000, s9  }
0x7: {  	s7 =	sand.u32 $0x1, s4;
	s4 =	sadd.s32 $0x1600, s2;
	s15 =	smul.u32 $0x5000, s9  }
0x8: {  	s2 =	sadd.s32 $0x29600, s2;
	s5 =	ssub.s32 $0x2, s7;
	s13 =	smul.u32 $0x50000, s7  }
0x9: {  	_ =	strace $0x8000004A;
	s18 =	smul.u32 $0x140000, s7;
	s8 =	sshrl.u32 s5, $0x1  }
0xa: {  	s25 =	sshrl.u32 s6, $0x2;
	s12 =	sadd.s32 $0x4000, s10;
	s14 =	sadd.s32 $0x8000, s10  }
0xb: {  	s16 =	sadd.s32 $0xC000, s10;
	s17 =	sadd.s32 $0x10000, s10;
	s11 =	ssub.s32 s5, s8  }
0xc: {  	s5 =	sadd.s32 s25, s1;
	s6 =	sadd.s32 s12, s1;
	s7 =	sadd.s32 s14, s1  }
0xd: {  	s8 =	sadd.s32 s16, s1;
	s26 =	sadd.s32 s17, s1;
	s13 =	sadd.s32 s15, s13  }
0xe: {  	s10 =	sadd.s32 s10, s18;
	s12 =	sadd.s32 s18, s12;
	s21 =	sadd.s32 s18, s14  }
0xf: {  	s22 =	sadd.s32 s18, s16;
	s23 =	sadd.s32 s18, s17;
	s17 =	simm.s32 $0x14400  }
0x10: {  	s18 =	simm.s32 $0x9;
	s14 =	simm.s32 $0x0;
	[dreg:$0x7] =	wrdreg s26  }
0x11: {  	s13 =	sshrl.u32 s13, $0x3;
	s9 =	sshrl.u32 s10, $0x3;
	[dreg:$0x4] =	wrdreg s6  }
0x12: {  	s12 =	sshrl.u32 s12, $0x3;
	s26 =	smax.u32 s11, $0x1;
	[dreg:$0x5] =	wrdreg s7  }
0x13: {  	s11 =	simm.s32 $0x14280;
	[dreg:$0x6] =	wrdreg s8;
	s10 =	sadd.s32 s0, s13  }
0x14: {  	s19 =	sadd.s32 s2, s9;
	s20 =	sadd.s32 s2, s12;
	s0 =	sshrl.u32 s21, $0x3  }
0x15: {  	s12 =	sshrl.u32 s22, $0x3;
	s13 =	sshrl.u32 s23, $0x3;
	[dreg:$0xd] =	wrdreg s26  }
0x16: {  	s21 =	simm.s32 $0x14200;
	s22 =	simm.s32 $0x14300;
	[dreg:$0x8] =	wrdreg s19  }
0x17: {  	s23 =	simm.s32 $0x3;
	s26 =	simm.s32 $0x18400;
	[dreg:$0x9] =	wrdreg s20  }
.Ltmp0:
0x18: {  	s0 =	sadd.s32 s2, s0;
	s24 =	sadd.s32 s2, s12;
	(pc) =	sbr.rel .LBB2_1-.Ltmp0, $4  }
0x19: {  	s25 =	sadd.s32 s2, s13;
	s19 =	simm.s32 $0x14000;
	[dreg:$0xa] =	wrdreg s0  }
0x1a: {  	s20 =	simm.s32 $0x14100;
	s2 =	simm.s32 $0x5;
	[dreg:$0xb] =	wrdreg s24  }
0x1b: {  	s12 =	simm.s32 $0x14380;
	s13 =	simm.s32 $0x8;
	[dreg:$0xc] =	wrdreg s25  }
0x1c: {  	v0 =	vimm.f32 $0.0e+00;
	s24 =	simm.s32 $0x80;
	s25 =	simm.s32 $0x4;
	s0 =	simm.s32 $0x7  }
.LBB2_6:
0x1d: {  	_ =	swait.ge [sflag:s13], $0x4000  }
0x1e: {  	[sflag:s13] =	ssyncset.done $0x0  }
0x1f: {  	[sflag:s13] =	ssyncadd.s32 $0xFFFFC000  }
0x20: {  	[bflag:$0x0] =	sbarrier.arrive $0xFFFF  }
0x21: {  	[tilespmem:s17], [sflag:$0x9] =	stream.linear.gather [spmem:s9], $0x4000, $0x38;
	[tilespmem:$0x1C400] =	vst v63  }
0x22: {  	_ =	swait.ge [sflag:s18], $0x4000  }
0x23: {  	[sflag:s18] =	ssyncset.done $0x0  }
0x24: {  	s6 =	rddreg [dreg:$0x8];
	[sflag:s18] =	ssyncadd.s32 $0xFFFFC000  }
0x25: {  	[hbm4b:s6+s3] =	stream.linear.scatter [tilespmem:s17], [sflag:$0x9], $0x4000, $0x38;
	[tilespmem:$0x1C400] =	vst v63  }
0x26: {  	_ =	swait.ge [sflag:s18], $0x4000  }
0x27: {  	[sflag:s18] =	ssyncset.done $0x0  }
0x28: {  	s6 =	rddreg [dreg:$0x4];
	[sflag:s18] =	ssyncadd.s32 $0xFFFFC000  }
0x29: {  	[tilespmem:s26], [sflag:$0x9] =	stream.linear.gather [spmem:s6], $0x4000, $0x38;
	[tilespmem:$0x1C400] =	vst v63  }
0x2a: {  	_ =	swait.ge [sflag:s18], $0x4000  }
0x2b: {  	[sflag:s18] =	ssyncset.done $0x0  }
0x2c: {  	s7 =	rddreg [dreg:$0x9];
	[sflag:s18] =	ssyncadd.s32 $0xFFFFC000  }
0x2d: {  	[hbm4b:s7+s3] =	stream.linear.scatter [tilespmem:s26], [sflag:$0x9], $0x4000, $0x38;
	[tilespmem:$0x1C400] =	vst v63  }
0x2e: {  	_ =	swait.ge [sflag:s18], $0x4000  }
0x2f: {  	[sflag:s18] =	ssyncset.done $0x0  }
0x30: {  	s7 =	rddreg [dreg:$0x5];
	[sflag:s18] =	ssyncadd.s32 $0xFFFFC000  }
0x31: {  	[tilespmem:s17], [sflag:$0x9] =	stream.linear.gather [spmem:s7], $0x4000, $0x38;
	[tilespmem:$0x1C400] =	vst v63  }
0x32: {  	_ =	swait.ge [sflag:s18], $0x4000  }
0x33: {  	[sflag:s18] =	ssyncset.done $0x0  }
0x34: {  	s8 =	rddreg [dreg:$0xa];
	[sflag:s18] =	ssyncadd.s32 $0xFFFFC000  }
0x35: {  	[hbm4b:s8+s3] =	stream.linear.scatter [tilespmem:s17], [sflag:$0x9], $0x4000, $0x38;
	[tilespmem:$0x1C400] =	vst v63  }
0x36: {  	_ =	swait.ge [sflag:s18], $0x4000  }
0x37: {  	[sflag:s18] =	ssyncset.done $0x0  }
0x38: {  	s8 =	rddreg [dreg:$0x6];
	[sflag:s18] =	ssyncadd.s32 $0xFFFFC000  }
0x39: {  	[tilespmem:s26], [sflag:$0x9] =	stream.linear.gather [spmem:s8], $0x4000, $0x38;
	[tilespmem:$0x1C400] =	vst v63  }
0x3a: {  	_ =	swait.ge [sflag:s18], $0x4000  }
0x3b: {  	[sflag:s18] =	ssyncset.done $0x0  }
0x3c: {  	s15 =	rddreg [dreg:$0xb];
	[sflag:s18] =	ssyncadd.s32 $0xFFFFC000  }
0x3d: {  	[hbm4b:s15+s3] =	stream.linear.scatter [tilespmem:s26], [sflag:$0x9], $0x4000, $0x38;
	[tilespmem:$0x1C400] =	vst v63  }
0x3e: {  	_ =	swait.ge [sflag:s18], $0x4000  }
0x3f: {  	[sflag:s18] =	ssyncset.done $0x0  }
0x40: {  	s16 =	rddreg [dreg:$0x7];
	[sflag:s18] =	ssyncadd.s32 $0xFFFFC000  }
0x41: {  	[tilespmem:s17], [sflag:$0x9] =	stream.linear.gather [spmem:s16], $0x4000, $0x38;
	[tilespmem:$0x1C400] =	vst v63  }
0x42: {  	_ =	swait.ge [sflag:s18], $0x4000  }
0x43: {  	[sflag:s18] =	ssyncset.done $0x0  }
0x44: {  	s15 =	rddreg [dreg:$0xc];
	[sflag:s18] =	ssyncadd.s32 $0xFFFFC000  }
0x45: {  	[hbm4b:s15+s3] =	stream.linear.scatter [tilespmem:s17], [sflag:$0x9], $0x4000, $0x38;
	[tilespmem:$0x1C400] =	vst v63  }
0x46: {  	_ =	swait.ge [sflag:s18], $0x4000  }
0x47: {  	s14 =	sadd.s32 $0x1, s14;
	s16 =	rddreg [dreg:$0xd]  }
0x48: {  	p0 =	sne.s32 s14, s16  }
.Ltmp1:
0x49: {  	_ = 	snop;
	(pc) =	sbr.rel @!p0 .LBB2_7-.Ltmp1, $3  }
0x4a: {  	_ =	sdelay $0x1  }
0x4b: {  	[sflag:s18] =	ssyncset.done $0x0  }
0x4c: {  	s5 =	smov.u32 s9;
	[sflag:s18] =	ssyncadd.s32 $0xFFFFC000  }
.LBB2_1:
0x4d: {  	s15 =	simm.s32 $0x0;
	s16 =	simm.s32 $0x200  }
.LBB2_2:
0x4e: {  	p0 =	sne.s32 s16, $0xFE00;
	[tilespmem:s15+$0x14470] =	vst v0  }
0x4f: {  	[tilespmem:s15+$0x14400] =	vst v0  }
0x50: {  	[tilespmem:s15+$0x14410] =	vst v0  }
.Ltmp2:
0x51: {  	[tilespmem:s15+$0x14420] =	vst v0;
	(pc) =	sbr.rel @p0 .LBB2_2-.Ltmp2, $4  }
0x52: {  	[tilespmem:s15+$0x14430] =	vst v0  }
0x53: {  	[tilespmem:s15+$0x14440] =	vst v0  }
0x54: {  	[tilespmem:s15+$0x14450] =	vst v0  }
0x55: {  	[tilespmem:s15+$0x14460] =	vst v0;
	s15 =	sshra.s32 s16, $0x2;
	s16 =	sadd.s32 $0x200, s16  }
0x56: {  	[tilespmem:s15+$0x14470] =	vst v0  }
0x57: {  	[tilespmem:s15+$0x14400] =	vst v0  }
0x58: {  	[tilespmem:s15+$0x14410] =	vst v0  }
0x59: {  	[tilespmem:s15+$0x14420] =	vst v0  }
0x5a: {  	[tilespmem:s15+$0x14430] =	vst v0  }
0x5b: {  	[tilespmem:s15+$0x14440] =	vst v0  }
0x5c: {  	[tilespmem:s15+$0x14450] =	vst v0  }
0x5d: {  	[tilespmem:s15+$0x14460] =	vst v0  }
0x5e: {  	[spmem:s5] =	stream.linear.scatter [tilespmem:s17], [sflag:$0x9], $0x4000, $0x38;
	[tilespmem:$0x1C400] =	vst v63  }
0x5f: {  	_ =	swait.ge [sflag:s18], $0x4000  }
0x60: {  	[sflag:s18] =	ssyncset.done $0x0  }
0x61: {  	[sflag:s18] =	ssyncadd.s32 $0xFFFFC000  }
0x62: {  	[spmem:s6] =	stream.linear.scatter [tilespmem:s17], [sflag:$0x9], $0x4000, $0x38;
	[tilespmem:$0x1C400] =	vst v63  }
0x63: {  	_ =	swait.ge [sflag:s18], $0x4000  }
0x64: {  	[sflag:s18] =	ssyncset.done $0x0  }
0x65: {  	[sflag:s18] =	ssyncadd.s32 $0xFFFFC000  }
0x66: {  	[spmem:s7] =	stream.linear.scatter [tilespmem:s17], [sflag:$0x9], $0x4000, $0x38;
	[tilespmem:$0x1C400] =	vst v63  }
0x67: {  	_ =	swait.ge [sflag:s18], $0x4000  }
0x68: {  	[sflag:s18] =	ssyncset.done $0x0  }
0x69: {  	[sflag:s18] =	ssyncadd.s32 $0xFFFFC000  }
0x6a: {  	[spmem:s8] =	stream.linear.scatter [tilespmem:s17], [sflag:$0x9], $0x4000, $0x38;
	[tilespmem:$0x1C400] =	vst v63  }
0x6b: {  	_ =	swait.ge [sflag:s18], $0x4000  }
0x6c: {  	[sflag:s18] =	ssyncset.done $0x0  }
0x6d: {  	s6 =	rddreg [dreg:$0x7];
	[sflag:s18] =	ssyncadd.s32 $0xFFFFC000  }
0x6e: {  	[spmem:s6] =	stream.linear.scatter [tilespmem:s17], [sflag:$0x9], $0x4000, $0x38;
	[tilespmem:$0x1C400] =	vst v63  }
0x6f: {  	_ =	swait.ge [sflag:s18], $0x4000  }
0x70: {  	[sflag:s18] =	ssyncset.done $0x0  }
0x71: {  	[sflag:s18] =	ssyncadd.s32 $0xFFFFC000  }
0x72: {  	[bflag:$0x0] =	sbarrier.arrive $0xFFFF  }
0x73: {  	[tilespmem:s19], [sflag:$0x3] =	stream.linear.gather [hbm4b:s10+s3], $0x100, $0x38;
	[tilespmem:$0x1C400] =	vst v63  }
0x74: {  	s7 =	sadd.s32 $0x20, s10  }
0x75: {  	[tilespmem:s20], [sflag:$0x4] =	stream.linear.gather [hbm4b:s7+s3], $0x100, $0x38;
	[tilespmem:$0x1C400] =	vst v63  }
0x76: {  	s8 =	sadd.s32 $0x40, s10  }
0x77: {  	[tilespmem:s21], [sflag:$0x5] =	stream.linear.gather [hbm4b:s8+s3], $0x100, $0x38;
	[tilespmem:$0x1C400] =	vst v63  }
0x78: {  	s16 =	sadd.s32 $0x60, s10  }
0x79: {  	[tilespmem:s22], [sflag:$0x6] =	stream.linear.gather [hbm4b:s16+s3], $0x100, $0x38;
	[tilespmem:$0x1C400] =	vst v63  }
0x7a: {  	_ =	swait.ge [sflag:s23], $0x100  }
0x7b: {  	[sflag:s23] =	ssyncset.done $0x0  }
0x7c: {  	[sflag:s23] =	ssyncadd.s32 $0xFFFFFF00  }
0x7d: {  	[tilespmem:s17], [sflag:$0x1] =	stream.indirect.gather [hbm4b:s4+s24], $0x80, s19, s24, $0xb8;
	[tilespmem:$0x1C400] =	vst v63  }
0x7e: {  	_ =	swait.ge [sflag:s25], $0x100  }
0x7f: {  	[sflag:s25] =	ssyncset.done $0x0  }
0x80: {  	s9 =	smov.u32 s5;
	s15 =	simm.s32 $0xFFFFF680;
	[sflag:s25] =	ssyncadd.s32 $0xFFFFFF00  }
0x81: {  	[tilespmem:s26], [sflag:$0x2] =	stream.indirect.gather [hbm4b:s4+s24], $0x80, s20, s24, $0xb8;
	[tilespmem:$0x1C400] =	vst v63  }
.LBB2_4:
0x82: {  	_ =	swait.ge [sflag:s28], $0x4000  }
0x83: {  	[sflag:s28] =	ssyncset.done $0x0  }
0x84: {  	[sflag:s28] =	ssyncadd.s32 $0xFFFFC000  }
0x85: {  	[spmem:s1] =	stream.indirect.scatter.add.f32 [tilespmem:s17], [sflag:$0x7], $0x80, s29, s24, $0xb8;
	[tilespmem:$0x1C400] =	vst v63  }
0x86: {  	_ =	swait.ge [sflag:s30], $0x4000  }
0x87: {  	[sflag:s30] =	ssyncset.done $0x0  }
0x88: {  	[sflag:s30] =	ssyncadd.s32 $0xFFFFC000  }
0x89: {  	[spmem:s1] =	stream.indirect.scatter.add.f32 [tilespmem:s26], [sflag:$0x8], $0x80, s31, s24, $0xb8;
	[tilespmem:$0x1C400] =	vst v63  }
0x8a: {  	_ =	swait.ge [sflag:s0], $0x4000  }
0x8b: {  	[sflag:s0] =	ssyncset.done $0x0  }
0x8c: {  	[sflag:s0] =	ssyncadd.s32 $0xFFFFC000  }
0x8d: {  	_ =	swait.ge [sflag:s2], $0x100  }
0x8e: {  	p0 =	seq.s32 s15, $0x0;
	[sflag:s2] =	ssyncset.done $0x0  }
0x8f: {  	s16 =	simm.s32 @p0 $0x8;
	[sflag:s2] =	ssyncadd.s32 $0xFFFFFF00  }
0x90: {  	[tilespmem:s17], [sflag:$0x1] =	stream.indirect.gather [hbm4b:s4+s24], $0x80, s21, s24, $0xb8;
	[tilespmem:$0x1C400] =	vst v63  }
0x91: {  	_ =	swait.ge @p0 [sflag:s16], $0x4000  }
0x92: {  	[sflag:s16] =	ssyncset.done @p0 $0x0  }
0x93: {  	[sflag:s16] =	ssyncadd.s32 @p0 $0xFFFFC000;
	s16 =	simm.s32 @p0 $0x6  }
0x94: {  	_ =	swait.ge @p0 [sflag:s16], $0x100  }
0x95: {  	s5 =	simm.s32 @p0 $0x14300;
	[sflag:s16] =	ssyncset.done @p0 $0x0  }
0x96: {  	s6 =	simm.s32 @p0 $0x18400;
	[sflag:s16] =	ssyncadd.s32 @p0 $0xFFFFFF00;
	s16 =	simm.s32 @p0 $0x80  }
0x97: {  	[tilespmem:s6], [sflag:$0x2] =	stream.indirect.gather @p0 [hbm4b:s4+s16], $0x80, s5, s16, $0xb8;
	[tilespmem:$0x1C400] =	vst v63  }
0x98: {  	s5 =	sadd.s32 @!p0 s15, s10  }
0x99: {  	s7 =	simm.s32 @!p0 $0x14000;
	s16 =	simm.s32 @!p0 $0x0;
	s6 =	sadd.s32 @!p0 $0xA00, s5  }
0x9a: {  	[tilespmem:s7], [sflag:$0x3] =	stream.linear.gather @!p0 [hbm4b:s6+s16], $0x100, $0x38;
	[tilespmem:$0x1C400] =	vst v63  }
0x9b: {  	s6 =	simm.s32 @!p0 $0x8  }
0x9c: {  	_ =	swait.ge @!p0 [sflag:s6], $0x4000  }
0x9d: {  	[sflag:s6] =	ssyncset.done @!p0 $0x0  }
0x9e: {  	[sflag:s6] =	ssyncadd.s32 @!p0 $0xFFFFC000;
	s6 =	simm.s32 @!p0 $0x6  }
0x9f: {  	_ =	swait.ge @!p0 [sflag:s6], $0x100  }
0xa0: {  	s8 =	simm.s32 @!p0 $0x18400;
	[sflag:s6] =	ssyncset.done @!p0 $0x0  }
0xa1: {  	s7 =	simm.s32 @!p0 $0x14300;
	[sflag:s6] =	ssyncadd.s32 @!p0 $0xFFFFFF00;
	s6 =	simm.s32 @!p0 $0x80  }
0xa2: {  	[tilespmem:s8], [sflag:$0x2] =	stream.indirect.gather @!p0 [hbm4b:s4+s6], $0x80, s7, s6, $0xb8;
	[tilespmem:$0x1C400] =	vst v63  }
0xa3: {  	s5 =	sadd.s32 @!p0 $0xA20, s5;
	s6 =	simm.s32 @!p0 $0x14100  }
0xa4: {  	[tilespmem:s6], [sflag:$0x4] =	stream.linear.gather @!p0 [hbm4b:s5+s16], $0x100, $0x38;
	[tilespmem:$0x1C400] =	vst v63  }
0xa5: {  	_ =	swait.ge [sflag:s28], $0x4000  }
0xa6: {  	[sflag:s28] =	ssyncset.done $0x0  }
0xa7: {  	[sflag:s28] =	ssyncadd.s32 $0xFFFFC000  }
0xa8: {  	[spmem:s1] =	stream.indirect.scatter.add.f32 [tilespmem:s17], [sflag:$0x7], $0x80, s11, s24, $0xb8;
	[tilespmem:$0x1C400] =	vst v63  }
0xa9: {  	_ =	swait.ge [sflag:s30], $0x4000  }
0xaa: {  	[sflag:s30] =	ssyncset.done $0x0  }
.Ltmp3:
0xab: {  	[sflag:s30] =	ssyncadd.s32 $0xFFFFC000;
	(pc) =	sbr.rel @p0 .LBB2_6-.Ltmp3, $4  }
0xac: {  	[spmem:s1] =	stream.indirect.scatter.add.f32 [tilespmem:s26], [sflag:$0x8], $0x80, s12, s24, $0xb8;
	[tilespmem:$0x1C400] =	vst v63  }
0xad: {  	_ =	swait.ge [sflag:s0], $0x4000  }
0xae: {  	[sflag:s0] =	ssyncset.done $0x0  }
0xaf: {  	[sflag:s0] =	ssyncadd.s32 $0xFFFFC000  }
0xb0: {  	_ =	swait.ge [sflag:s23], $0x100  }
0xb1: {  	[sflag:s23] =	ssyncset.done $0x0  }
0xb2: {  	s5 =	sadd.s32 s15, s10;
	[sflag:s23] =	ssyncadd.s32 $0xFFFFFF00  }
0xb3: {  	[tilespmem:s17], [sflag:$0x1] =	stream.indirect.gather [hbm4b:s4+s24], $0x80, s19, s24, $0xb8;
	[tilespmem:$0x1C400] =	vst v63  }
0xb4: {  	s6 =	sadd.s32 $0xA40, s5  }
0xb5: {  	[tilespmem:s21], [sflag:$0x5] =	stream.linear.gather [hbm4b:s6+s3], $0x100, $0x38;
	[tilespmem:$0x1C400] =	vst v63  }
0xb6: {  	_ =	swait.ge [sflag:s13], $0x4000  }
0xb7: {  	[sflag:s13] =	ssyncset.done $0x0  }
0xb8: {  	[sflag:s13] =	ssyncadd.s32 $0xFFFFC000  }
0xb9: {  	_ =	swait.ge [sflag:s25], $0x100  }
.Ltmp4:
0xba: {  	[sflag:s25] =	ssyncset.done $0x0;
	(pc) =	sbr.rel .LBB2_4-.Ltmp4, $4  }
0xbb: {  	[sflag:s25] =	ssyncadd.s32 $0xFFFFFF00  }
0xbc: {  	[tilespmem:s26], [sflag:$0x2] =	stream.indirect.gather [hbm4b:s4+s24], $0x80, s20, s24, $0xb8;
	[tilespmem:$0x1C400] =	vst v63  }
0xbd: {  	s15 =	sadd.s32 $0x80, s15;
	s5 =	sadd.s32 $0xA60, s5  }
0xbe: {  	[tilespmem:s22], [sflag:$0x6] =	stream.linear.gather [hbm4b:s5+s3], $0x100, $0x38;
	[tilespmem:$0x1C400] =	vst v63  }
.LBB2_7:
0xbf: {  	_ =	sfence.sel $0x180000  }
0xc0: {  	[bflag:$0x0] =	sbarrier.arrive $0xFFFF  }
0xc1: {  	_ =	strace $0x9000004A  }
0xc2: {  	s0 =	stileid.u32;
	[bflag:$0x2] =	sbarrier.arrive $0xFFFF  }
0xc3: {  	p0 =	sne.s32 s0, $0x0;
	s0 =	rddreg [dreg:$0x3]  }
0xc4: {  	s0 =	sadd.s32 @!p0 $0x100000, s0  }
0xc5: {  	[sflag:s0] =	ssyncadd.tile.s32 @!p0 $0x1;
	_ =	shalt  }
.Lfunc_end2:
_tile_overlayer_lowered:
.L_overlay_start_2:
0xc6: {  	(tag) =	ssettag $0x2  }
0xc7: {  	s0 =	rddreg [dreg:$0x0];
	s2 =	stileid.u32  }
0xc8: {  	s1 =	rddreg [dreg:$0x1];
	p0 =	sne.s32 s2, $0x0  }
0xc9: {  	s3 =	rddreg [dreg:$0x2];
	[bflag:$0x3] =	sbarrier.arrive $0xFFFF;
	s2 =	simm.s32 @!p0 $0x1C09  }
0xca: {  	[timem:s3], [sflag:s2] =	dma.local @!p0 [hbm:s0], s1  }
0xcb: {  	s0 =	simm.s32 @!p0 $0x9  }
0xcc: {  	_ =	swait.ge @!p0 [sflag:s0], s1  }
0xcd: {  	s1 =	ssub.s32 @!p0 $0x0, s1;
	[sflag:s0] =	ssyncset.done @!p0 $0x0  }
0xce: {  	[sflag:s0] =	ssyncadd.s32 @!p0 s1  }
0xcf: {  	[bflag:$0x3] =	sbarrier.arrive $0xFFFF  }
0xd0: {  	_ =	shalt  }

</sc_bundles>
